<compile_context>
chip_gen: v7x
topology: tpu7x:2x2x1
jax: 0.10.2.dev20260603
libtpu: 0.0.44.dev20260713+nightly
codegen_flags: <defaults>
</compile_context>

<pallas_src>
import functools

import jax
import jax.numpy as jnp
from jax import lax
from jax.experimental import pallas as pl
from jax.experimental.pallas import tpu as pltpu
from jax.experimental.pallas import tpu_sc as plsc

NC = 2
NS = 16
NW = NC * NS
CHUNK = 128


NBUF = 4


def _build_sc_scatter(npad, d, cd, gather):
  mesh = plsc.VectorSubcoreMesh(core_axis_name="c", subcore_axis_name="s")
  rpt = npad // NS

  nbuf = 2 if gather else 1
  nsem = 2 if gather else NBUF
  scratch = [
      pltpu.VMEM((cd, CHUNK), jnp.int32),
      pltpu.VMEM((cd, CHUNK), jnp.int32),
  ] + [pltpu.VMEM((CHUNK, d), jnp.float32) for _ in range(nbuf)] + [
      pltpu.VMEM_SHARED((npad, d), jnp.float32),
      pltpu.VMEM_SHARED((npad, d), jnp.float32),
  ] + [pltpu.SemaphoreType.DMA for _ in range(nsem)]

  @functools.partial(
      pl.kernel,
      mesh=mesh,
      out_type=jax.ShapeDtypeStruct((NC, npad, d), jnp.float32),
      scratch_types=scratch,
      compiler_params=pltpu.CompilerParams(use_tc_tiling_on_sc=False),
  )
  def k(u_hbm, src_hbm, dst_hbm, zeros_hbm, out_hbm, idx_s, idx_d, *rest):
    buf = rest[:nbuf]
    ush, acc = rest[nbuf], rest[nbuf + 1]
    sem = rest[nbuf + 2:]
    cid = lax.axis_index("c")
    sid = lax.axis_index("s")
    wid = cid * NS + sid
    r0 = sid * rpt
    pltpu.sync_copy(zeros_hbm.at[pl.ds(r0, rpt)], acc.at[pl.ds(r0, rpt)])
    pltpu.sync_copy(dst_hbm.at[wid], idx_d)
    if gather:
      pltpu.sync_copy(u_hbm.at[pl.ds(r0, rpt)], ush.at[pl.ds(r0, rpt)])
      pltpu.sync_copy(src_hbm.at[wid], idx_s)
    else:
      pltpu.sync_copy(u_hbm, buf[0])
    plsc.subcore_barrier()

    if gather:
      buf0, buf1 = buf
      sem0, sem1 = sem
      pltpu.async_copy(ush.at[idx_s.at[0]], buf0, sem0)
      pltpu.async_copy(ush.at[idx_s.at[1]], buf1, sem1)

      @pl.loop(0, cd - 2, step=2)
      def _(g):
        pltpu.make_async_copy(ush.at[idx_s.at[g]], buf0, sem0).wait()
        pltpu.sync_copy(buf0, acc.at[idx_d.at[g]], add=True)
        pltpu.async_copy(ush.at[idx_s.at[g + 2]], buf0, sem0)
        pltpu.make_async_copy(ush.at[idx_s.at[g + 1]], buf1, sem1).wait()
        pltpu.sync_copy(buf1, acc.at[idx_d.at[g + 1]], add=True)
        pltpu.async_copy(ush.at[idx_s.at[g + 3]], buf1, sem1)

      pltpu.make_async_copy(ush.at[idx_s.at[cd - 2]], buf0, sem0).wait()
      pltpu.sync_copy(buf0, acc.at[idx_d.at[cd - 2]], add=True)
      pltpu.make_async_copy(ush.at[idx_s.at[cd - 1]], buf1, sem1).wait()
      pltpu.sync_copy(buf1, acc.at[idx_d.at[cd - 1]], add=True)
    else:
      for b in range(NBUF):
        pltpu.async_copy(buf[0], acc.at[idx_d.at[b]], sem[b], add=True)

      @pl.loop(0, cd, step=NBUF)
      def _(g):
        for b in range(NBUF):
          pltpu.make_async_copy(buf[0], acc.at[idx_d.at[g + b]],
                                sem[b]).wait()

          @pl.when(g + NBUF + b < cd)
          def _():
            pltpu.async_copy(buf[0], acc.at[idx_d.at[g + NBUF + b]],
                             sem[b], add=True)

    plsc.subcore_barrier()
    pltpu.sync_copy(acc.at[pl.ds(r0, rpt)],
                    out_hbm.at[cid].at[pl.ds(r0, rpt)])

  return k


def _pre_body(n, npad, h, degp, x, w0, dinv_out, u0_out):
  deg = degp[0, :, 0:1] + degp[1, :, 0:1] + 1.0
  dinv_b = jnp.broadcast_to(lax.rsqrt(deg), (npad, h))
  dinv_out[...] = dinv_b
  u0_out[...] = jnp.dot(x[...], w0[...],
                        preferred_element_type=jnp.float32) * dinv_b


def _mid_body(n, npad, sp, u, dinv, bvec, g, bt, wn, out):
  rows = lax.broadcasted_iota(jnp.int32, (npad, 1), 0)
  rmask = rows < n
  h_ = dinv[...] * (sp[0] + sp[1] + u[...]) + bvec[...]
  h_ = jnp.where(rmask, jnp.maximum(h_, 0.0), 0.0)
  mu = jnp.sum(h_, axis=0, keepdims=True) / n
  d0 = jnp.where(rmask, h_ - mu, 0.0)
  var = jnp.sum(d0 * d0, axis=0, keepdims=True) / n
  hn = (h_ - mu) * lax.rsqrt(var + 1e-5) * g[...] + bt[...]
  un = jnp.dot(hn, wn[...], preferred_element_type=jnp.float32) * dinv[...]
  out[...] = jnp.where(rmask, un, 0.0)


def _fin_body(n, npad, gn, c, sp, u, dinv, bvec, batch, yv, fw1, fb1, fw2,
              fb2, minv, midx, loss, maxp_ref):
  rows = lax.broadcasted_iota(jnp.int32, (npad, 1), 0)
  rmask = rows < n
  h_ = dinv[...] * (sp[0] + sp[1] + u[...]) + bvec[...]
  h_ = jnp.where(rmask, jnp.maximum(h_, 0.0), 0.0)

  gids = lax.broadcasted_iota(jnp.int32, (1, gn), 1)
  mf = (batch[...] == gids).astype(jnp.float32)
  counts = jnp.sum(mf, axis=0, keepdims=True)
  sums = lax.dot_general(mf, h_, (((0,), (0,)), ((), ())),
                         preferred_element_type=jnp.float32)
  meanp = sums / jnp.maximum(counts, 1.0).reshape(gn, 1)

  def mx(gi, carry):
    mg = batch[...] == gi
    maxp_ref[pl.ds(gi, 1), :] = jnp.max(
        jnp.where(mg, h_, -jnp.inf), axis=0, keepdims=True)
    return carry

  lax.fori_loop(0, gn, mx, 0)
  maxp = maxp_ref[...]

  gx = jnp.concatenate([meanp, maxp], axis=1)
  hfc = jnp.maximum(
      jnp.dot(gx, fw1[...], preferred_element_type=jnp.float32) + fb1[...],
      0.0)
  logits = jnp.dot(hfc, fw2[...],
                   preferred_element_type=jnp.float32) + fb2[...]
  lmax = jnp.max(logits, axis=1, keepdims=True)
  lse = jnp.log(jnp.sum(jnp.exp(logits - lmax), axis=1, keepdims=True))
  ls = logits - lmax - lse

  ysel = yv[...].reshape(gn, 1) == lax.broadcasted_iota(jnp.int32, (gn, c), 1)
  picked = jnp.sum(jnp.where(ysel, ls, 0.0), axis=1, keepdims=True)
  loss[...] = -jnp.sum(picked, axis=0, keepdims=True) / gn

  sm = jnp.exp(ls)
  mv = jnp.min(sm, axis=0, keepdims=True)
  minv[...] = mv
  ridx = lax.broadcasted_iota(jnp.int32, (gn, c), 0)
  midx[...] = jnp.min(jnp.where(sm == mv, ridx, jnp.int32(2**30)), axis=0,
                      keepdims=True)


def kernel(x, edge_index, batch, y, W0, b0, W1, b1, W2, b2, bn0_g, bn0_b,
           bn1_g, bn1_b, fc1_W, fc1_b, fc2_W, fc2_b):
  n, d_in = x.shape
  h = W0.shape[1]
  gn = y.shape[0]
  c = fc2_W.shape[1]
  e = edge_index.shape[1]

  npad = ((n + NS * 16 - 1) // (NS * 16)) * (NS * 16)
  cd = -(-e // (NW * CHUNK))
  cd += (-cd) % NBUF
  etot = NW * cd * CHUNK

  pad_e = etot - e
  src3 = jnp.concatenate(
      [edge_index[0], jnp.full((pad_e,), n, jnp.int32)]).reshape(NW, cd, CHUNK)
  dst3 = jnp.concatenate(
      [edge_index[1], jnp.full((pad_e,), n, jnp.int32)]).reshape(NW, cd, CHUNK)
  zeros_nd = jnp.zeros((npad, h), jnp.float32)
  zeros_d8 = jnp.zeros((npad, 8), jnp.float32)
  ones_chunk = jnp.ones((CHUNK, 8), jnp.float32)
  x_pad = jnp.pad(x, ((0, npad - n), (0, 0)))
  batch_pad = jnp.pad(batch, (0, npad - n),
                      constant_values=gn).reshape(npad, 1)

  sc_deg = _build_sc_scatter(npad, 8, cd, gather=False)
  sc_agg = _build_sc_scatter(npad, h, cd, gather=True)

  def tc(body, out_shape, *args):
    return pl.pallas_call(body, out_shape=out_shape)(*args)

  degp = sc_deg(ones_chunk, src3, dst3, zeros_d8)
  nd = jax.ShapeDtypeStruct((npad, h), jnp.float32)
  dinv_b, u0 = tc(functools.partial(_pre_body, n, npad, h), (nd, nd),
                  degp, x_pad, W0)

  sp0 = sc_agg(u0, src3, dst3, zeros_nd)
  u1 = tc(functools.partial(_mid_body, n, npad), nd,
          sp0, u0, dinv_b, b0.reshape(1, h), bn0_g.reshape(1, h),
          bn0_b.reshape(1, h), W1)

  sp1 = sc_agg(u1, src3, dst3, zeros_nd)
  u2 = tc(functools.partial(_mid_body, n, npad), nd,
          sp1, u1, dinv_b, b1.reshape(1, h), bn1_g.reshape(1, h),
          bn1_b.reshape(1, h), W2)

  sp2 = sc_agg(u2, src3, dst3, zeros_nd)
  minv, midx, loss = pl.pallas_call(
      functools.partial(_fin_body, n, npad, gn, c),
      out_shape=(jax.ShapeDtypeStruct((1, c), jnp.float32),
                 jax.ShapeDtypeStruct((1, c), jnp.int32),
                 jax.ShapeDtypeStruct((1, 1), jnp.float32)),
      scratch_shapes=[pltpu.VMEM((gn, h), jnp.float32)],
  )(sp2, u2, dinv_b, b2.reshape(1, h), batch_pad, y.reshape(1, gn),
    fc1_W, fc1_b.reshape(1, h), fc2_W, fc2_b.reshape(1, c))

  return (minv.reshape(c), midx.reshape(c), loss.reshape(()))

# --- scband reference (transcript-rebuilt; emitter-appended) ---
"""Pipeline reference for scband-ms-droid-18348100289082 (READ-ONLY COPY).

The authoritative reference and input builder live on the scoring server;
editing this copy changes nothing except your own understanding.
"""

import jax, jax.numpy as jnp
import numpy as np

N = 10000
E = 320000
D_IN = 128
H = 64
G = 64
C = 2

def _glorot(k, shape):
    lim = float(np.sqrt(6.0 / (shape[0] + shape[1])))
    return jax.random.uniform(k, shape, dtype=jnp.float32, minval=-lim, maxval=lim)

def setup_inputs(seed: int = 0):
    key = jax.random.key(seed)
    ks = jax.random.split(key, 16)
    x = jax.random.normal(ks[0], (N, D_IN), dtype=jnp.float32)
    edge_index = jax.random.randint(ks[1], (2, E), 0, N, dtype=jnp.int32)
    batch = jnp.sort(jax.random.randint(ks[2], (N,), 0, G, dtype=jnp.int32))
    y = jax.random.randint(ks[3], (G,), 0, C, dtype=jnp.int32)
    return {
        'x': x, 'edge_index': edge_index, 'batch': batch, 'y': y,
        'W0': _glorot(ks[4], (D_IN, H)), 'b0': jnp.zeros((H,), jnp.float32),
        'W1': _glorot(ks[5], (H, H)), 'b1': jnp.zeros((H,), jnp.float32),
        'W2': _glorot(ks[6], (H, H)), 'b2': jnp.zeros((H,), jnp.float32),
        'bn0_g': jnp.ones((H,), jnp.float32), 'bn0_b': jnp.zeros((H,), jnp.float32),
        'bn1_g': jnp.ones((H,), jnp.float32), 'bn1_b': jnp.zeros((H,), jnp.float32),
        'fc1_W': _glorot(ks[7], (2 * H, H)), 'fc1_b': jnp.zeros((H,), jnp.float32),
        'fc2_W': _glorot(ks[8], (H, C)), 'fc2_b': jnp.zeros((C,), jnp.float32),
    }

def reference(x, edge_index, batch, y, W0, b0, W1, b1, W2, b2, bn0_g, bn0_b, bn1_g, bn1_b, fc1_W, fc1_b, fc2_W, fc2_b):
    n = x.shape[0]
    Gn = y.shape[0]
    loop = jnp.arange(n, dtype=edge_index.dtype)
    src = jnp.concatenate([edge_index[0], loop])
    dst = jnp.concatenate([edge_index[1], loop])
    deg = jnp.zeros((n,), jnp.float32).at[dst].add(1.0)
    dinv = jnp.where(deg > 0, 1.0 / jnp.sqrt(deg), 0.0)
    norm = dinv[src] * dinv[dst]

    def conv(h, W, b):
        m = h @ W
        out = jnp.zeros((n, W.shape[1]), jnp.float32).at[dst].add(norm[:, None] * m[src])
        return out + b

    def bn(h, g, bt):
        mu = h.mean(axis=0)
        var = h.var(axis=0)
        return (h - mu) / jnp.sqrt(var + 1e-5) * g + bt

    # layer 0
    h = conv(x, W0, b0)
    h = jax.nn.relu(h)
    h = bn(h, bn0_g, bn0_b)
    # layer 1
    h = conv(h, W1, b1)
    h = jax.nn.relu(h)
    h = bn(h, bn1_g, bn1_b)
    # layer 2 (last: no BN)
    h = conv(h, W2, b2)
    h = jax.nn.relu(h)
    node_x = h  # JK == 'last'

    counts = jnp.zeros((Gn,), jnp.float32).at[batch].add(1.0)
    mean_pool = jnp.zeros((Gn, node_x.shape[1]), jnp.float32).at[batch].add(node_x) / jnp.clip(counts, 1.0)[:, None]
    max_pool = jax.ops.segment_max(node_x, batch, num_segments=Gn)
    graph_x = jnp.concatenate([mean_pool, max_pool], axis=1)

    hfc = jax.nn.relu(graph_x @ fc1_W + fc1_b)
    logits = hfc @ fc2_W + fc2_b
    p_g = jax.nn.log_softmax(logits, axis=1)
    pred_loss = -jnp.mean(p_g[jnp.arange(Gn), y])
    sm = jax.nn.softmax(logits, axis=1)
    min_vals = sm.min(axis=0)
    min_idx = jnp.argmin(sm, axis=0)
    return (min_vals, min_idx, pred_loss)

if __name__ == "__main__":
    import jax
    _d = setup_inputs()
    print(jax.jit(kernel)(*tuple(_d.values())))

</pallas_src>

<mosaic_0001>
#map = affine_map<(d0, d1) -> (0, 0)>
#map1 = affine_map<(d0, d1) -> (0, 0, 0)>
module attributes {stable_mosaic.version = 14 : i64} {
  func.func @k(%arg0: i32, %arg1: i32, %arg2: memref<128x8xf32, #tpu.memory_space<hbm>>, %arg3: memref<32x80x128xi32, #tpu.memory_space<hbm>>, %arg4: memref<32x80x128xi32, #tpu.memory_space<hbm>>, %arg5: memref<10240x8xf32, #tpu.memory_space<hbm>>, %arg6: memref<2x10240x8xf32, #tpu.memory_space<hbm>>, %arg7: memref<80x128xi32, #tpu.memory_space<vmem>>, %arg8: memref<80x128xi32, #tpu.memory_space<vmem>>, %arg9: memref<128x8xf32, #tpu.memory_space<vmem>>, %arg10: memref<10240x8xf32, #tpu.memory_space<vmem_shared>>, %arg11: memref<10240x8xf32, #tpu.memory_space<vmem_shared>>, %arg12: memref<!tpu.dma_semaphore, #tpu.memory_space<semaphore_mem>>, %arg13: memref<!tpu.dma_semaphore, #tpu.memory_space<semaphore_mem>>, %arg14: memref<!tpu.dma_semaphore, #tpu.memory_space<semaphore_mem>>, %arg15: memref<!tpu.dma_semaphore, #tpu.memory_space<semaphore_mem>>) attributes {dimension_semantics = [#tpu.dimension_semantics<core_parallel>, #tpu.dimension_semantics<subcore_parallel>], iteration_bounds = array<i64: 2, 16>, scalar_prefetch = 0 : i64, scratch_operands = 9 : i64, tpu.core_type = #tpu.core_type<sc_vector_subcore>, window_params = [{transform_indices = #map}, {transform_indices = #map1}, {transform_indices = #map1}, {transform_indices = #map}, {transform_indices = #map1}]} {
    %mul3A = arith.constant 16 : i32
    %mul3A_0 = arith.muli %arg0, %mul3A : i32
    %add3A = arith.addi %mul3A_0, %arg1 : i32
    %mul3A_1 = arith.constant 640 : i32
    %mul3A_2 = arith.muli %arg1, %mul3A_1 : i32
    "tpu.region"() ({
      %run_scoped3A = tpu.sem_alloc : memref<!tpu.dma_semaphore, #tpu.memory_space<semaphore_mem>>
      %dma_start3A_35 = arith.constant 0 : i32
      %dma_start3A_36 = tpu.memref_slice %arg11[%mul3A_2, %dma_start3A_35] : memref<10240x8xf32, #tpu.memory_space<vmem_shared>> -> memref<640x8xf32, #tpu.memory_space<vmem_shared>>
      %dma_start3A_37 = arith.constant 0 : i32
      %dma_start3A_38 = tpu.memref_slice %arg5[%mul3A_2, %dma_start3A_37] : memref<10240x8xf32, #tpu.memory_space<hbm>> -> memref<640x8xf32, #tpu.memory_space<hbm>>
      tpu.enqueue_dma source(%dma_start3A_38 : memref<640x8xf32, #tpu.memory_space<hbm>>) target(%dma_start3A_36 : memref<640x8xf32, #tpu.memory_space<vmem_shared>>) target_semaphore(%run_scoped3A : memref<!tpu.dma_semaphore, #tpu.memory_space<semaphore_mem>>)
      %dma_wait3A = arith.constant 0 : i32
      %dma_wait3A_39 = tpu.memref_slice %arg11[%mul3A_2, %dma_wait3A] : memref<10240x8xf32, #tpu.memory_space<vmem_shared>> -> memref<640x8xf32, #tpu.memory_space<vmem_shared>>
      %dma_wait3A_40 = arith.constant 0 : i32
      %dma_wait3A_41 = tpu.memref_slice %arg5[%mul3A_2, %dma_wait3A_40] : memref<10240x8xf32, #tpu.memory_space<hbm>> -> memref<640x8xf32, #tpu.memory_space<hbm>>
      tpu.wait_dma2 semaphore(%run_scoped3A : memref<!tpu.dma_semaphore, #tpu.memory_space<semaphore_mem>>) src(%dma_wait3A_41 : memref<640x8xf32, #tpu.memory_space<hbm>>) dst(%dma_wait3A_39 : memref<640x8xf32, #tpu.memory_space<vmem_shared>>)
      tpu.yield
    }) : () -> ()
    "tpu.region"() ({
      %run_scoped3A = tpu.sem_alloc : memref<!tpu.dma_semaphore, #tpu.memory_space<semaphore_mem>>
      %dma_start3A_35 = arith.constant 0 : i32
      %dma_start3A_36 = arith.constant 0 : i32
      %dma_start3A_37 = tpu.memref_slice %arg4[%add3A, %dma_start3A_35, %dma_start3A_36] : memref<32x80x128xi32, #tpu.memory_space<hbm>> -> memref<1x80x128xi32, #tpu.memory_space<hbm>>
      %dma_start3A_38 = tpu.memref_squeeze %dma_start3A_37 : memref<1x80x128xi32, #tpu.memory_space<hbm>> -> memref<80x128xi32, #tpu.memory_space<hbm>>
      %dma_start3A_39 = arith.constant 0 : i32
      %dma_start3A_40 = arith.constant 0 : i32
      %dma_start3A_41 = tpu.memref_slice %arg4[%add3A, %dma_start3A_39, %dma_start3A_40] : memref<32x80x128xi32, #tpu.memory_space<hbm>> -> memref<1x80x128xi32, #tpu.memory_space<hbm>>
      %dma_start3A_42 = tpu.memref_squeeze %dma_start3A_41 : memref<1x80x128xi32, #tpu.memory_space<hbm>> -> memref<80x128xi32, #tpu.memory_space<hbm>>
      tpu.enqueue_dma source(%dma_start3A_42 : memref<80x128xi32, #tpu.memory_space<hbm>>) target(%arg8 : memref<80x128xi32, #tpu.memory_space<vmem>>) target_semaphore(%run_scoped3A : memref<!tpu.dma_semaphore, #tpu.memory_space<semaphore_mem>>)
      %dma_wait3A = arith.constant 0 : i32
      %dma_wait3A_43 = arith.constant 0 : i32
      %dma_wait3A_44 = tpu.memref_slice %arg4[%add3A, %dma_wait3A, %dma_wait3A_43] : memref<32x80x128xi32, #tpu.memory_space<hbm>> -> memref<1x80x128xi32, #tpu.memory_space<hbm>>
      %dma_wait3A_45 = tpu.memref_squeeze %dma_wait3A_44 : memref<1x80x128xi32, #tpu.memory_space<hbm>> -> memref<80x128xi32, #tpu.memory_space<hbm>>
      %dma_wait3A_46 = arith.constant 0 : i32
      %dma_wait3A_47 = arith.constant 0 : i32
      %dma_wait3A_48 = tpu.memref_slice %arg4[%add3A, %dma_wait3A_46, %dma_wait3A_47] : memref<32x80x128xi32, #tpu.memory_space<hbm>> -> memref<1x80x128xi32, #tpu.memory_space<hbm>>
      %dma_wait3A_49 = tpu.memref_squeeze %dma_wait3A_48 : memref<1x80x128xi32, #tpu.memory_space<hbm>> -> memref<80x128xi32, #tpu.memory_space<hbm>>
      tpu.wait_dma2 semaphore(%run_scoped3A : memref<!tpu.dma_semaphore, #tpu.memory_space<semaphore_mem>>) src(%dma_wait3A_49 : memref<80x128xi32, #tpu.memory_space<hbm>>) dst(%arg8 : memref<80x128xi32, #tpu.memory_space<vmem>>)
      tpu.yield
    }) : () -> ()
    "tpu.region"() ({
      %run_scoped3A = tpu.sem_alloc : memref<!tpu.dma_semaphore, #tpu.memory_space<semaphore_mem>>
      tpu.enqueue_dma source(%arg2 : memref<128x8xf32, #tpu.memory_space<hbm>>) target(%arg9 : memref<128x8xf32, #tpu.memory_space<vmem>>) target_semaphore(%run_scoped3A : memref<!tpu.dma_semaphore, #tpu.memory_space<semaphore_mem>>)
      tpu.wait_dma2 semaphore(%run_scoped3A : memref<!tpu.dma_semaphore, #tpu.memory_space<semaphore_mem>>) src(%arg2 : memref<128x8xf32, #tpu.memory_space<hbm>>) dst(%arg9 : memref<128x8xf32, #tpu.memory_space<vmem>>)
      tpu.yield
    }) : () -> ()
    %barrier3A = arith.constant 0 : index
    tpu.barrier barrier_id(%barrier3A)
    %dma_start3A = arith.constant 0 : i32
    %dma_start3A_3 = arith.constant 0 : i32
    %dma_start3A_4 = tpu.memref_slice %arg8[%dma_start3A, %dma_start3A_3] : memref<80x128xi32, #tpu.memory_space<vmem>> -> memref<1x128xi32, #tpu.memory_space<vmem>>
    %dma_start3A_5 = tpu.memref_squeeze %dma_start3A_4 : memref<1x128xi32, #tpu.memory_space<vmem>> -> memref<128xi32, #tpu.memory_space<vmem>>
    %dma_start3A_6 = arith.constant 0 : i32
    %dma_start3A_7 = arith.constant 0 : i32
    %dma_start3A_8 = tpu.memref_slice %arg11[%dma_start3A_6, %dma_start3A_7] : memref<10240x8xf32, #tpu.memory_space<vmem_shared>> -> memref<10240x8xf32, #tpu.memory_space<vmem_shared>>
    tpu.enqueue_indirect_dma source(%arg9 : memref<128x8xf32, #tpu.memory_space<vmem>>) target(%dma_start3A_8 : memref<10240x8xf32, #tpu.memory_space<vmem_shared>>) offsets(%dma_start3A_5 : memref<128xi32, #tpu.memory_space<vmem>>) semaphore(%arg12 : memref<!tpu.dma_semaphore, #tpu.memory_space<semaphore_mem>>) {add = true}
    %dma_start3A_9 = arith.constant 1 : i32
    %dma_start3A_10 = arith.constant 0 : i32
    %dma_start3A_11 = tpu.memref_slice %arg8[%dma_start3A_9, %dma_start3A_10] : memref<80x128xi32, #tpu.memory_space<vmem>> -> memref<1x128xi32, #tpu.memory_space<vmem>>
    %dma_start3A_12 = tpu.memref_squeeze %dma_start3A_11 : memref<1x128xi32, #tpu.memory_space<vmem>> -> memref<128xi32, #tpu.memory_space<vmem>>
    %dma_start3A_13 = arith.constant 0 : i32
    %dma_start3A_14 = arith.constant 0 : i32
    %dma_start3A_15 = tpu.memref_slice %arg11[%dma_start3A_13, %dma_start3A_14] : memref<10240x8xf32, #tpu.memory_space<vmem_shared>> -> memref<10240x8xf32, #tpu.memory_space<vmem_shared>>
    tpu.enqueue_indirect_dma source(%arg9 : memref<128x8xf32, #tpu.memory_space<vmem>>) target(%dma_start3A_15 : memref<10240x8xf32, #tpu.memory_space<vmem_shared>>) offsets(%dma_start3A_12 : memref<128xi32, #tpu.memory_space<vmem>>) semaphore(%arg13 : memref<!tpu.dma_semaphore, #tpu.memory_space<semaphore_mem>>) {add = true}
    %dma_start3A_16 = arith.constant 2 : i32
    %dma_start3A_17 = arith.constant 0 : i32
    %dma_start3A_18 = tpu.memref_slice %arg8[%dma_start3A_16, %dma_start3A_17] : memref<80x128xi32, #tpu.memory_space<vmem>> -> memref<1x128xi32, #tpu.memory_space<vmem>>
    %dma_start3A_19 = tpu.memref_squeeze %dma_start3A_18 : memref<1x128xi32, #tpu.memory_space<vmem>> -> memref<128xi32, #tpu.memory_space<vmem>>
    %dma_start3A_20 = arith.constant 0 : i32
    %dma_start3A_21 = arith.constant 0 : i32
    %dma_start3A_22 = tpu.memref_slice %arg11[%dma_start3A_20, %dma_start3A_21] : memref<10240x8xf32, #tpu.memory_space<vmem_shared>> -> memref<10240x8xf32, #tpu.memory_space<vmem_shared>>
    tpu.enqueue_indirect_dma source(%arg9 : memref<128x8xf32, #tpu.memory_space<vmem>>) target(%dma_start3A_22 : memref<10240x8xf32, #tpu.memory_space<vmem_shared>>) offsets(%dma_start3A_19 : memref<128xi32, #tpu.memory_space<vmem>>) semaphore(%arg14 : memref<!tpu.dma_semaphore, #tpu.memory_space<semaphore_mem>>) {add = true}
    %dma_start3A_23 = arith.constant 3 : i32
    %dma_start3A_24 = arith.constant 0 : i32
    %dma_start3A_25 = tpu.memref_slice %arg8[%dma_start3A_23, %dma_start3A_24] : memref<80x128xi32, #tpu.memory_space<vmem>> -> memref<1x128xi32, #tpu.memory_space<vmem>>
    %dma_start3A_26 = tpu.memref_squeeze %dma_start3A_25 : memref<1x128xi32, #tpu.memory_space<vmem>> -> memref<128xi32, #tpu.memory_space<vmem>>
    %dma_start3A_27 = arith.constant 0 : i32
    %dma_start3A_28 = arith.constant 0 : i32
    %dma_start3A_29 = tpu.memref_slice %arg11[%dma_start3A_27, %dma_start3A_28] : memref<10240x8xf32, #tpu.memory_space<vmem_shared>> -> memref<10240x8xf32, #tpu.memory_space<vmem_shared>>
    tpu.enqueue_indirect_dma source(%arg9 : memref<128x8xf32, #tpu.memory_space<vmem>>) target(%dma_start3A_29 : memref<10240x8xf32, #tpu.memory_space<vmem_shared>>) offsets(%dma_start3A_26 : memref<128xi32, #tpu.memory_space<vmem>>) semaphore(%arg15 : memref<!tpu.dma_semaphore, #tpu.memory_space<semaphore_mem>>) {add = true}
    %scan3A = arith.constant 0 : i32
    %scan3A_30 = arith.constant 20 : i32
    %scan3A_31 = arith.addi %scan3A, %scan3A_30 : i32
    %scan3A_32 = arith.constant 1 : i32
    scf.for %scan3A_35 = %scan3A to %scan3A_31 step %scan3A_32  : i32 {
      %mul3A_36 = arith.constant 4 : i32
      %mul3A_37 = arith.muli %scan3A_35, %mul3A_36 : i32
      %add3A_38 = arith.constant 0 : i32
      %add3A_39 = arith.addi %add3A_38, %mul3A_37 : i32
      %add3A_40 = arith.constant 0 : i32
      %add3A_41 = arith.addi %add3A_39, %add3A_40 : i32
      %dma_wait3A = arith.constant 0 : i32
      %dma_wait3A_42 = tpu.memref_slice %arg8[%add3A_41, %dma_wait3A] : memref<80x128xi32, #tpu.memory_space<vmem>> -> memref<1x128xi32, #tpu.memory_space<vmem>>
      %dma_wait3A_43 = tpu.memref_squeeze %dma_wait3A_42 : memref<1x128xi32, #tpu.memory_space<vmem>> -> memref<128xi32, #tpu.memory_space<vmem>>
      %dma_wait3A_44 = arith.constant 0 : i32
      %dma_wait3A_45 = arith.constant 0 : i32
      %dma_wait3A_46 = tpu.memref_slice %arg11[%dma_wait3A_44, %dma_wait3A_45] : memref<10240x8xf32, #tpu.memory_space<vmem_shared>> -> memref<10240x8xf32, #tpu.memory_space<vmem_shared>>
      tpu.wait_indirect_dma semaphore(%arg12 : memref<!tpu.dma_semaphore, #tpu.memory_space<semaphore_mem>>) src(%arg9 : memref<128x8xf32, #tpu.memory_space<vmem>>) dst(%dma_wait3A_46 : memref<10240x8xf32, #tpu.memory_space<vmem_shared>>)
      %add3A_47 = arith.constant 4 : i32
      %add3A_48 = arith.addi %add3A_39, %add3A_47 : i32
      %add3A_49 = arith.constant 0 : i32
      %add3A_50 = arith.addi %add3A_48, %add3A_49 : i32
      %lt3A = arith.constant 80 : i32
      %lt3A_51 = arith.cmpi slt, %add3A_50, %lt3A : i32
      %convert_element_type3A = arith.extui %lt3A_51 : i1 to i32
      %cond3A = arith.constant 0 : i32
      %cond3A_52 = arith.cmpi ne, %convert_element_type3A, %cond3A : i32
      scf.if %cond3A_52 {
        %add3A_104 = arith.constant 4 : i32
        %add3A_105 = arith.addi %add3A_39, %add3A_104 : i32
        %add3A_106 = arith.constant 0 : i32
        %add3A_107 = arith.addi %add3A_105, %add3A_106 : i32
        %dma_start3A_108 = arith.constant 0 : i32
        %dma_start3A_109 = tpu.memref_slice %arg8[%add3A_107, %dma_start3A_108] : memref<80x128xi32, #tpu.memory_space<vmem>> -> memref<1x128xi32, #tpu.memory_space<vmem>>
        %dma_start3A_110 = tpu.memref_squeeze %dma_start3A_109 : memref<1x128xi32, #tpu.memory_space<vmem>> -> memref<128xi32, #tpu.memory_space<vmem>>
        %dma_start3A_111 = arith.constant 0 : i32
        %dma_start3A_112 = arith.constant 0 : i32
        %dma_start3A_113 = tpu.memref_slice %arg11[%dma_start3A_111, %dma_start3A_112] : memref<10240x8xf32, #tpu.memory_space<vmem_shared>> -> memref<10240x8xf32, #tpu.memory_space<vmem_shared>>
        tpu.enqueue_indirect_dma source(%arg9 : memref<128x8xf32, #tpu.memory_space<vmem>>) target(%dma_start3A_113 : memref<10240x8xf32, #tpu.memory_space<vmem_shared>>) offsets(%dma_start3A_110 : memref<128xi32, #tpu.memory_space<vmem>>) semaphore(%arg12 : memref<!tpu.dma_semaphore, #tpu.memory_space<semaphore_mem>>) {add = true}
      } else {
      }
      %add3A_53 = arith.constant 1 : i32
      %add3A_54 = arith.addi %add3A_39, %add3A_53 : i32
      %dma_wait3A_55 = arith.constant 0 : i32
      %dma_wait3A_56 = tpu.memref_slice %arg8[%add3A_54, %dma_wait3A_55] : memref<80x128xi32, #tpu.memory_space<vmem>> -> memref<1x128xi32, #tpu.memory_space<vmem>>
      %dma_wait3A_57 = tpu.memref_squeeze %dma_wait3A_56 : memref<1x128xi32, #tpu.memory_space<vmem>> -> memref<128xi32, #tpu.memory_space<vmem>>
      %dma_wait3A_58 = arith.constant 0 : i32
      %dma_wait3A_59 = arith.constant 0 : i32
      %dma_wait3A_60 = tpu.memref_slice %arg11[%dma_wait3A_58, %dma_wait3A_59] : memref<10240x8xf32, #tpu.memory_space<vmem_shared>> -> memref<10240x8xf32, #tpu.memory_space<vmem_shared>>
      tpu.wait_indirect_dma semaphore(%arg13 : memref<!tpu.dma_semaphore, #tpu.memory_space<semaphore_mem>>) src(%arg9 : memref<128x8xf32, #tpu.memory_space<vmem>>) dst(%dma_wait3A_60 : memref<10240x8xf32, #tpu.memory_space<vmem_shared>>)
      %add3A_61 = arith.constant 4 : i32
      %add3A_62 = arith.addi %add3A_39, %add3A_61 : i32
      %add3A_63 = arith.constant 1 : i32
      %add3A_64 = arith.addi %add3A_62, %add3A_63 : i32
      %lt3A_65 = arith.constant 80 : i32
      %lt3A_66 = arith.cmpi slt, %add3A_64, %lt3A_65 : i32
      %convert_element_type3A_67 = arith.extui %lt3A_66 : i1 to i32
      %cond3A_68 = arith.constant 0 : i32
      %cond3A_69 = arith.cmpi ne, %convert_element_type3A_67, %cond3A_68 : i32
      scf.if %cond3A_69 {
        %add3A_104 = arith.constant 4 : i32
        %add3A_105 = arith.addi %add3A_39, %add3A_104 : i32
        %add3A_106 = arith.constant 1 : i32
        %add3A_107 = arith.addi %add3A_105, %add3A_106 : i32
        %dma_start3A_108 = arith.constant 0 : i32
        %dma_start3A_109 = tpu.memref_slice %arg8[%add3A_107, %dma_start3A_108] : memref<80x128xi32, #tpu.memory_space<vmem>> -> memref<1x128xi32, #tpu.memory_space<vmem>>
        %dma_start3A_110 = tpu.memref_squeeze %dma_start3A_109 : memref<1x128xi32, #tpu.memory_space<vmem>> -> memref<128xi32, #tpu.memory_space<vmem>>
        %dma_start3A_111 = arith.constant 0 : i32
        %dma_start3A_112 = arith.constant 0 : i32
        %dma_start3A_113 = tpu.memref_slice %arg11[%dma_start3A_111, %dma_start3A_112] : memref<10240x8xf32, #tpu.memory_space<vmem_shared>> -> memref<10240x8xf32, #tpu.memory_space<vmem_shared>>
        tpu.enqueue_indirect_dma source(%arg9 : memref<128x8xf32, #tpu.memory_space<vmem>>) target(%dma_start3A_113 : memref<10240x8xf32, #tpu.memory_space<vmem_shared>>) offsets(%dma_start3A_110 : memref<128xi32, #tpu.memory_space<vmem>>) semaphore(%arg13 : memref<!tpu.dma_semaphore, #tpu.memory_space<semaphore_mem>>) {add = true}
      } else {
      }
      %add3A_70 = arith.constant 2 : i32
      %add3A_71 = arith.addi %add3A_39, %add3A_70 : i32
      %dma_wait3A_72 = arith.constant 0 : i32
      %dma_wait3A_73 = tpu.memref_slice %arg8[%add3A_71, %dma_wait3A_72] : memref<80x128xi32, #tpu.memory_space<vmem>> -> memref<1x128xi32, #tpu.memory_space<vmem>>
      %dma_wait3A_74 = tpu.memref_squeeze %dma_wait3A_73 : memref<1x128xi32, #tpu.memory_space<vmem>> -> memref<128xi32, #tpu.memory_space<vmem>>
      %dma_wait3A_75 = arith.constant 0 : i32
      %dma_wait3A_76 = arith.constant 0 : i32
      %dma_wait3A_77 = tpu.memref_slice %arg11[%dma_wait3A_75, %dma_wait3A_76] : memref<10240x8xf32, #tpu.memory_space<vmem_shared>> -> memref<10240x8xf32, #tpu.memory_space<vmem_shared>>
      tpu.wait_indirect_dma semaphore(%arg14 : memref<!tpu.dma_semaphore, #tpu.memory_space<semaphore_mem>>) src(%arg9 : memref<128x8xf32, #tpu.memory_space<vmem>>) dst(%dma_wait3A_77 : memref<10240x8xf32, #tpu.memory_space<vmem_shared>>)
      %add3A_78 = arith.constant 4 : i32
      %add3A_79 = arith.addi %add3A_39, %add3A_78 : i32
      %add3A_80 = arith.constant 2 : i32
      %add3A_81 = arith.addi %add3A_79, %add3A_80 : i32
      %lt3A_82 = arith.constant 80 : i32
      %lt3A_83 = arith.cmpi slt, %add3A_81, %lt3A_82 : i32
      %convert_element_type3A_84 = arith.extui %lt3A_83 : i1 to i32
      %cond3A_85 = arith.constant 0 : i32
      %cond3A_86 = arith.cmpi ne, %convert_element_type3A_84, %cond3A_85 : i32
      scf.if %cond3A_86 {
        %add3A_104 = arith.constant 4 : i32
        %add3A_105 = arith.addi %add3A_39, %add3A_104 : i32
        %add3A_106 = arith.constant 2 : i32
        %add3A_107 = arith.addi %add3A_105, %add3A_106 : i32
        %dma_start3A_108 = arith.constant 0 : i32
        %dma_start3A_109 = tpu.memref_slice %arg8[%add3A_107, %dma_start3A_108] : memref<80x128xi32, #tpu.memory_space<vmem>> -> memref<1x128xi32, #tpu.memory_space<vmem>>
        %dma_start3A_110 = tpu.memref_squeeze %dma_start3A_109 : memref<1x128xi32, #tpu.memory_space<vmem>> -> memref<128xi32, #tpu.memory_space<vmem>>
        %dma_start3A_111 = arith.constant 0 : i32
        %dma_start3A_112 = arith.constant 0 : i32
        %dma_start3A_113 = tpu.memref_slice %arg11[%dma_start3A_111, %dma_start3A_112] : memref<10240x8xf32, #tpu.memory_space<vmem_shared>> -> memref<10240x8xf32, #tpu.memory_space<vmem_shared>>
        tpu.enqueue_indirect_dma source(%arg9 : memref<128x8xf32, #tpu.memory_space<vmem>>) target(%dma_start3A_113 : memref<10240x8xf32, #tpu.memory_space<vmem_shared>>) offsets(%dma_start3A_110 : memref<128xi32, #tpu.memory_space<vmem>>) semaphore(%arg14 : memref<!tpu.dma_semaphore, #tpu.memory_space<semaphore_mem>>) {add = true}
      } else {
      }
      %add3A_87 = arith.constant 3 : i32
      %add3A_88 = arith.addi %add3A_39, %add3A_87 : i32
      %dma_wait3A_89 = arith.constant 0 : i32
      %dma_wait3A_90 = tpu.memref_slice %arg8[%add3A_88, %dma_wait3A_89] : memref<80x128xi32, #tpu.memory_space<vmem>> -> memref<1x128xi32, #tpu.memory_space<vmem>>
      %dma_wait3A_91 = tpu.memref_squeeze %dma_wait3A_90 : memref<1x128xi32, #tpu.memory_space<vmem>> -> memref<128xi32, #tpu.memory_space<vmem>>
      %dma_wait3A_92 = arith.constant 0 : i32
      %dma_wait3A_93 = arith.constant 0 : i32
      %dma_wait3A_94 = tpu.memref_slice %arg11[%dma_wait3A_92, %dma_wait3A_93] : memref<10240x8xf32, #tpu.memory_space<vmem_shared>> -> memref<10240x8xf32, #tpu.memory_space<vmem_shared>>
      tpu.wait_indirect_dma semaphore(%arg15 : memref<!tpu.dma_semaphore, #tpu.memory_space<semaphore_mem>>) src(%arg9 : memref<128x8xf32, #tpu.memory_space<vmem>>) dst(%dma_wait3A_94 : memref<10240x8xf32, #tpu.memory_space<vmem_shared>>)
      %add3A_95 = arith.constant 4 : i32
      %add3A_96 = arith.addi %add3A_39, %add3A_95 : i32
      %add3A_97 = arith.constant 3 : i32
      %add3A_98 = arith.addi %add3A_96, %add3A_97 : i32
      %lt3A_99 = arith.constant 80 : i32
      %lt3A_100 = arith.cmpi slt, %add3A_98, %lt3A_99 : i32
      %convert_element_type3A_101 = arith.extui %lt3A_100 : i1 to i32
      %cond3A_102 = arith.constant 0 : i32
      %cond3A_103 = arith.cmpi ne, %convert_element_type3A_101, %cond3A_102 : i32
      scf.if %cond3A_103 {
        %add3A_104 = arith.constant 4 : i32
        %add3A_105 = arith.addi %add3A_39, %add3A_104 : i32
        %add3A_106 = arith.constant 3 : i32
        %add3A_107 = arith.addi %add3A_105, %add3A_106 : i32
        %dma_start3A_108 = arith.constant 0 : i32
        %dma_start3A_109 = tpu.memref_slice %arg8[%add3A_107, %dma_start3A_108] : memref<80x128xi32, #tpu.memory_space<vmem>> -> memref<1x128xi32, #tpu.memory_space<vmem>>
        %dma_start3A_110 = tpu.memref_squeeze %dma_start3A_109 : memref<1x128xi32, #tpu.memory_space<vmem>> -> memref<128xi32, #tpu.memory_space<vmem>>
        %dma_start3A_111 = arith.constant 0 : i32
        %dma_start3A_112 = arith.constant 0 : i32
        %dma_start3A_113 = tpu.memref_slice %arg11[%dma_start3A_111, %dma_start3A_112] : memref<10240x8xf32, #tpu.memory_space<vmem_shared>> -> memref<10240x8xf32, #tpu.memory_space<vmem_shared>>
        tpu.enqueue_indirect_dma source(%arg9 : memref<128x8xf32, #tpu.memory_space<vmem>>) target(%dma_start3A_113 : memref<10240x8xf32, #tpu.memory_space<vmem_shared>>) offsets(%dma_start3A_110 : memref<128xi32, #tpu.memory_space<vmem>>) semaphore(%arg15 : memref<!tpu.dma_semaphore, #tpu.memory_space<semaphore_mem>>) {add = true}
      } else {
      }
    }
    %scan3A_33 = arith.constant 20 : i32
    %barrier3A_34 = arith.constant 0 : index
    tpu.barrier barrier_id(%barrier3A_34)
    "tpu.region"() ({
      %run_scoped3A = tpu.sem_alloc : memref<!tpu.dma_semaphore, #tpu.memory_space<semaphore_mem>>
      %dma_start3A_35 = arith.constant 0 : i32
      %dma_start3A_36 = arith.constant 0 : i32
      %dma_start3A_37 = tpu.memref_slice %arg6[%arg0, %dma_start3A_35, %dma_start3A_36] : memref<2x10240x8xf32, #tpu.memory_space<hbm>> -> memref<1x10240x8xf32, #tpu.memory_space<hbm>>
      %dma_start3A_38 = tpu.memref_squeeze %dma_start3A_37 : memref<1x10240x8xf32, #tpu.memory_space<hbm>> -> memref<10240x8xf32, #tpu.memory_space<hbm>>
      %dma_start3A_39 = arith.constant 0 : i32
      %dma_start3A_40 = tpu.memref_slice %dma_start3A_38[%mul3A_2, %dma_start3A_39] : memref<10240x8xf32, #tpu.memory_space<hbm>> -> memref<640x8xf32, #tpu.memory_space<hbm>>
      %dma_start3A_41 = arith.constant 0 : i32
      %dma_start3A_42 = tpu.memref_slice %arg11[%mul3A_2, %dma_start3A_41] : memref<10240x8xf32, #tpu.memory_space<vmem_shared>> -> memref<640x8xf32, #tpu.memory_space<vmem_shared>>
      tpu.enqueue_dma source(%dma_start3A_42 : memref<640x8xf32, #tpu.memory_space<vmem_shared>>) target(%dma_start3A_40 : memref<640x8xf32, #tpu.memory_space<hbm>>) target_semaphore(%run_scoped3A : memref<!tpu.dma_semaphore, #tpu.memory_space<semaphore_mem>>)
      %dma_wait3A = arith.constant 0 : i32
      %dma_wait3A_43 = arith.constant 0 : i32
      %dma_wait3A_44 = tpu.memref_slice %arg6[%arg0, %dma_wait3A, %dma_wait3A_43] : memref<2x10240x8xf32, #tpu.memory_space<hbm>> -> memref<1x10240x8xf32, #tpu.memory_space<hbm>>
      %dma_wait3A_45 = tpu.memref_squeeze %dma_wait3A_44 : memref<1x10240x8xf32, #tpu.memory_space<hbm>> -> memref<10240x8xf32, #tpu.memory_space<hbm>>
      %dma_wait3A_46 = arith.constant 0 : i32
      %dma_wait3A_47 = tpu.memref_slice %dma_wait3A_45[%mul3A_2, %dma_wait3A_46] : memref<10240x8xf32, #tpu.memory_space<hbm>> -> memref<640x8xf32, #tpu.memory_space<hbm>>
      %dma_wait3A_48 = arith.constant 0 : i32
      %dma_wait3A_49 = tpu.memref_slice %arg11[%mul3A_2, %dma_wait3A_48] : memref<10240x8xf32, #tpu.memory_space<vmem_shared>> -> memref<640x8xf32, #tpu.memory_space<vmem_shared>>
      tpu.wait_dma2 semaphore(%run_scoped3A : memref<!tpu.dma_semaphore, #tpu.memory_space<semaphore_mem>>) src(%dma_wait3A_49 : memref<640x8xf32, #tpu.memory_space<vmem_shared>>) dst(%dma_wait3A_47 : memref<640x8xf32, #tpu.memory_space<hbm>>)
      tpu.yield
    }) : () -> ()
    return
  }
}

#map = affine_map<(d0, d1) -> (0, 0)>
#map1 = affine_map<(d0, d1) -> (0, 0, 0)>
module attributes {stable_mosaic.version = 14 : i64} {
  func.func @k(%arg0: i32, %arg1: i32, %arg2: memref<10240x64xf32, #tpu.memory_space<hbm>>, %arg3: memref<32x80x128xi32, #tpu.memory_space<hbm>>, %arg4: memref<32x80x128xi32, #tpu.memory_space<hbm>>, %arg5: memref<10240x64xf32, #tpu.memory_space<hbm>>, %arg6: memref<2x10240x64xf32, #tpu.memory_space<hbm>>, %arg7: memref<80x128xi32, #tpu.memory_space<vmem>>, %arg8: memref<80x128xi32, #tpu.memory_space<vmem>>, %arg9: memref<128x64xf32, #tpu.memory_space<vmem>>, %arg10: memref<128x64xf32, #tpu.memory_space<vmem>>, %arg11: memref<10240x64xf32, #tpu.memory_space<vmem_shared>>, %arg12: memref<10240x64xf32, #tpu.memory_space<vmem_shared>>, %arg13: memref<!tpu.dma_semaphore, #tpu.memory_space<semaphore_mem>>, %arg14: memref<!tpu.dma_semaphore, #tpu.memory_space<semaphore_mem>>) attributes {dimension_semantics = [#tpu.dimension_semantics<core_parallel>, #tpu.dimension_semantics<subcore_parallel>], iteration_bounds = array<i64: 2, 16>, scalar_prefetch = 0 : i64, scratch_operands = 8 : i64, tpu.core_type = #tpu.core_type<sc_vector_subcore>, window_params = [{transform_indices = #map}, {transform_indices = #map1}, {transform_indices = #map1}, {transform_indices = #map}, {transform_indices = #map1}]} {
    %mul3A = arith.constant 16 : i32
    %mul3A_0 = arith.muli %arg0, %mul3A : i32
    %add3A = arith.addi %mul3A_0, %arg1 : i32
    %mul3A_1 = arith.constant 640 : i32
    %mul3A_2 = arith.muli %arg1, %mul3A_1 : i32
    "tpu.region"() ({
      %run_scoped3A_35 = tpu.sem_alloc : memref<!tpu.dma_semaphore, #tpu.memory_space<semaphore_mem>>
      %dma_start3A_36 = arith.constant 0 : i32
      %dma_start3A_37 = tpu.memref_slice %arg12[%mul3A_2, %dma_start3A_36] : memref<10240x64xf32, #tpu.memory_space<vmem_shared>> -> memref<640x64xf32, #tpu.memory_space<vmem_shared>>
      %dma_start3A_38 = arith.constant 0 : i32
      %dma_start3A_39 = tpu.memref_slice %arg5[%mul3A_2, %dma_start3A_38] : memref<10240x64xf32, #tpu.memory_space<hbm>> -> memref<640x64xf32, #tpu.memory_space<hbm>>
      tpu.enqueue_dma source(%dma_start3A_39 : memref<640x64xf32, #tpu.memory_space<hbm>>) target(%dma_start3A_37 : memref<640x64xf32, #tpu.memory_space<vmem_shared>>) target_semaphore(%run_scoped3A_35 : memref<!tpu.dma_semaphore, #tpu.memory_space<semaphore_mem>>)
      %dma_wait3A_40 = arith.constant 0 : i32
      %dma_wait3A_41 = tpu.memref_slice %arg12[%mul3A_2, %dma_wait3A_40] : memref<10240x64xf32, #tpu.memory_space<vmem_shared>> -> memref<640x64xf32, #tpu.memory_space<vmem_shared>>
      %dma_wait3A_42 = arith.constant 0 : i32
      %dma_wait3A_43 = tpu.memref_slice %arg5[%mul3A_2, %dma_wait3A_42] : memref<10240x64xf32, #tpu.memory_space<hbm>> -> memref<640x64xf32, #tpu.memory_space<hbm>>
      tpu.wait_dma2 semaphore(%run_scoped3A_35 : memref<!tpu.dma_semaphore, #tpu.memory_space<semaphore_mem>>) src(%dma_wait3A_43 : memref<640x64xf32, #tpu.memory_space<hbm>>) dst(%dma_wait3A_41 : memref<640x64xf32, #tpu.memory_space<vmem_shared>>)
      tpu.yield
    }) : () -> ()
    "tpu.region"() ({
      %run_scoped3A_35 = tpu.sem_alloc : memref<!tpu.dma_semaphore, #tpu.memory_space<semaphore_mem>>
      %dma_start3A_36 = arith.constant 0 : i32
      %dma_start3A_37 = arith.constant 0 : i32
      %dma_start3A_38 = tpu.memref_slice %arg4[%add3A, %dma_start3A_36, %dma_start3A_37] : memref<32x80x128xi32, #tpu.memory_space<hbm>> -> memref<1x80x128xi32, #tpu.memory_space<hbm>>
      %dma_start3A_39 = tpu.memref_squeeze %dma_start3A_38 : memref<1x80x128xi32, #tpu.memory_space<hbm>> -> memref<80x128xi32, #tpu.memory_space<hbm>>
      %dma_start3A_40 = arith.constant 0 : i32
      %dma_start3A_41 = arith.constant 0 : i32
      %dma_start3A_42 = tpu.memref_slice %arg4[%add3A, %dma_start3A_40, %dma_start3A_41] : memref<32x80x128xi32, #tpu.memory_space<hbm>> -> memref<1x80x128xi32, #tpu.memory_space<hbm>>
      %dma_start3A_43 = tpu.memref_squeeze %dma_start3A_42 : memref<1x80x128xi32, #tpu.memory_space<hbm>> -> memref<80x128xi32, #tpu.memory_space<hbm>>
      tpu.enqueue_dma source(%dma_start3A_43 : memref<80x128xi32, #tpu.memory_space<hbm>>) target(%arg8 : memref<80x128xi32, #tpu.memory_space<vmem>>) target_semaphore(%run_scoped3A_35 : memref<!tpu.dma_semaphore, #tpu.memory_space<semaphore_mem>>)
      %dma_wait3A_44 = arith.constant 0 : i32
      %dma_wait3A_45 = arith.constant 0 : i32
      %dma_wait3A_46 = tpu.memref_slice %arg4[%add3A, %dma_wait3A_44, %dma_wait3A_45] : memref<32x80x128xi32, #tpu.memory_space<hbm>> -> memref<1x80x128xi32, #tpu.memory_space<hbm>>
      %dma_wait3A_47 = tpu.memref_squeeze %dma_wait3A_46 : memref<1x80x128xi32, #tpu.memory_space<hbm>> -> memref<80x128xi32, #tpu.memory_space<hbm>>
      %dma_wait3A_48 = arith.constant 0 : i32
      %dma_wait3A_49 = arith.constant 0 : i32
      %dma_wait3A_50 = tpu.memref_slice %arg4[%add3A, %dma_wait3A_48, %dma_wait3A_49] : memref<32x80x128xi32, #tpu.memory_space<hbm>> -> memref<1x80x128xi32, #tpu.memory_space<hbm>>
      %dma_wait3A_51 = tpu.memref_squeeze %dma_wait3A_50 : memref<1x80x128xi32, #tpu.memory_space<hbm>> -> memref<80x128xi32, #tpu.memory_space<hbm>>
      tpu.wait_dma2 semaphore(%run_scoped3A_35 : memref<!tpu.dma_semaphore, #tpu.memory_space<semaphore_mem>>) src(%dma_wait3A_51 : memref<80x128xi32, #tpu.memory_space<hbm>>) dst(%arg8 : memref<80x128xi32, #tpu.memory_space<vmem>>)
      tpu.yield
    }) : () -> ()
    "tpu.region"() ({
      %run_scoped3A_35 = tpu.sem_alloc : memref<!tpu.dma_semaphore, #tpu.memory_space<semaphore_mem>>
      %dma_start3A_36 = arith.constant 0 : i32
      %dma_start3A_37 = tpu.memref_slice %arg11[%mul3A_2, %dma_start3A_36] : memref<10240x64xf32, #tpu.memory_space<vmem_shared>> -> memref<640x64xf32, #tpu.memory_space<vmem_shared>>
      %dma_start3A_38 = arith.constant 0 : i32
      %dma_start3A_39 = tpu.memref_slice %arg2[%mul3A_2, %dma_start3A_38] : memref<10240x64xf32, #tpu.memory_space<hbm>> -> memref<640x64xf32, #tpu.memory_space<hbm>>
      tpu.enqueue_dma source(%dma_start3A_39 : memref<640x64xf32, #tpu.memory_space<hbm>>) target(%dma_start3A_37 : memref<640x64xf32, #tpu.memory_space<vmem_shared>>) target_semaphore(%run_scoped3A_35 : memref<!tpu.dma_semaphore, #tpu.memory_space<semaphore_mem>>)
      %dma_wait3A_40 = arith.constant 0 : i32
      %dma_wait3A_41 = tpu.memref_slice %arg11[%mul3A_2, %dma_wait3A_40] : memref<10240x64xf32, #tpu.memory_space<vmem_shared>> -> memref<640x64xf32, #tpu.memory_space<vmem_shared>>
      %dma_wait3A_42 = arith.constant 0 : i32
      %dma_wait3A_43 = tpu.memref_slice %arg2[%mul3A_2, %dma_wait3A_42] : memref<10240x64xf32, #tpu.memory_space<hbm>> -> memref<640x64xf32, #tpu.memory_space<hbm>>
      tpu.wait_dma2 semaphore(%run_scoped3A_35 : memref<!tpu.dma_semaphore, #tpu.memory_space<semaphore_mem>>) src(%dma_wait3A_43 : memref<640x64xf32, #tpu.memory_space<hbm>>) dst(%dma_wait3A_41 : memref<640x64xf32, #tpu.memory_space<vmem_shared>>)
      tpu.yield
    }) : () -> ()
    "tpu.region"() ({
      %run_scoped3A_35 = tpu.sem_alloc : memref<!tpu.dma_semaphore, #tpu.memory_space<semaphore_mem>>
      %dma_start3A_36 = arith.constant 0 : i32
      %dma_start3A_37 = arith.constant 0 : i32
      %dma_start3A_38 = tpu.memref_slice %arg3[%add3A, %dma_start3A_36, %dma_start3A_37] : memref<32x80x128xi32, #tpu.memory_space<hbm>> -> memref<1x80x128xi32, #tpu.memory_space<hbm>>
      %dma_start3A_39 = tpu.memref_squeeze %dma_start3A_38 : memref<1x80x128xi32, #tpu.memory_space<hbm>> -> memref<80x128xi32, #tpu.memory_space<hbm>>
      %dma_start3A_40 = arith.constant 0 : i32
      %dma_start3A_41 = arith.constant 0 : i32
      %dma_start3A_42 = tpu.memref_slice %arg3[%add3A, %dma_start3A_40, %dma_start3A_41] : memref<32x80x128xi32, #tpu.memory_space<hbm>> -> memref<1x80x128xi32, #tpu.memory_space<hbm>>
      %dma_start3A_43 = tpu.memref_squeeze %dma_start3A_42 : memref<1x80x128xi32, #tpu.memory_space<hbm>> -> memref<80x128xi32, #tpu.memory_space<hbm>>
      tpu.enqueue_dma source(%dma_start3A_43 : memref<80x128xi32, #tpu.memory_space<hbm>>) target(%arg7 : memref<80x128xi32, #tpu.memory_space<vmem>>) target_semaphore(%run_scoped3A_35 : memref<!tpu.dma_semaphore, #tpu.memory_space<semaphore_mem>>)
      %dma_wait3A_44 = arith.constant 0 : i32
      %dma_wait3A_45 = arith.constant 0 : i32
      %dma_wait3A_46 = tpu.memref_slice %arg3[%add3A, %dma_wait3A_44, %dma_wait3A_45] : memref<32x80x128xi32, #tpu.memory_space<hbm>> -> memref<1x80x128xi32, #tpu.memory_space<hbm>>
      %dma_wait3A_47 = tpu.memref_squeeze %dma_wait3A_46 : memref<1x80x128xi32, #tpu.memory_space<hbm>> -> memref<80x128xi32, #tpu.memory_space<hbm>>
      %dma_wait3A_48 = arith.constant 0 : i32
      %dma_wait3A_49 = arith.constant 0 : i32
      %dma_wait3A_50 = tpu.memref_slice %arg3[%add3A, %dma_wait3A_48, %dma_wait3A_49] : memref<32x80x128xi32, #tpu.memory_space<hbm>> -> memref<1x80x128xi32, #tpu.memory_space<hbm>>
      %dma_wait3A_51 = tpu.memref_squeeze %dma_wait3A_50 : memref<1x80x128xi32, #tpu.memory_space<hbm>> -> memref<80x128xi32, #tpu.memory_space<hbm>>
      tpu.wait_dma2 semaphore(%run_scoped3A_35 : memref<!tpu.dma_semaphore, #tpu.memory_space<semaphore_mem>>) src(%dma_wait3A_51 : memref<80x128xi32, #tpu.memory_space<hbm>>) dst(%arg7 : memref<80x128xi32, #tpu.memory_space<vmem>>)
      tpu.yield
    }) : () -> ()
    %barrier3A = arith.constant 0 : index
    tpu.barrier barrier_id(%barrier3A)
    %dma_start3A = arith.constant 0 : i32
    %dma_start3A_3 = arith.constant 0 : i32
    %dma_start3A_4 = tpu.memref_slice %arg7[%dma_start3A, %dma_start3A_3] : memref<80x128xi32, #tpu.memory_space<vmem>> -> memref<1x128xi32, #tpu.memory_space<vmem>>
    %dma_start3A_5 = tpu.memref_squeeze %dma_start3A_4 : memref<1x128xi32, #tpu.memory_space<vmem>> -> memref<128xi32, #tpu.memory_space<vmem>>
    %dma_start3A_6 = arith.constant 0 : i32
    %dma_start3A_7 = arith.constant 0 : i32
    %dma_start3A_8 = tpu.memref_slice %arg11[%dma_start3A_6, %dma_start3A_7] : memref<10240x64xf32, #tpu.memory_space<vmem_shared>> -> memref<10240x64xf32, #tpu.memory_space<vmem_shared>>
    tpu.enqueue_indirect_dma source(%dma_start3A_8 : memref<10240x64xf32, #tpu.memory_space<vmem_shared>>) target(%arg9 : memref<128x64xf32, #tpu.memory_space<vmem>>) offsets(%dma_start3A_5 : memref<128xi32, #tpu.memory_space<vmem>>) semaphore(%arg13 : memref<!tpu.dma_semaphore, #tpu.memory_space<semaphore_mem>>)
    %dma_start3A_9 = arith.constant 1 : i32
    %dma_start3A_10 = arith.constant 0 : i32
    %dma_start3A_11 = tpu.memref_slice %arg7[%dma_start3A_9, %dma_start3A_10] : memref<80x128xi32, #tpu.memory_space<vmem>> -> memref<1x128xi32, #tpu.memory_space<vmem>>
    %dma_start3A_12 = tpu.memref_squeeze %dma_start3A_11 : memref<1x128xi32, #tpu.memory_space<vmem>> -> memref<128xi32, #tpu.memory_space<vmem>>
    %dma_start3A_13 = arith.constant 0 : i32
    %dma_start3A_14 = arith.constant 0 : i32
    %dma_start3A_15 = tpu.memref_slice %arg11[%dma_start3A_13, %dma_start3A_14] : memref<10240x64xf32, #tpu.memory_space<vmem_shared>> -> memref<10240x64xf32, #tpu.memory_space<vmem_shared>>
    tpu.enqueue_indirect_dma source(%dma_start3A_15 : memref<10240x64xf32, #tpu.memory_space<vmem_shared>>) target(%arg10 : memref<128x64xf32, #tpu.memory_space<vmem>>) offsets(%dma_start3A_12 : memref<128xi32, #tpu.memory_space<vmem>>) semaphore(%arg14 : memref<!tpu.dma_semaphore, #tpu.memory_space<semaphore_mem>>)
    %scan3A = arith.constant 0 : i32
    %scan3A_16 = arith.constant 39 : i32
    %scan3A_17 = arith.addi %scan3A, %scan3A_16 : i32
    %scan3A_18 = arith.constant 1 : i32
    scf.for %scan3A_35 = %scan3A to %scan3A_17 step %scan3A_18  : i32 {
      %mul3A_36 = arith.constant 2 : i32
      %mul3A_37 = arith.muli %scan3A_35, %mul3A_36 : i32
      %add3A_38 = arith.constant 0 : i32
      %add3A_39 = arith.addi %add3A_38, %mul3A_37 : i32
      %dma_wait3A_40 = arith.constant 0 : i32
      %dma_wait3A_41 = tpu.memref_slice %arg7[%add3A_39, %dma_wait3A_40] : memref<80x128xi32, #tpu.memory_space<vmem>> -> memref<1x128xi32, #tpu.memory_space<vmem>>
      %dma_wait3A_42 = tpu.memref_squeeze %dma_wait3A_41 : memref<1x128xi32, #tpu.memory_space<vmem>> -> memref<128xi32, #tpu.memory_space<vmem>>
      %dma_wait3A_43 = arith.constant 0 : i32
      %dma_wait3A_44 = arith.constant 0 : i32
      %dma_wait3A_45 = tpu.memref_slice %arg11[%dma_wait3A_43, %dma_wait3A_44] : memref<10240x64xf32, #tpu.memory_space<vmem_shared>> -> memref<10240x64xf32, #tpu.memory_space<vmem_shared>>
      tpu.wait_indirect_dma semaphore(%arg13 : memref<!tpu.dma_semaphore, #tpu.memory_space<semaphore_mem>>) src(%dma_wait3A_45 : memref<10240x64xf32, #tpu.memory_space<vmem_shared>>) dst(%arg9 : memref<128x64xf32, #tpu.memory_space<vmem>>)
      "tpu.region"() ({
        %run_scoped3A_72 = tpu.sem_alloc : memref<!tpu.dma_semaphore, #tpu.memory_space<semaphore_mem>>
        %dma_start3A_73 = arith.constant 0 : i32
        %dma_start3A_74 = tpu.memref_slice %arg8[%add3A_39, %dma_start3A_73] : memref<80x128xi32, #tpu.memory_space<vmem>> -> memref<1x128xi32, #tpu.memory_space<vmem>>
        %dma_start3A_75 = tpu.memref_squeeze %dma_start3A_74 : memref<1x128xi32, #tpu.memory_space<vmem>> -> memref<128xi32, #tpu.memory_space<vmem>>
        %dma_start3A_76 = arith.constant 0 : i32
        %dma_start3A_77 = arith.constant 0 : i32
        %dma_start3A_78 = tpu.memref_slice %arg12[%dma_start3A_76, %dma_start3A_77] : memref<10240x64xf32, #tpu.memory_space<vmem_shared>> -> memref<10240x64xf32, #tpu.memory_space<vmem_shared>>
        tpu.enqueue_indirect_dma source(%arg9 : memref<128x64xf32, #tpu.memory_space<vmem>>) target(%dma_start3A_78 : memref<10240x64xf32, #tpu.memory_space<vmem_shared>>) offsets(%dma_start3A_75 : memref<128xi32, #tpu.memory_space<vmem>>) semaphore(%run_scoped3A_72 : memref<!tpu.dma_semaphore, #tpu.memory_space<semaphore_mem>>) {add = true}
        %dma_wait3A_79 = arith.constant 0 : i32
        %dma_wait3A_80 = tpu.memref_slice %arg8[%add3A_39, %dma_wait3A_79] : memref<80x128xi32, #tpu.memory_space<vmem>> -> memref<1x128xi32, #tpu.memory_space<vmem>>
        %dma_wait3A_81 = tpu.memref_squeeze %dma_wait3A_80 : memref<1x128xi32, #tpu.memory_space<vmem>> -> memref<128xi32, #tpu.memory_space<vmem>>
        %dma_wait3A_82 = arith.constant 0 : i32
        %dma_wait3A_83 = arith.constant 0 : i32
        %dma_wait3A_84 = tpu.memref_slice %arg12[%dma_wait3A_82, %dma_wait3A_83] : memref<10240x64xf32, #tpu.memory_space<vmem_shared>> -> memref<10240x64xf32, #tpu.memory_space<vmem_shared>>
        tpu.wait_indirect_dma semaphore(%run_scoped3A_72 : memref<!tpu.dma_semaphore, #tpu.memory_space<semaphore_mem>>) src(%arg9 : memref<128x64xf32, #tpu.memory_space<vmem>>) dst(%dma_wait3A_84 : memref<10240x64xf32, #tpu.memory_space<vmem_shared>>)
        tpu.yield
      }) : () -> ()
      %add3A_46 = arith.constant 2 : i32
      %add3A_47 = arith.addi %add3A_39, %add3A_46 : i32
      %dma_start3A_48 = arith.constant 0 : i32
      %dma_start3A_49 = tpu.memref_slice %arg7[%add3A_47, %dma_start3A_48] : memref<80x128xi32, #tpu.memory_space<vmem>> -> memref<1x128xi32, #tpu.memory_space<vmem>>
      %dma_start3A_50 = tpu.memref_squeeze %dma_start3A_49 : memref<1x128xi32, #tpu.memory_space<vmem>> -> memref<128xi32, #tpu.memory_space<vmem>>
      %dma_start3A_51 = arith.constant 0 : i32
      %dma_start3A_52 = arith.constant 0 : i32
      %dma_start3A_53 = tpu.memref_slice %arg11[%dma_start3A_51, %dma_start3A_52] : memref<10240x64xf32, #tpu.memory_space<vmem_shared>> -> memref<10240x64xf32, #tpu.memory_space<vmem_shared>>
      tpu.enqueue_indirect_dma source(%dma_start3A_53 : memref<10240x64xf32, #tpu.memory_space<vmem_shared>>) target(%arg9 : memref<128x64xf32, #tpu.memory_space<vmem>>) offsets(%dma_start3A_50 : memref<128xi32, #tpu.memory_space<vmem>>) semaphore(%arg13 : memref<!tpu.dma_semaphore, #tpu.memory_space<semaphore_mem>>)
      %add3A_54 = arith.constant 1 : i32
      %add3A_55 = arith.addi %add3A_39, %add3A_54 : i32
      %dma_wait3A_56 = arith.constant 0 : i32
      %dma_wait3A_57 = tpu.memref_slice %arg7[%add3A_55, %dma_wait3A_56] : memref<80x128xi32, #tpu.memory_space<vmem>> -> memref<1x128xi32, #tpu.memory_space<vmem>>
      %dma_wait3A_58 = tpu.memref_squeeze %dma_wait3A_57 : memref<1x128xi32, #tpu.memory_space<vmem>> -> memref<128xi32, #tpu.memory_space<vmem>>
      %dma_wait3A_59 = arith.constant 0 : i32
      %dma_wait3A_60 = arith.constant 0 : i32
      %dma_wait3A_61 = tpu.memref_slice %arg11[%dma_wait3A_59, %dma_wait3A_60] : memref<10240x64xf32, #tpu.memory_space<vmem_shared>> -> memref<10240x64xf32, #tpu.memory_space<vmem_shared>>
      tpu.wait_indirect_dma semaphore(%arg14 : memref<!tpu.dma_semaphore, #tpu.memory_space<semaphore_mem>>) src(%dma_wait3A_61 : memref<10240x64xf32, #tpu.memory_space<vmem_shared>>) dst(%arg10 : memref<128x64xf32, #tpu.memory_space<vmem>>)
      %add3A_62 = arith.constant 1 : i32
      %add3A_63 = arith.addi %add3A_39, %add3A_62 : i32
      "tpu.region"() ({
        %run_scoped3A_72 = tpu.sem_alloc : memref<!tpu.dma_semaphore, #tpu.memory_space<semaphore_mem>>
        %dma_start3A_73 = arith.constant 0 : i32
        %dma_start3A_74 = tpu.memref_slice %arg8[%add3A_63, %dma_start3A_73] : memref<80x128xi32, #tpu.memory_space<vmem>> -> memref<1x128xi32, #tpu.memory_space<vmem>>
        %dma_start3A_75 = tpu.memref_squeeze %dma_start3A_74 : memref<1x128xi32, #tpu.memory_space<vmem>> -> memref<128xi32, #tpu.memory_space<vmem>>
        %dma_start3A_76 = arith.constant 0 : i32
        %dma_start3A_77 = arith.constant 0 : i32
        %dma_start3A_78 = tpu.memref_slice %arg12[%dma_start3A_76, %dma_start3A_77] : memref<10240x64xf32, #tpu.memory_space<vmem_shared>> -> memref<10240x64xf32, #tpu.memory_space<vmem_shared>>
        tpu.enqueue_indirect_dma source(%arg10 : memref<128x64xf32, #tpu.memory_space<vmem>>) target(%dma_start3A_78 : memref<10240x64xf32, #tpu.memory_space<vmem_shared>>) offsets(%dma_start3A_75 : memref<128xi32, #tpu.memory_space<vmem>>) semaphore(%run_scoped3A_72 : memref<!tpu.dma_semaphore, #tpu.memory_space<semaphore_mem>>) {add = true}
        %dma_wait3A_79 = arith.constant 0 : i32
        %dma_wait3A_80 = tpu.memref_slice %arg8[%add3A_63, %dma_wait3A_79] : memref<80x128xi32, #tpu.memory_space<vmem>> -> memref<1x128xi32, #tpu.memory_space<vmem>>
        %dma_wait3A_81 = tpu.memref_squeeze %dma_wait3A_80 : memref<1x128xi32, #tpu.memory_space<vmem>> -> memref<128xi32, #tpu.memory_space<vmem>>
        %dma_wait3A_82 = arith.constant 0 : i32
        %dma_wait3A_83 = arith.constant 0 : i32
        %dma_wait3A_84 = tpu.memref_slice %arg12[%dma_wait3A_82, %dma_wait3A_83] : memref<10240x64xf32, #tpu.memory_space<vmem_shared>> -> memref<10240x64xf32, #tpu.memory_space<vmem_shared>>
        tpu.wait_indirect_dma semaphore(%run_scoped3A_72 : memref<!tpu.dma_semaphore, #tpu.memory_space<semaphore_mem>>) src(%arg10 : memref<128x64xf32, #tpu.memory_space<vmem>>) dst(%dma_wait3A_84 : memref<10240x64xf32, #tpu.memory_space<vmem_shared>>)
        tpu.yield
      }) : () -> ()
      %add3A_64 = arith.constant 3 : i32
      %add3A_65 = arith.addi %add3A_39, %add3A_64 : i32
      %dma_start3A_66 = arith.constant 0 : i32
      %dma_start3A_67 = tpu.memref_slice %arg7[%add3A_65, %dma_start3A_66] : memref<80x128xi32, #tpu.memory_space<vmem>> -> memref<1x128xi32, #tpu.memory_space<vmem>>
      %dma_start3A_68 = tpu.memref_squeeze %dma_start3A_67 : memref<1x128xi32, #tpu.memory_space<vmem>> -> memref<128xi32, #tpu.memory_space<vmem>>
      %dma_start3A_69 = arith.constant 0 : i32
      %dma_start3A_70 = arith.constant 0 : i32
      %dma_start3A_71 = tpu.memref_slice %arg11[%dma_start3A_69, %dma_start3A_70] : memref<10240x64xf32, #tpu.memory_space<vmem_shared>> -> memref<10240x64xf32, #tpu.memory_space<vmem_shared>>
      tpu.enqueue_indirect_dma source(%dma_start3A_71 : memref<10240x64xf32, #tpu.memory_space<vmem_shared>>) target(%arg10 : memref<128x64xf32, #tpu.memory_space<vmem>>) offsets(%dma_start3A_68 : memref<128xi32, #tpu.memory_space<vmem>>) semaphore(%arg14 : memref<!tpu.dma_semaphore, #tpu.memory_space<semaphore_mem>>)
    }
    %scan3A_19 = arith.constant 39 : i32
    %dma_wait3A = arith.constant 78 : i32
    %dma_wait3A_20 = arith.constant 0 : i32
    %dma_wait3A_21 = tpu.memref_slice %arg7[%dma_wait3A, %dma_wait3A_20] : memref<80x128xi32, #tpu.memory_space<vmem>> -> memref<1x128xi32, #tpu.memory_space<vmem>>
    %dma_wait3A_22 = tpu.memref_squeeze %dma_wait3A_21 : memref<1x128xi32, #tpu.memory_space<vmem>> -> memref<128xi32, #tpu.memory_space<vmem>>
    %dma_wait3A_23 = arith.constant 0 : i32
    %dma_wait3A_24 = arith.constant 0 : i32
    %dma_wait3A_25 = tpu.memref_slice %arg11[%dma_wait3A_23, %dma_wait3A_24] : memref<10240x64xf32, #tpu.memory_space<vmem_shared>> -> memref<10240x64xf32, #tpu.memory_space<vmem_shared>>
    tpu.wait_indirect_dma semaphore(%arg13 : memref<!tpu.dma_semaphore, #tpu.memory_space<semaphore_mem>>) src(%dma_wait3A_25 : memref<10240x64xf32, #tpu.memory_space<vmem_shared>>) dst(%arg9 : memref<128x64xf32, #tpu.memory_space<vmem>>)
    %run_scoped3A = arith.constant 78 : i32
    "tpu.region"() ({
      %run_scoped3A_35 = tpu.sem_alloc : memref<!tpu.dma_semaphore, #tpu.memory_space<semaphore_mem>>
      %dma_start3A_36 = arith.constant 0 : i32
      %dma_start3A_37 = tpu.memref_slice %arg8[%run_scoped3A, %dma_start3A_36] : memref<80x128xi32, #tpu.memory_space<vmem>> -> memref<1x128xi32, #tpu.memory_space<vmem>>
      %dma_start3A_38 = tpu.memref_squeeze %dma_start3A_37 : memref<1x128xi32, #tpu.memory_space<vmem>> -> memref<128xi32, #tpu.memory_space<vmem>>
      %dma_start3A_39 = arith.constant 0 : i32
      %dma_start3A_40 = arith.constant 0 : i32
      %dma_start3A_41 = tpu.memref_slice %arg12[%dma_start3A_39, %dma_start3A_40] : memref<10240x64xf32, #tpu.memory_space<vmem_shared>> -> memref<10240x64xf32, #tpu.memory_space<vmem_shared>>
      tpu.enqueue_indirect_dma source(%arg9 : memref<128x64xf32, #tpu.memory_space<vmem>>) target(%dma_start3A_41 : memref<10240x64xf32, #tpu.memory_space<vmem_shared>>) offsets(%dma_start3A_38 : memref<128xi32, #tpu.memory_space<vmem>>) semaphore(%run_scoped3A_35 : memref<!tpu.dma_semaphore, #tpu.memory_space<semaphore_mem>>) {add = true}
      %dma_wait3A_42 = arith.constant 0 : i32
      %dma_wait3A_43 = tpu.memref_slice %arg8[%run_scoped3A, %dma_wait3A_42] : memref<80x128xi32, #tpu.memory_space<vmem>> -> memref<1x128xi32, #tpu.memory_space<vmem>>
      %dma_wait3A_44 = tpu.memref_squeeze %dma_wait3A_43 : memref<1x128xi32, #tpu.memory_space<vmem>> -> memref<128xi32, #tpu.memory_space<vmem>>
      %dma_wait3A_45 = arith.constant 0 : i32
      %dma_wait3A_46 = arith.constant 0 : i32
      %dma_wait3A_47 = tpu.memref_slice %arg12[%dma_wait3A_45, %dma_wait3A_46] : memref<10240x64xf32, #tpu.memory_space<vmem_shared>> -> memref<10240x64xf32, #tpu.memory_space<vmem_shared>>
      tpu.wait_indirect_dma semaphore(%run_scoped3A_35 : memref<!tpu.dma_semaphore, #tpu.memory_space<semaphore_mem>>) src(%arg9 : memref<128x64xf32, #tpu.memory_space<vmem>>) dst(%dma_wait3A_47 : memref<10240x64xf32, #tpu.memory_space<vmem_shared>>)
      tpu.yield
    }) : () -> ()
    %dma_wait3A_26 = arith.constant 79 : i32
    %dma_wait3A_27 = arith.constant 0 : i32
    %dma_wait3A_28 = tpu.memref_slice %arg7[%dma_wait3A_26, %dma_wait3A_27] : memref<80x128xi32, #tpu.memory_space<vmem>> -> memref<1x128xi32, #tpu.memory_space<vmem>>
    %dma_wait3A_29 = tpu.memref_squeeze %dma_wait3A_28 : memref<1x128xi32, #tpu.memory_space<vmem>> -> memref<128xi32, #tpu.memory_space<vmem>>
    %dma_wait3A_30 = arith.constant 0 : i32
    %dma_wait3A_31 = arith.constant 0 : i32
    %dma_wait3A_32 = tpu.memref_slice %arg11[%dma_wait3A_30, %dma_wait3A_31] : memref<10240x64xf32, #tpu.memory_space<vmem_shared>> -> memref<10240x64xf32, #tpu.memory_space<vmem_shared>>
    tpu.wait_indirect_dma semaphore(%arg14 : memref<!tpu.dma_semaphore, #tpu.memory_space<semaphore_mem>>) src(%dma_wait3A_32 : memref<10240x64xf32, #tpu.memory_space<vmem_shared>>) dst(%arg10 : memref<128x64xf32, #tpu.memory_space<vmem>>)
    %run_scoped3A_33 = arith.constant 79 : i32
    "tpu.region"() ({
      %run_scoped3A_35 = tpu.sem_alloc : memref<!tpu.dma_semaphore, #tpu.memory_space<semaphore_mem>>
      %dma_start3A_36 = arith.constant 0 : i32
      %dma_start3A_37 = tpu.memref_slice %arg8[%run_scoped3A_33, %dma_start3A_36] : memref<80x128xi32, #tpu.memory_space<vmem>> -> memref<1x128xi32, #tpu.memory_space<vmem>>
      %dma_start3A_38 = tpu.memref_squeeze %dma_start3A_37 : memref<1x128xi32, #tpu.memory_space<vmem>> -> memref<128xi32, #tpu.memory_space<vmem>>
      %dma_start3A_39 = arith.constant 0 : i32
      %dma_start3A_40 = arith.constant 0 : i32
      %dma_start3A_41 = tpu.memref_slice %arg12[%dma_start3A_39, %dma_start3A_40] : memref<10240x64xf32, #tpu.memory_space<vmem_shared>> -> memref<10240x64xf32, #tpu.memory_space<vmem_shared>>
      tpu.enqueue_indirect_dma source(%arg10 : memref<128x64xf32, #tpu.memory_space<vmem>>) target(%dma_start3A_41 : memref<10240x64xf32, #tpu.memory_space<vmem_shared>>) offsets(%dma_start3A_38 : memref<128xi32, #tpu.memory_space<vmem>>) semaphore(%run_scoped3A_35 : memref<!tpu.dma_semaphore, #tpu.memory_space<semaphore_mem>>) {add = true}
      %dma_wait3A_42 = arith.constant 0 : i32
      %dma_wait3A_43 = tpu.memref_slice %arg8[%run_scoped3A_33, %dma_wait3A_42] : memref<80x128xi32, #tpu.memory_space<vmem>> -> memref<1x128xi32, #tpu.memory_space<vmem>>
      %dma_wait3A_44 = tpu.memref_squeeze %dma_wait3A_43 : memref<1x128xi32, #tpu.memory_space<vmem>> -> memref<128xi32, #tpu.memory_space<vmem>>
      %dma_wait3A_45 = arith.constant 0 : i32
      %dma_wait3A_46 = arith.constant 0 : i32
      %dma_wait3A_47 = tpu.memref_slice %arg12[%dma_wait3A_45, %dma_wait3A_46] : memref<10240x64xf32, #tpu.memory_space<vmem_shared>> -> memref<10240x64xf32, #tpu.memory_space<vmem_shared>>
      tpu.wait_indirect_dma semaphore(%run_scoped3A_35 : memref<!tpu.dma_semaphore, #tpu.memory_space<semaphore_mem>>) src(%arg10 : memref<128x64xf32, #tpu.memory_space<vmem>>) dst(%dma_wait3A_47 : memref<10240x64xf32, #tpu.memory_space<vmem_shared>>)
      tpu.yield
    }) : () -> ()
    %barrier3A_34 = arith.constant 0 : index
    tpu.barrier barrier_id(%barrier3A_34)
    "tpu.region"() ({
      %run_scoped3A_35 = tpu.sem_alloc : memref<!tpu.dma_semaphore, #tpu.memory_space<semaphore_mem>>
      %dma_start3A_36 = arith.constant 0 : i32
      %dma_start3A_37 = arith.constant 0 : i32
      %dma_start3A_38 = tpu.memref_slice %arg6[%arg0, %dma_start3A_36, %dma_start3A_37] : memref<2x10240x64xf32, #tpu.memory_space<hbm>> -> memref<1x10240x64xf32, #tpu.memory_space<hbm>>
      %dma_start3A_39 = tpu.memref_squeeze %dma_start3A_38 : memref<1x10240x64xf32, #tpu.memory_space<hbm>> -> memref<10240x64xf32, #tpu.memory_space<hbm>>
      %dma_start3A_40 = arith.constant 0 : i32
      %dma_start3A_41 = tpu.memref_slice %dma_start3A_39[%mul3A_2, %dma_start3A_40] : memref<10240x64xf32, #tpu.memory_space<hbm>> -> memref<640x64xf32, #tpu.memory_space<hbm>>
      %dma_start3A_42 = arith.constant 0 : i32
      %dma_start3A_43 = tpu.memref_slice %arg12[%mul3A_2, %dma_start3A_42] : memref<10240x64xf32, #tpu.memory_space<vmem_shared>> -> memref<640x64xf32, #tpu.memory_space<vmem_shared>>
      tpu.enqueue_dma source(%dma_start3A_43 : memref<640x64xf32, #tpu.memory_space<vmem_shared>>) target(%dma_start3A_41 : memref<640x64xf32, #tpu.memory_space<hbm>>) target_semaphore(%run_scoped3A_35 : memref<!tpu.dma_semaphore, #tpu.memory_space<semaphore_mem>>)
      %dma_wait3A_44 = arith.constant 0 : i32
      %dma_wait3A_45 = arith.constant 0 : i32
      %dma_wait3A_46 = tpu.memref_slice %arg6[%arg0, %dma_wait3A_44, %dma_wait3A_45] : memref<2x10240x64xf32, #tpu.memory_space<hbm>> -> memref<1x10240x64xf32, #tpu.memory_space<hbm>>
      %dma_wait3A_47 = tpu.memref_squeeze %dma_wait3A_46 : memref<1x10240x64xf32, #tpu.memory_space<hbm>> -> memref<10240x64xf32, #tpu.memory_space<hbm>>
      %dma_wait3A_48 = arith.constant 0 : i32
      %dma_wait3A_49 = tpu.memref_slice %dma_wait3A_47[%mul3A_2, %dma_wait3A_48] : memref<10240x64xf32, #tpu.memory_space<hbm>> -> memref<640x64xf32, #tpu.memory_space<hbm>>
      %dma_wait3A_50 = arith.constant 0 : i32
      %dma_wait3A_51 = tpu.memref_slice %arg12[%mul3A_2, %dma_wait3A_50] : memref<10240x64xf32, #tpu.memory_space<vmem_shared>> -> memref<640x64xf32, #tpu.memory_space<vmem_shared>>
      tpu.wait_dma2 semaphore(%run_scoped3A_35 : memref<!tpu.dma_semaphore, #tpu.memory_space<semaphore_mem>>) src(%dma_wait3A_51 : memref<640x64xf32, #tpu.memory_space<vmem_shared>>) dst(%dma_wait3A_49 : memref<640x64xf32, #tpu.memory_space<hbm>>)
      tpu.yield
    }) : () -> ()
    return
  }
}

#map = affine_map<(d0, d1) -> (0, 0)>
#map1 = affine_map<(d0, d1) -> (0, 0, 0)>
module attributes {stable_mosaic.version = 14 : i64} {
  func.func @k(%arg0: i32, %arg1: i32, %arg2: memref<10240x64xf32, #tpu.memory_space<hbm>>, %arg3: memref<32x80x128xi32, #tpu.memory_space<hbm>>, %arg4: memref<32x80x128xi32, #tpu.memory_space<hbm>>, %arg5: memref<10240x64xf32, #tpu.memory_space<hbm>>, %arg6: memref<2x10240x64xf32, #tpu.memory_space<hbm>>, %arg7: memref<80x128xi32, #tpu.memory_space<vmem>>, %arg8: memref<80x128xi32, #tpu.memory_space<vmem>>, %arg9: memref<128x64xf32, #tpu.memory_space<vmem>>, %arg10: memref<128x64xf32, #tpu.memory_space<vmem>>, %arg11: memref<10240x64xf32, #tpu.memory_space<vmem_shared>>, %arg12: memref<10240x64xf32, #tpu.memory_space<vmem_shared>>, %arg13: memref<!tpu.dma_semaphore, #tpu.memory_space<semaphore_mem>>, %arg14: memref<!tpu.dma_semaphore, #tpu.memory_space<semaphore_mem>>) attributes {dimension_semantics = [#tpu.dimension_semantics<core_parallel>, #tpu.dimension_semantics<subcore_parallel>], iteration_bounds = array<i64: 2, 16>, scalar_prefetch = 0 : i64, scratch_operands = 8 : i64, tpu.core_type = #tpu.core_type<sc_vector_subcore>, window_params = [{transform_indices = #map}, {transform_indices = #map1}, {transform_indices = #map1}, {transform_indices = #map}, {transform_indices = #map1}]} {
    %mul3A = arith.constant 16 : i32
    %mul3A_0 = arith.muli %arg0, %mul3A : i32
    %add3A = arith.addi %mul3A_0, %arg1 : i32
    %mul3A_1 = arith.constant 640 : i32
    %mul3A_2 = arith.muli %arg1, %mul3A_1 : i32
    "tpu.region"() ({
      %run_scoped3A_35 = tpu.sem_alloc : memref<!tpu.dma_semaphore, #tpu.memory_space<semaphore_mem>>
      %dma_start3A_36 = arith.constant 0 : i32
      %dma_start3A_37 = tpu.memref_slice %arg12[%mul3A_2, %dma_start3A_36] : memref<10240x64xf32, #tpu.memory_space<vmem_shared>> -> memref<640x64xf32, #tpu.memory_space<vmem_shared>>
      %dma_start3A_38 = arith.constant 0 : i32
      %dma_start3A_39 = tpu.memref_slice %arg5[%mul3A_2, %dma_start3A_38] : memref<10240x64xf32, #tpu.memory_space<hbm>> -> memref<640x64xf32, #tpu.memory_space<hbm>>
      tpu.enqueue_dma source(%dma_start3A_39 : memref<640x64xf32, #tpu.memory_space<hbm>>) target(%dma_start3A_37 : memref<640x64xf32, #tpu.memory_space<vmem_shared>>) target_semaphore(%run_scoped3A_35 : memref<!tpu.dma_semaphore, #tpu.memory_space<semaphore_mem>>)
      %dma_wait3A_40 = arith.constant 0 : i32
      %dma_wait3A_41 = tpu.memref_slice %arg12[%mul3A_2, %dma_wait3A_40] : memref<10240x64xf32, #tpu.memory_space<vmem_shared>> -> memref<640x64xf32, #tpu.memory_space<vmem_shared>>
      %dma_wait3A_42 = arith.constant 0 : i32
      %dma_wait3A_43 = tpu.memref_slice %arg5[%mul3A_2, %dma_wait3A_42] : memref<10240x64xf32, #tpu.memory_space<hbm>> -> memref<640x64xf32, #tpu.memory_space<hbm>>
      tpu.wait_dma2 semaphore(%run_scoped3A_35 : memref<!tpu.dma_semaphore, #tpu.memory_space<semaphore_mem>>) src(%dma_wait3A_43 : memref<640x64xf32, #tpu.memory_space<hbm>>) dst(%dma_wait3A_41 : memref<640x64xf32, #tpu.memory_space<vmem_shared>>)
      tpu.yield
    }) : () -> ()
    "tpu.region"() ({
      %run_scoped3A_35 = tpu.sem_alloc : memref<!tpu.dma_semaphore, #tpu.memory_space<semaphore_mem>>
      %dma_start3A_36 = arith.constant 0 : i32
      %dma_start3A_37 = arith.constant 0 : i32
      %dma_start3A_38 = tpu.memref_slice %arg4[%add3A, %dma_start3A_36, %dma_start3A_37] : memref<32x80x128xi32, #tpu.memory_space<hbm>> -> memref<1x80x128xi32, #tpu.memory_space<hbm>>
      %dma_start3A_39 = tpu.memref_squeeze %dma_start3A_38 : memref<1x80x128xi32, #tpu.memory_space<hbm>> -> memref<80x128xi32, #tpu.memory_space<hbm>>
      %dma_start3A_40 = arith.constant 0 : i32
      %dma_start3A_41 = arith.constant 0 : i32
      %dma_start3A_42 = tpu.memref_slice %arg4[%add3A, %dma_start3A_40, %dma_start3A_41] : memref<32x80x128xi32, #tpu.memory_space<hbm>> -> memref<1x80x128xi32, #tpu.memory_space<hbm>>
      %dma_start3A_43 = tpu.memref_squeeze %dma_start3A_42 : memref<1x80x128xi32, #tpu.memory_space<hbm>> -> memref<80x128xi32, #tpu.memory_space<hbm>>
      tpu.enqueue_dma source(%dma_start3A_43 : memref<80x128xi32, #tpu.memory_space<hbm>>) target(%arg8 : memref<80x128xi32, #tpu.memory_space<vmem>>) target_semaphore(%run_scoped3A_35 : memref<!tpu.dma_semaphore, #tpu.memory_space<semaphore_mem>>)
      %dma_wait3A_44 = arith.constant 0 : i32
      %dma_wait3A_45 = arith.constant 0 : i32
      %dma_wait3A_46 = tpu.memref_slice %arg4[%add3A, %dma_wait3A_44, %dma_wait3A_45] : memref<32x80x128xi32, #tpu.memory_space<hbm>> -> memref<1x80x128xi32, #tpu.memory_space<hbm>>
      %dma_wait3A_47 = tpu.memref_squeeze %dma_wait3A_46 : memref<1x80x128xi32, #tpu.memory_space<hbm>> -> memref<80x128xi32, #tpu.memory_space<hbm>>
      %dma_wait3A_48 = arith.constant 0 : i32
      %dma_wait3A_49 = arith.constant 0 : i32
      %dma_wait3A_50 = tpu.memref_slice %arg4[%add3A, %dma_wait3A_48, %dma_wait3A_49] : memref<32x80x128xi32, #tpu.memory_space<hbm>> -> memref<1x80x128xi32, #tpu.memory_space<hbm>>
      %dma_wait3A_51 = tpu.memref_squeeze %dma_wait3A_50 : memref<1x80x128xi32, #tpu.memory_space<hbm>> -> memref<80x128xi32, #tpu.memory_space<hbm>>
      tpu.wait_dma2 semaphore(%run_scoped3A_35 : memref<!tpu.dma_semaphore, #tpu.memory_space<semaphore_mem>>) src(%dma_wait3A_51 : memref<80x128xi32, #tpu.memory_space<hbm>>) dst(%arg8 : memref<80x128xi32, #tpu.memory_space<vmem>>)
      tpu.yield
    }) : () -> ()
    "tpu.region"() ({
      %run_scoped3A_35 = tpu.sem_alloc : memref<!tpu.dma_semaphore, #tpu.memory_space<semaphore_mem>>
      %dma_start3A_36 = arith.constant 0 : i32
      %dma_start3A_37 = tpu.memref_slice %arg11[%mul3A_2, %dma_start3A_36] : memref<10240x64xf32, #tpu.memory_space<vmem_shared>> -> memref<640x64xf32, #tpu.memory_space<vmem_shared>>
      %dma_start3A_38 = arith.constant 0 : i32
      %dma_start3A_39 = tpu.memref_slice %arg2[%mul3A_2, %dma_start3A_38] : memref<10240x64xf32, #tpu.memory_space<hbm>> -> memref<640x64xf32, #tpu.memory_space<hbm>>
      tpu.enqueue_dma source(%dma_start3A_39 : memref<640x64xf32, #tpu.memory_space<hbm>>) target(%dma_start3A_37 : memref<640x64xf32, #tpu.memory_space<vmem_shared>>) target_semaphore(%run_scoped3A_35 : memref<!tpu.dma_semaphore, #tpu.memory_space<semaphore_mem>>)
      %dma_wait3A_40 = arith.constant 0 : i32
      %dma_wait3A_41 = tpu.memref_slice %arg11[%mul3A_2, %dma_wait3A_40] : memref<10240x64xf32, #tpu.memory_space<vmem_shared>> -> memref<640x64xf32, #tpu.memory_space<vmem_shared>>
      %dma_wait3A_42 = arith.constant 0 : i32
      %dma_wait3A_43 = tpu.memref_slice %arg2[%mul3A_2, %dma_wait3A_42] : memref<10240x64xf32, #tpu.memory_space<hbm>> -> memref<640x64xf32, #tpu.memory_space<hbm>>
      tpu.wait_dma2 semaphore(%run_scoped3A_35 : memref<!tpu.dma_semaphore, #tpu.memory_space<semaphore_mem>>) src(%dma_wait3A_43 : memref<640x64xf32, #tpu.memory_space<hbm>>) dst(%dma_wait3A_41 : memref<640x64xf32, #tpu.memory_space<vmem_shared>>)
      tpu.yield
    }) : () -> ()
    "tpu.region"() ({
      %run_scoped3A_35 = tpu.sem_alloc : memref<!tpu.dma_semaphore, #tpu.memory_space<semaphore_mem>>
      %dma_start3A_36 = arith.constant 0 : i32
      %dma_start3A_37 = arith.constant 0 : i32
      %dma_start3A_38 = tpu.memref_slice %arg3[%add3A, %dma_start3A_36, %dma_start3A_37] : memref<32x80x128xi32, #tpu.memory_space<hbm>> -> memref<1x80x128xi32, #tpu.memory_space<hbm>>
      %dma_start3A_39 = tpu.memref_squeeze %dma_start3A_38 : memref<1x80x128xi32, #tpu.memory_space<hbm>> -> memref<80x128xi32, #tpu.memory_space<hbm>>
      %dma_start3A_40 = arith.constant 0 : i32
      %dma_start3A_41 = arith.constant 0 : i32
      %dma_start3A_42 = tpu.memref_slice %arg3[%add3A, %dma_start3A_40, %dma_start3A_41] : memref<32x80x128xi32, #tpu.memory_space<hbm>> -> memref<1x80x128xi32, #tpu.memory_space<hbm>>
      %dma_start3A_43 = tpu.memref_squeeze %dma_start3A_42 : memref<1x80x128xi32, #tpu.memory_space<hbm>> -> memref<80x128xi32, #tpu.memory_space<hbm>>
      tpu.enqueue_dma source(%dma_start3A_43 : memref<80x128xi32, #tpu.memory_space<hbm>>) target(%arg7 : memref<80x128xi32, #tpu.memory_space<vmem>>) target_semaphore(%run_scoped3A_35 : memref<!tpu.dma_semaphore, #tpu.memory_space<semaphore_mem>>)
      %dma_wait3A_44 = arith.constant 0 : i32
      %dma_wait3A_45 = arith.constant 0 : i32
      %dma_wait3A_46 = tpu.memref_slice %arg3[%add3A, %dma_wait3A_44, %dma_wait3A_45] : memref<32x80x128xi32, #tpu.memory_space<hbm>> -> memref<1x80x128xi32, #tpu.memory_space<hbm>>
      %dma_wait3A_47 = tpu.memref_squeeze %dma_wait3A_46 : memref<1x80x128xi32, #tpu.memory_space<hbm>> -> memref<80x128xi32, #tpu.memory_space<hbm>>
      %dma_wait3A_48 = arith.constant 0 : i32
      %dma_wait3A_49 = arith.constant 0 : i32
      %dma_wait3A_50 = tpu.memref_slice %arg3[%add3A, %dma_wait3A_48, %dma_wait3A_49] : memref<32x80x128xi32, #tpu.memory_space<hbm>> -> memref<1x80x128xi32, #tpu.memory_space<hbm>>
      %dma_wait3A_51 = tpu.memref_squeeze %dma_wait3A_50 : memref<1x80x128xi32, #tpu.memory_space<hbm>> -> memref<80x128xi32, #tpu.memory_space<hbm>>
      tpu.wait_dma2 semaphore(%run_scoped3A_35 : memref<!tpu.dma_semaphore, #tpu.memory_space<semaphore_mem>>) src(%dma_wait3A_51 : memref<80x128xi32, #tpu.memory_space<hbm>>) dst(%arg7 : memref<80x128xi32, #tpu.memory_space<vmem>>)
      tpu.yield
    }) : () -> ()
    %barrier3A = arith.constant 0 : index
    tpu.barrier barrier_id(%barrier3A)
    %dma_start3A = arith.constant 0 : i32
    %dma_start3A_3 = arith.constant 0 : i32
    %dma_start3A_4 = tpu.memref_slice %arg7[%dma_start3A, %dma_start3A_3] : memref<80x128xi32, #tpu.memory_space<vmem>> -> memref<1x128xi32, #tpu.memory_space<vmem>>
    %dma_start3A_5 = tpu.memref_squeeze %dma_start3A_4 : memref<1x128xi32, #tpu.memory_space<vmem>> -> memref<128xi32, #tpu.memory_space<vmem>>
    %dma_start3A_6 = arith.constant 0 : i32
    %dma_start3A_7 = arith.constant 0 : i32
    %dma_start3A_8 = tpu.memref_slice %arg11[%dma_start3A_6, %dma_start3A_7] : memref<10240x64xf32, #tpu.memory_space<vmem_shared>> -> memref<10240x64xf32, #tpu.memory_space<vmem_shared>>
    tpu.enqueue_indirect_dma source(%dma_start3A_8 : memref<10240x64xf32, #tpu.memory_space<vmem_shared>>) target(%arg9 : memref<128x64xf32, #tpu.memory_space<vmem>>) offsets(%dma_start3A_5 : memref<128xi32, #tpu.memory_space<vmem>>) semaphore(%arg13 : memref<!tpu.dma_semaphore, #tpu.memory_space<semaphore_mem>>)
    %dma_start3A_9 = arith.constant 1 : i32
    %dma_start3A_10 = arith.constant 0 : i32
    %dma_start3A_11 = tpu.memref_slice %arg7[%dma_start3A_9, %dma_start3A_10] : memref<80x128xi32, #tpu.memory_space<vmem>> -> memref<1x128xi32, #tpu.memory_space<vmem>>
    %dma_start3A_12 = tpu.memref_squeeze %dma_start3A_11 : memref<1x128xi32, #tpu.memory_space<vmem>> -> memref<128xi32, #tpu.memory_space<vmem>>
    %dma_start3A_13 = arith.constant 0 : i32
    %dma_start3A_14 = arith.constant 0 : i32
    %dma_start3A_15 = tpu.memref_slice %arg11[%dma_start3A_13, %dma_start3A_14] : memref<10240x64xf32, #tpu.memory_space<vmem_shared>> -> memref<10240x64xf32, #tpu.memory_space<vmem_shared>>
    tpu.enqueue_indirect_dma source(%dma_start3A_15 : memref<10240x64xf32, #tpu.memory_space<vmem_shared>>) target(%arg10 : memref<128x64xf32, #tpu.memory_space<vmem>>) offsets(%dma_start3A_12 : memref<128xi32, #tpu.memory_space<vmem>>) semaphore(%arg14 : memref<!tpu.dma_semaphore, #tpu.memory_space<semaphore_mem>>)
    %scan3A = arith.constant 0 : i32
    %scan3A_16 = arith.constant 39 : i32
    %scan3A_17 = arith.addi %scan3A, %scan3A_16 : i32
    %scan3A_18 = arith.constant 1 : i32
    scf.for %scan3A_35 = %scan3A to %scan3A_17 step %scan3A_18  : i32 {
      %mul3A_36 = arith.constant 2 : i32
      %mul3A_37 = arith.muli %scan3A_35, %mul3A_36 : i32
      %add3A_38 = arith.constant 0 : i32
      %add3A_39 = arith.addi %add3A_38, %mul3A_37 : i32
      %dma_wait3A_40 = arith.constant 0 : i32
      %dma_wait3A_41 = tpu.memref_slice %arg7[%add3A_39, %dma_wait3A_40] : memref<80x128xi32, #tpu.memory_space<vmem>> -> memref<1x128xi32, #tpu.memory_space<vmem>>
      %dma_wait3A_42 = tpu.memref_squeeze %dma_wait3A_41 : memref<1x128xi32, #tpu.memory_space<vmem>> -> memref<128xi32, #tpu.memory_space<vmem>>
      %dma_wait3A_43 = arith.constant 0 : i32
      %dma_wait3A_44 = arith.constant 0 : i32
      %dma_wait3A_45 = tpu.memref_slice %arg11[%dma_wait3A_43, %dma_wait3A_44] : memref<10240x64xf32, #tpu.memory_space<vmem_shared>> -> memref<10240x64xf32, #tpu.memory_space<vmem_shared>>
      tpu.wait_indirect_dma semaphore(%arg13 : memref<!tpu.dma_semaphore, #tpu.memory_space<semaphore_mem>>) src(%dma_wait3A_45 : memref<10240x64xf32, #tpu.memory_space<vmem_shared>>) dst(%arg9 : memref<128x64xf32, #tpu.memory_space<vmem>>)
      "tpu.region"() ({
        %run_scoped3A_72 = tpu.sem_alloc : memref<!tpu.dma_semaphore, #tpu.memory_space<semaphore_mem>>
        %dma_start3A_73 = arith.constant 0 : i32
        %dma_start3A_74 = tpu.memref_slice %arg8[%add3A_39, %dma_start3A_73] : memref<80x128xi32, #tpu.memory_space<vmem>> -> memref<1x128xi32, #tpu.memory_space<vmem>>
        %dma_start3A_75 = tpu.memref_squeeze %dma_start3A_74 : memref<1x128xi32, #tpu.memory_space<vmem>> -> memref<128xi32, #tpu.memory_space<vmem>>
        %dma_start3A_76 = arith.constant 0 : i32
        %dma_start3A_77 = arith.constant 0 : i32
        %dma_start3A_78 = tpu.memref_slice %arg12[%dma_start3A_76, %dma_start3A_77] : memref<10240x64xf32, #tpu.memory_space<vmem_shared>> -> memref<10240x64xf32, #tpu.memory_space<vmem_shared>>
        tpu.enqueue_indirect_dma source(%arg9 : memref<128x64xf32, #tpu.memory_space<vmem>>) target(%dma_start3A_78 : memref<10240x64xf32, #tpu.memory_space<vmem_shared>>) offsets(%dma_start3A_75 : memref<128xi32, #tpu.memory_space<vmem>>) semaphore(%run_scoped3A_72 : memref<!tpu.dma_semaphore, #tpu.memory_space<semaphore_mem>>) {add = true}
        %dma_wait3A_79 = arith.constant 0 : i32
        %dma_wait3A_80 = tpu.memref_slice %arg8[%add3A_39, %dma_wait3A_79] : memref<80x128xi32, #tpu.memory_space<vmem>> -> memref<1x128xi32, #tpu.memory_space<vmem>>
        %dma_wait3A_81 = tpu.memref_squeeze %dma_wait3A_80 : memref<1x128xi32, #tpu.memory_space<vmem>> -> memref<128xi32, #tpu.memory_space<vmem>>
        %dma_wait3A_82 = arith.constant 0 : i32
        %dma_wait3A_83 = arith.constant 0 : i32
        %dma_wait3A_84 = tpu.memref_slice %arg12[%dma_wait3A_82, %dma_wait3A_83] : memref<10240x64xf32, #tpu.memory_space<vmem_shared>> -> memref<10240x64xf32, #tpu.memory_space<vmem_shared>>
        tpu.wait_indirect_dma semaphore(%run_scoped3A_72 : memref<!tpu.dma_semaphore, #tpu.memory_space<semaphore_mem>>) src(%arg9 : memref<128x64xf32, #tpu.memory_space<vmem>>) dst(%dma_wait3A_84 : memref<10240x64xf32, #tpu.memory_space<vmem_shared>>)
        tpu.yield
      }) : () -> ()
      %add3A_46 = arith.constant 2 : i32
      %add3A_47 = arith.addi %add3A_39, %add3A_46 : i32
      %dma_start3A_48 = arith.constant 0 : i32
      %dma_start3A_49 = tpu.memref_slice %arg7[%add3A_47, %dma_start3A_48] : memref<80x128xi32, #tpu.memory_space<vmem>> -> memref<1x128xi32, #tpu.memory_space<vmem>>
      %dma_start3A_50 = tpu.memref_squeeze %dma_start3A_49 : memref<1x128xi32, #tpu.memory_space<vmem>> -> memref<128xi32, #tpu.memory_space<vmem>>
      %dma_start3A_51 = arith.constant 0 : i32
      %dma_start3A_52 = arith.constant 0 : i32
      %dma_start3A_53 = tpu.memref_slice %arg11[%dma_start3A_51, %dma_start3A_52] : memref<10240x64xf32, #tpu.memory_space<vmem_shared>> -> memref<10240x64xf32, #tpu.memory_space<vmem_shared>>
      tpu.enqueue_indirect_dma source(%dma_start3A_53 : memref<10240x64xf32, #tpu.memory_space<vmem_shared>>) target(%arg9 : memref<128x64xf32, #tpu.memory_space<vmem>>) offsets(%dma_start3A_50 : memref<128xi32, #tpu.memory_space<vmem>>) semaphore(%arg13 : memref<!tpu.dma_semaphore, #tpu.memory_space<semaphore_mem>>)
      %add3A_54 = arith.constant 1 : i32
      %add3A_55 = arith.addi %add3A_39, %add3A_54 : i32
      %dma_wait3A_56 = arith.constant 0 : i32
      %dma_wait3A_57 = tpu.memref_slice %arg7[%add3A_55, %dma_wait3A_56] : memref<80x128xi32, #tpu.memory_space<vmem>> -> memref<1x128xi32, #tpu.memory_space<vmem>>
      %dma_wait3A_58 = tpu.memref_squeeze %dma_wait3A_57 : memref<1x128xi32, #tpu.memory_space<vmem>> -> memref<128xi32, #tpu.memory_space<vmem>>
      %dma_wait3A_59 = arith.constant 0 : i32
      %dma_wait3A_60 = arith.constant 0 : i32
      %dma_wait3A_61 = tpu.memref_slice %arg11[%dma_wait3A_59, %dma_wait3A_60] : memref<10240x64xf32, #tpu.memory_space<vmem_shared>> -> memref<10240x64xf32, #tpu.memory_space<vmem_shared>>
      tpu.wait_indirect_dma semaphore(%arg14 : memref<!tpu.dma_semaphore, #tpu.memory_space<semaphore_mem>>) src(%dma_wait3A_61 : memref<10240x64xf32, #tpu.memory_space<vmem_shared>>) dst(%arg10 : memref<128x64xf32, #tpu.memory_space<vmem>>)
      %add3A_62 = arith.constant 1 : i32
      %add3A_63 = arith.addi %add3A_39, %add3A_62 : i32
      "tpu.region"() ({
        %run_scoped3A_72 = tpu.sem_alloc : memref<!tpu.dma_semaphore, #tpu.memory_space<semaphore_mem>>
        %dma_start3A_73 = arith.constant 0 : i32
        %dma_start3A_74 = tpu.memref_slice %arg8[%add3A_63, %dma_start3A_73] : memref<80x128xi32, #tpu.memory_space<vmem>> -> memref<1x128xi32, #tpu.memory_space<vmem>>
        %dma_start3A_75 = tpu.memref_squeeze %dma_start3A_74 : memref<1x128xi32, #tpu.memory_space<vmem>> -> memref<128xi32, #tpu.memory_space<vmem>>
        %dma_start3A_76 = arith.constant 0 : i32
        %dma_start3A_77 = arith.constant 0 : i32
        %dma_start3A_78 = tpu.memref_slice %arg12[%dma_start3A_76, %dma_start3A_77] : memref<10240x64xf32, #tpu.memory_space<vmem_shared>> -> memref<10240x64xf32, #tpu.memory_space<vmem_shared>>
        tpu.enqueue_indirect_dma source(%arg10 : memref<128x64xf32, #tpu.memory_space<vmem>>) target(%dma_start3A_78 : memref<10240x64xf32, #tpu.memory_space<vmem_shared>>) offsets(%dma_start3A_75 : memref<128xi32, #tpu.memory_space<vmem>>) semaphore(%run_scoped3A_72 : memref<!tpu.dma_semaphore, #tpu.memory_space<semaphore_mem>>) {add = true}
        %dma_wait3A_79 = arith.constant 0 : i32
        %dma_wait3A_80 = tpu.memref_slice %arg8[%add3A_63, %dma_wait3A_79] : memref<80x128xi32, #tpu.memory_space<vmem>> -> memref<1x128xi32, #tpu.memory_space<vmem>>
        %dma_wait3A_81 = tpu.memref_squeeze %dma_wait3A_80 : memref<1x128xi32, #tpu.memory_space<vmem>> -> memref<128xi32, #tpu.memory_space<vmem>>
        %dma_wait3A_82 = arith.constant 0 : i32
        %dma_wait3A_83 = arith.constant 0 : i32
        %dma_wait3A_84 = tpu.memref_slice %arg12[%dma_wait3A_82, %dma_wait3A_83] : memref<10240x64xf32, #tpu.memory_space<vmem_shared>> -> memref<10240x64xf32, #tpu.memory_space<vmem_shared>>
        tpu.wait_indirect_dma semaphore(%run_scoped3A_72 : memref<!tpu.dma_semaphore, #tpu.memory_space<semaphore_mem>>) src(%arg10 : memref<128x64xf32, #tpu.memory_space<vmem>>) dst(%dma_wait3A_84 : memref<10240x64xf32, #tpu.memory_space<vmem_shared>>)
        tpu.yield
      }) : () -> ()
      %add3A_64 = arith.constant 3 : i32
      %add3A_65 = arith.addi %add3A_39, %add3A_64 : i32
      %dma_start3A_66 = arith.constant 0 : i32
      %dma_start3A_67 = tpu.memref_slice %arg7[%add3A_65, %dma_start3A_66] : memref<80x128xi32, #tpu.memory_space<vmem>> -> memref<1x128xi32, #tpu.memory_space<vmem>>
      %dma_start3A_68 = tpu.memref_squeeze %dma_start3A_67 : memref<1x128xi32, #tpu.memory_space<vmem>> -> memref<128xi32, #tpu.memory_space<vmem>>
      %dma_start3A_69 = arith.constant 0 : i32
      %dma_start3A_70 = arith.constant 0 : i32
      %dma_start3A_71 = tpu.memref_slice %arg11[%dma_start3A_69, %dma_start3A_70] : memref<10240x64xf32, #tpu.memory_space<vmem_shared>> -> memref<10240x64xf32, #tpu.memory_space<vmem_shared>>
      tpu.enqueue_indirect_dma source(%dma_start3A_71 : memref<10240x64xf32, #tpu.memory_space<vmem_shared>>) target(%arg10 : memref<128x64xf32, #tpu.memory_space<vmem>>) offsets(%dma_start3A_68 : memref<128xi32, #tpu.memory_space<vmem>>) semaphore(%arg14 : memref<!tpu.dma_semaphore, #tpu.memory_space<semaphore_mem>>)
    }
    %scan3A_19 = arith.constant 39 : i32
    %dma_wait3A = arith.constant 78 : i32
    %dma_wait3A_20 = arith.constant 0 : i32
    %dma_wait3A_21 = tpu.memref_slice %arg7[%dma_wait3A, %dma_wait3A_20] : memref<80x128xi32, #tpu.memory_space<vmem>> -> memref<1x128xi32, #tpu.memory_space<vmem>>
    %dma_wait3A_22 = tpu.memref_squeeze %dma_wait3A_21 : memref<1x128xi32, #tpu.memory_space<vmem>> -> memref<128xi32, #tpu.memory_space<vmem>>
    %dma_wait3A_23 = arith.constant 0 : i32
    %dma_wait3A_24 = arith.constant 0 : i32
    %dma_wait3A_25 = tpu.memref_slice %arg11[%dma_wait3A_23, %dma_wait3A_24] : memref<10240x64xf32, #tpu.memory_space<vmem_shared>> -> memref<10240x64xf32, #tpu.memory_space<vmem_shared>>
    tpu.wait_indirect_dma semaphore(%arg13 : memref<!tpu.dma_semaphore, #tpu.memory_space<semaphore_mem>>) src(%dma_wait3A_25 : memref<10240x64xf32, #tpu.memory_space<vmem_shared>>) dst(%arg9 : memref<128x64xf32, #tpu.memory_space<vmem>>)
    %run_scoped3A = arith.constant 78 : i32
    "tpu.region"() ({
      %run_scoped3A_35 = tpu.sem_alloc : memref<!tpu.dma_semaphore, #tpu.memory_space<semaphore_mem>>
      %dma_start3A_36 = arith.constant 0 : i32
      %dma_start3A_37 = tpu.memref_slice %arg8[%run_scoped3A, %dma_start3A_36] : memref<80x128xi32, #tpu.memory_space<vmem>> -> memref<1x128xi32, #tpu.memory_space<vmem>>
      %dma_start3A_38 = tpu.memref_squeeze %dma_start3A_37 : memref<1x128xi32, #tpu.memory_space<vmem>> -> memref<128xi32, #tpu.memory_space<vmem>>
      %dma_start3A_39 = arith.constant 0 : i32
      %dma_start3A_40 = arith.constant 0 : i32
      %dma_start3A_41 = tpu.memref_slice %arg12[%dma_start3A_39, %dma_start3A_40] : memref<10240x64xf32, #tpu.memory_space<vmem_shared>> -> memref<10240x64xf32, #tpu.memory_space<vmem_shared>>
      tpu.enqueue_indirect_dma source(%arg9 : memref<128x64xf32, #tpu.memory_space<vmem>>) target(%dma_start3A_41 : memref<10240x64xf32, #tpu.memory_space<vmem_shared>>) offsets(%dma_start3A_38 : memref<128xi32, #tpu.memory_space<vmem>>) semaphore(%run_scoped3A_35 : memref<!tpu.dma_semaphore, #tpu.memory_space<semaphore_mem>>) {add = true}
      %dma_wait3A_42 = arith.constant 0 : i32
      %dma_wait3A_43 = tpu.memref_slice %arg8[%run_scoped3A, %dma_wait3A_42] : memref<80x128xi32, #tpu.memory_space<vmem>> -> memref<1x128xi32, #tpu.memory_space<vmem>>
      %dma_wait3A_44 = tpu.memref_squeeze %dma_wait3A_43 : memref<1x128xi32, #tpu.memory_space<vmem>> -> memref<128xi32, #tpu.memory_space<vmem>>
      %dma_wait3A_45 = arith.constant 0 : i32
      %dma_wait3A_46 = arith.constant 0 : i32
      %dma_wait3A_47 = tpu.memref_slice %arg12[%dma_wait3A_45, %dma_wait3A_46] : memref<10240x64xf32, #tpu.memory_space<vmem_shared>> -> memref<10240x64xf32, #tpu.memory_space<vmem_shared>>
      tpu.wait_indirect_dma semaphore(%run_scoped3A_35 : memref<!tpu.dma_semaphore, #tpu.memory_space<semaphore_mem>>) src(%arg9 : memref<128x64xf32, #tpu.memory_space<vmem>>) dst(%dma_wait3A_47 : memref<10240x64xf32, #tpu.memory_space<vmem_shared>>)
      tpu.yield
    }) : () -> ()
    %dma_wait3A_26 = arith.constant 79 : i32
    %dma_wait3A_27 = arith.constant 0 : i32
    %dma_wait3A_28 = tpu.memref_slice %arg7[%dma_wait3A_26, %dma_wait3A_27] : memref<80x128xi32, #tpu.memory_space<vmem>> -> memref<1x128xi32, #tpu.memory_space<vmem>>
    %dma_wait3A_29 = tpu.memref_squeeze %dma_wait3A_28 : memref<1x128xi32, #tpu.memory_space<vmem>> -> memref<128xi32, #tpu.memory_space<vmem>>
    %dma_wait3A_30 = arith.constant 0 : i32
    %dma_wait3A_31 = arith.constant 0 : i32
    %dma_wait3A_32 = tpu.memref_slice %arg11[%dma_wait3A_30, %dma_wait3A_31] : memref<10240x64xf32, #tpu.memory_space<vmem_shared>> -> memref<10240x64xf32, #tpu.memory_space<vmem_shared>>
    tpu.wait_indirect_dma semaphore(%arg14 : memref<!tpu.dma_semaphore, #tpu.memory_space<semaphore_mem>>) src(%dma_wait3A_32 : memref<10240x64xf32, #tpu.memory_space<vmem_shared>>) dst(%arg10 : memref<128x64xf32, #tpu.memory_space<vmem>>)
    %run_scoped3A_33 = arith.constant 79 : i32
    "tpu.region"() ({
      %run_scoped3A_35 = tpu.sem_alloc : memref<!tpu.dma_semaphore, #tpu.memory_space<semaphore_mem>>
      %dma_start3A_36 = arith.constant 0 : i32
      %dma_start3A_37 = tpu.memref_slice %arg8[%run_scoped3A_33, %dma_start3A_36] : memref<80x128xi32, #tpu.memory_space<vmem>> -> memref<1x128xi32, #tpu.memory_space<vmem>>
      %dma_start3A_38 = tpu.memref_squeeze %dma_start3A_37 : memref<1x128xi32, #tpu.memory_space<vmem>> -> memref<128xi32, #tpu.memory_space<vmem>>
      %dma_start3A_39 = arith.constant 0 : i32
      %dma_start3A_40 = arith.constant 0 : i32
      %dma_start3A_41 = tpu.memref_slice %arg12[%dma_start3A_39, %dma_start3A_40] : memref<10240x64xf32, #tpu.memory_space<vmem_shared>> -> memref<10240x64xf32, #tpu.memory_space<vmem_shared>>
      tpu.enqueue_indirect_dma source(%arg10 : memref<128x64xf32, #tpu.memory_space<vmem>>) target(%dma_start3A_41 : memref<10240x64xf32, #tpu.memory_space<vmem_shared>>) offsets(%dma_start3A_38 : memref<128xi32, #tpu.memory_space<vmem>>) semaphore(%run_scoped3A_35 : memref<!tpu.dma_semaphore, #tpu.memory_space<semaphore_mem>>) {add = true}
      %dma_wait3A_42 = arith.constant 0 : i32
      %dma_wait3A_43 = tpu.memref_slice %arg8[%run_scoped3A_33, %dma_wait3A_42] : memref<80x128xi32, #tpu.memory_space<vmem>> -> memref<1x128xi32, #tpu.memory_space<vmem>>
      %dma_wait3A_44 = tpu.memref_squeeze %dma_wait3A_43 : memref<1x128xi32, #tpu.memory_space<vmem>> -> memref<128xi32, #tpu.memory_space<vmem>>
      %dma_wait3A_45 = arith.constant 0 : i32
      %dma_wait3A_46 = arith.constant 0 : i32
      %dma_wait3A_47 = tpu.memref_slice %arg12[%dma_wait3A_45, %dma_wait3A_46] : memref<10240x64xf32, #tpu.memory_space<vmem_shared>> -> memref<10240x64xf32, #tpu.memory_space<vmem_shared>>
      tpu.wait_indirect_dma semaphore(%run_scoped3A_35 : memref<!tpu.dma_semaphore, #tpu.memory_space<semaphore_mem>>) src(%arg10 : memref<128x64xf32, #tpu.memory_space<vmem>>) dst(%dma_wait3A_47 : memref<10240x64xf32, #tpu.memory_space<vmem_shared>>)
      tpu.yield
    }) : () -> ()
    %barrier3A_34 = arith.constant 0 : index
    tpu.barrier barrier_id(%barrier3A_34)
    "tpu.region"() ({
      %run_scoped3A_35 = tpu.sem_alloc : memref<!tpu.dma_semaphore, #tpu.memory_space<semaphore_mem>>
      %dma_start3A_36 = arith.constant 0 : i32
      %dma_start3A_37 = arith.constant 0 : i32
      %dma_start3A_38 = tpu.memref_slice %arg6[%arg0, %dma_start3A_36, %dma_start3A_37] : memref<2x10240x64xf32, #tpu.memory_space<hbm>> -> memref<1x10240x64xf32, #tpu.memory_space<hbm>>
      %dma_start3A_39 = tpu.memref_squeeze %dma_start3A_38 : memref<1x10240x64xf32, #tpu.memory_space<hbm>> -> memref<10240x64xf32, #tpu.memory_space<hbm>>
      %dma_start3A_40 = arith.constant 0 : i32
      %dma_start3A_41 = tpu.memref_slice %dma_start3A_39[%mul3A_2, %dma_start3A_40] : memref<10240x64xf32, #tpu.memory_space<hbm>> -> memref<640x64xf32, #tpu.memory_space<hbm>>
      %dma_start3A_42 = arith.constant 0 : i32
      %dma_start3A_43 = tpu.memref_slice %arg12[%mul3A_2, %dma_start3A_42] : memref<10240x64xf32, #tpu.memory_space<vmem_shared>> -> memref<640x64xf32, #tpu.memory_space<vmem_shared>>
      tpu.enqueue_dma source(%dma_start3A_43 : memref<640x64xf32, #tpu.memory_space<vmem_shared>>) target(%dma_start3A_41 : memref<640x64xf32, #tpu.memory_space<hbm>>) target_semaphore(%run_scoped3A_35 : memref<!tpu.dma_semaphore, #tpu.memory_space<semaphore_mem>>)
      %dma_wait3A_44 = arith.constant 0 : i32
      %dma_wait3A_45 = arith.constant 0 : i32
      %dma_wait3A_46 = tpu.memref_slice %arg6[%arg0, %dma_wait3A_44, %dma_wait3A_45] : memref<2x10240x64xf32, #tpu.memory_space<hbm>> -> memref<1x10240x64xf32, #tpu.memory_space<hbm>>
      %dma_wait3A_47 = tpu.memref_squeeze %dma_wait3A_46 : memref<1x10240x64xf32, #tpu.memory_space<hbm>> -> memref<10240x64xf32, #tpu.memory_space<hbm>>
      %dma_wait3A_48 = arith.constant 0 : i32
      %dma_wait3A_49 = tpu.memref_slice %dma_wait3A_47[%mul3A_2, %dma_wait3A_48] : memref<10240x64xf32, #tpu.memory_space<hbm>> -> memref<640x64xf32, #tpu.memory_space<hbm>>
      %dma_wait3A_50 = arith.constant 0 : i32
      %dma_wait3A_51 = tpu.memref_slice %arg12[%mul3A_2, %dma_wait3A_50] : memref<10240x64xf32, #tpu.memory_space<vmem_shared>> -> memref<640x64xf32, #tpu.memory_space<vmem_shared>>
      tpu.wait_dma2 semaphore(%run_scoped3A_35 : memref<!tpu.dma_semaphore, #tpu.memory_space<semaphore_mem>>) src(%dma_wait3A_51 : memref<640x64xf32, #tpu.memory_space<vmem_shared>>) dst(%dma_wait3A_49 : memref<640x64xf32, #tpu.memory_space<hbm>>)
      tpu.yield
    }) : () -> ()
    return
  }
}

#map = affine_map<(d0, d1) -> (0, 0)>
#map1 = affine_map<(d0, d1) -> (0, 0, 0)>
module attributes {stable_mosaic.version = 14 : i64} {
  func.func @k(%arg0: i32, %arg1: i32, %arg2: memref<10240x64xf32, #tpu.memory_space<hbm>>, %arg3: memref<32x80x128xi32, #tpu.memory_space<hbm>>, %arg4: memref<32x80x128xi32, #tpu.memory_space<hbm>>, %arg5: memref<10240x64xf32, #tpu.memory_space<hbm>>, %arg6: memref<2x10240x64xf32, #tpu.memory_space<hbm>>, %arg7: memref<80x128xi32, #tpu.memory_space<vmem>>, %arg8: memref<80x128xi32, #tpu.memory_space<vmem>>, %arg9: memref<128x64xf32, #tpu.memory_space<vmem>>, %arg10: memref<128x64xf32, #tpu.memory_space<vmem>>, %arg11: memref<10240x64xf32, #tpu.memory_space<vmem_shared>>, %arg12: memref<10240x64xf32, #tpu.memory_space<vmem_shared>>, %arg13: memref<!tpu.dma_semaphore, #tpu.memory_space<semaphore_mem>>, %arg14: memref<!tpu.dma_semaphore, #tpu.memory_space<semaphore_mem>>) attributes {dimension_semantics = [#tpu.dimension_semantics<core_parallel>, #tpu.dimension_semantics<subcore_parallel>], iteration_bounds = array<i64: 2, 16>, scalar_prefetch = 0 : i64, scratch_operands = 8 : i64, tpu.core_type = #tpu.core_type<sc_vector_subcore>, window_params = [{transform_indices = #map}, {transform_indices = #map1}, {transform_indices = #map1}, {transform_indices = #map}, {transform_indices = #map1}]} {
    %mul3A = arith.constant 16 : i32
    %mul3A_0 = arith.muli %arg0, %mul3A : i32
    %add3A = arith.addi %mul3A_0, %arg1 : i32
    %mul3A_1 = arith.constant 640 : i32
    %mul3A_2 = arith.muli %arg1, %mul3A_1 : i32
    "tpu.region"() ({
      %run_scoped3A_35 = tpu.sem_alloc : memref<!tpu.dma_semaphore, #tpu.memory_space<semaphore_mem>>
      %dma_start3A_36 = arith.constant 0 : i32
      %dma_start3A_37 = tpu.memref_slice %arg12[%mul3A_2, %dma_start3A_36] : memref<10240x64xf32, #tpu.memory_space<vmem_shared>> -> memref<640x64xf32, #tpu.memory_space<vmem_shared>>
      %dma_start3A_38 = arith.constant 0 : i32
      %dma_start3A_39 = tpu.memref_slice %arg5[%mul3A_2, %dma_start3A_38] : memref<10240x64xf32, #tpu.memory_space<hbm>> -> memref<640x64xf32, #tpu.memory_space<hbm>>
      tpu.enqueue_dma source(%dma_start3A_39 : memref<640x64xf32, #tpu.memory_space<hbm>>) target(%dma_start3A_37 : memref<640x64xf32, #tpu.memory_space<vmem_shared>>) target_semaphore(%run_scoped3A_35 : memref<!tpu.dma_semaphore, #tpu.memory_space<semaphore_mem>>)
      %dma_wait3A_40 = arith.constant 0 : i32
      %dma_wait3A_41 = tpu.memref_slice %arg12[%mul3A_2, %dma_wait3A_40] : memref<10240x64xf32, #tpu.memory_space<vmem_shared>> -> memref<640x64xf32, #tpu.memory_space<vmem_shared>>
      %dma_wait3A_42 = arith.constant 0 : i32
      %dma_wait3A_43 = tpu.memref_slice %arg5[%mul3A_2, %dma_wait3A_42] : memref<10240x64xf32, #tpu.memory_space<hbm>> -> memref<640x64xf32, #tpu.memory_space<hbm>>
      tpu.wait_dma2 semaphore(%run_scoped3A_35 : memref<!tpu.dma_semaphore, #tpu.memory_space<semaphore_mem>>) src(%dma_wait3A_43 : memref<640x64xf32, #tpu.memory_space<hbm>>) dst(%dma_wait3A_41 : memref<640x64xf32, #tpu.memory_space<vmem_shared>>)
      tpu.yield
    }) : () -> ()
    "tpu.region"() ({
      %run_scoped3A_35 = tpu.sem_alloc : memref<!tpu.dma_semaphore, #tpu.memory_space<semaphore_mem>>
      %dma_start3A_36 = arith.constant 0 : i32
      %dma_start3A_37 = arith.constant 0 : i32
      %dma_start3A_38 = tpu.memref_slice %arg4[%add3A, %dma_start3A_36, %dma_start3A_37] : memref<32x80x128xi32, #tpu.memory_space<hbm>> -> memref<1x80x128xi32, #tpu.memory_space<hbm>>
      %dma_start3A_39 = tpu.memref_squeeze %dma_start3A_38 : memref<1x80x128xi32, #tpu.memory_space<hbm>> -> memref<80x128xi32, #tpu.memory_space<hbm>>
      %dma_start3A_40 = arith.constant 0 : i32
      %dma_start3A_41 = arith.constant 0 : i32
      %dma_start3A_42 = tpu.memref_slice %arg4[%add3A, %dma_start3A_40, %dma_start3A_41] : memref<32x80x128xi32, #tpu.memory_space<hbm>> -> memref<1x80x128xi32, #tpu.memory_space<hbm>>
      %dma_start3A_43 = tpu.memref_squeeze %dma_start3A_42 : memref<1x80x128xi32, #tpu.memory_space<hbm>> -> memref<80x128xi32, #tpu.memory_space<hbm>>
      tpu.enqueue_dma source(%dma_start3A_43 : memref<80x128xi32, #tpu.memory_space<hbm>>) target(%arg8 : memref<80x128xi32, #tpu.memory_space<vmem>>) target_semaphore(%run_scoped3A_35 : memref<!tpu.dma_semaphore, #tpu.memory_space<semaphore_mem>>)
      %dma_wait3A_44 = arith.constant 0 : i32
      %dma_wait3A_45 = arith.constant 0 : i32
      %dma_wait3A_46 = tpu.memref_slice %arg4[%add3A, %dma_wait3A_44, %dma_wait3A_45] : memref<32x80x128xi32, #tpu.memory_space<hbm>> -> memref<1x80x128xi32, #tpu.memory_space<hbm>>
      %dma_wait3A_47 = tpu.memref_squeeze %dma_wait3A_46 : memref<1x80x128xi32, #tpu.memory_space<hbm>> -> memref<80x128xi32, #tpu.memory_space<hbm>>
      %dma_wait3A_48 = arith.constant 0 : i32
      %dma_wait3A_49 = arith.constant 0 : i32
      %dma_wait3A_50 = tpu.memref_slice %arg4[%add3A, %dma_wait3A_48, %dma_wait3A_49] : memref<32x80x128xi32, #tpu.memory_space<hbm>> -> memref<1x80x128xi32, #tpu.memory_space<hbm>>
      %dma_wait3A_51 = tpu.memref_squeeze %dma_wait3A_50 : memref<1x80x128xi32, #tpu.memory_space<hbm>> -> memref<80x128xi32, #tpu.memory_space<hbm>>
      tpu.wait_dma2 semaphore(%run_scoped3A_35 : memref<!tpu.dma_semaphore, #tpu.memory_space<semaphore_mem>>) src(%dma_wait3A_51 : memref<80x128xi32, #tpu.memory_space<hbm>>) dst(%arg8 : memref<80x128xi32, #tpu.memory_space<vmem>>)
      tpu.yield
    }) : () -> ()
    "tpu.region"() ({
      %run_scoped3A_35 = tpu.sem_alloc : memref<!tpu.dma_semaphore, #tpu.memory_space<semaphore_mem>>
      %dma_start3A_36 = arith.constant 0 : i32
      %dma_start3A_37 = tpu.memref_slice %arg11[%mul3A_2, %dma_start3A_36] : memref<10240x64xf32, #tpu.memory_space<vmem_shared>> -> memref<640x64xf32, #tpu.memory_space<vmem_shared>>
      %dma_start3A_38 = arith.constant 0 : i32
      %dma_start3A_39 = tpu.memref_slice %arg2[%mul3A_2, %dma_start3A_38] : memref<10240x64xf32, #tpu.memory_space<hbm>> -> memref<640x64xf32, #tpu.memory_space<hbm>>
      tpu.enqueue_dma source(%dma_start3A_39 : memref<640x64xf32, #tpu.memory_space<hbm>>) target(%dma_start3A_37 : memref<640x64xf32, #tpu.memory_space<vmem_shared>>) target_semaphore(%run_scoped3A_35 : memref<!tpu.dma_semaphore, #tpu.memory_space<semaphore_mem>>)
      %dma_wait3A_40 = arith.constant 0 : i32
      %dma_wait3A_41 = tpu.memref_slice %arg11[%mul3A_2, %dma_wait3A_40] : memref<10240x64xf32, #tpu.memory_space<vmem_shared>> -> memref<640x64xf32, #tpu.memory_space<vmem_shared>>
      %dma_wait3A_42 = arith.constant 0 : i32
      %dma_wait3A_43 = tpu.memref_slice %arg2[%mul3A_2, %dma_wait3A_42] : memref<10240x64xf32, #tpu.memory_space<hbm>> -> memref<640x64xf32, #tpu.memory_space<hbm>>
      tpu.wait_dma2 semaphore(%run_scoped3A_35 : memref<!tpu.dma_semaphore, #tpu.memory_space<semaphore_mem>>) src(%dma_wait3A_43 : memref<640x64xf32, #tpu.memory_space<hbm>>) dst(%dma_wait3A_41 : memref<640x64xf32, #tpu.memory_space<vmem_shared>>)
      tpu.yield
    }) : () -> ()
    "tpu.region"() ({
      %run_scoped3A_35 = tpu.sem_alloc : memref<!tpu.dma_semaphore, #tpu.memory_space<semaphore_mem>>
      %dma_start3A_36 = arith.constant 0 : i32
      %dma_start3A_37 = arith.constant 0 : i32
      %dma_start3A_38 = tpu.memref_slice %arg3[%add3A, %dma_start3A_36, %dma_start3A_37] : memref<32x80x128xi32, #tpu.memory_space<hbm>> -> memref<1x80x128xi32, #tpu.memory_space<hbm>>
      %dma_start3A_39 = tpu.memref_squeeze %dma_start3A_38 : memref<1x80x128xi32, #tpu.memory_space<hbm>> -> memref<80x128xi32, #tpu.memory_space<hbm>>
      %dma_start3A_40 = arith.constant 0 : i32
      %dma_start3A_41 = arith.constant 0 : i32
      %dma_start3A_42 = tpu.memref_slice %arg3[%add3A, %dma_start3A_40, %dma_start3A_41] : memref<32x80x128xi32, #tpu.memory_space<hbm>> -> memref<1x80x128xi32, #tpu.memory_space<hbm>>
      %dma_start3A_43 = tpu.memref_squeeze %dma_start3A_42 : memref<1x80x128xi32, #tpu.memory_space<hbm>> -> memref<80x128xi32, #tpu.memory_space<hbm>>
      tpu.enqueue_dma source(%dma_start3A_43 : memref<80x128xi32, #tpu.memory_space<hbm>>) target(%arg7 : memref<80x128xi32, #tpu.memory_space<vmem>>) target_semaphore(%run_scoped3A_35 : memref<!tpu.dma_semaphore, #tpu.memory_space<semaphore_mem>>)
      %dma_wait3A_44 = arith.constant 0 : i32
      %dma_wait3A_45 = arith.constant 0 : i32
      %dma_wait3A_46 = tpu.memref_slice %arg3[%add3A, %dma_wait3A_44, %dma_wait3A_45] : memref<32x80x128xi32, #tpu.memory_space<hbm>> -> memref<1x80x128xi32, #tpu.memory_space<hbm>>
      %dma_wait3A_47 = tpu.memref_squeeze %dma_wait3A_46 : memref<1x80x128xi32, #tpu.memory_space<hbm>> -> memref<80x128xi32, #tpu.memory_space<hbm>>
      %dma_wait3A_48 = arith.constant 0 : i32
      %dma_wait3A_49 = arith.constant 0 : i32
      %dma_wait3A_50 = tpu.memref_slice %arg3[%add3A, %dma_wait3A_48, %dma_wait3A_49] : memref<32x80x128xi32, #tpu.memory_space<hbm>> -> memref<1x80x128xi32, #tpu.memory_space<hbm>>
      %dma_wait3A_51 = tpu.memref_squeeze %dma_wait3A_50 : memref<1x80x128xi32, #tpu.memory_space<hbm>> -> memref<80x128xi32, #tpu.memory_space<hbm>>
      tpu.wait_dma2 semaphore(%run_scoped3A_35 : memref<!tpu.dma_semaphore, #tpu.memory_space<semaphore_mem>>) src(%dma_wait3A_51 : memref<80x128xi32, #tpu.memory_space<hbm>>) dst(%arg7 : memref<80x128xi32, #tpu.memory_space<vmem>>)
      tpu.yield
    }) : () -> ()
    %barrier3A = arith.constant 0 : index
    tpu.barrier barrier_id(%barrier3A)
    %dma_start3A = arith.constant 0 : i32
    %dma_start3A_3 = arith.constant 0 : i32
    %dma_start3A_4 = tpu.memref_slice %arg7[%dma_start3A, %dma_start3A_3] : memref<80x128xi32, #tpu.memory_space<vmem>> -> memref<1x128xi32, #tpu.memory_space<vmem>>
    %dma_start3A_5 = tpu.memref_squeeze %dma_start3A_4 : memref<1x128xi32, #tpu.memory_space<vmem>> -> memref<128xi32, #tpu.memory_space<vmem>>
    %dma_start3A_6 = arith.constant 0 : i32
    %dma_start3A_7 = arith.constant 0 : i32
    %dma_start3A_8 = tpu.memref_slice %arg11[%dma_start3A_6, %dma_start3A_7] : memref<10240x64xf32, #tpu.memory_space<vmem_shared>> -> memref<10240x64xf32, #tpu.memory_space<vmem_shared>>
    tpu.enqueue_indirect_dma source(%dma_start3A_8 : memref<10240x64xf32, #tpu.memory_space<vmem_shared>>) target(%arg9 : memref<128x64xf32, #tpu.memory_space<vmem>>) offsets(%dma_start3A_5 : memref<128xi32, #tpu.memory_space<vmem>>) semaphore(%arg13 : memref<!tpu.dma_semaphore, #tpu.memory_space<semaphore_mem>>)
    %dma_start3A_9 = arith.constant 1 : i32
    %dma_start3A_10 = arith.constant 0 : i32
    %dma_start3A_11 = tpu.memref_slice %arg7[%dma_start3A_9, %dma_start3A_10] : memref<80x128xi32, #tpu.memory_space<vmem>> -> memref<1x128xi32, #tpu.memory_space<vmem>>
    %dma_start3A_12 = tpu.memref_squeeze %dma_start3A_11 : memref<1x128xi32, #tpu.memory_space<vmem>> -> memref<128xi32, #tpu.memory_space<vmem>>
    %dma_start3A_13 = arith.constant 0 : i32
    %dma_start3A_14 = arith.constant 0 : i32
    %dma_start3A_15 = tpu.memref_slice %arg11[%dma_start3A_13, %dma_start3A_14] : memref<10240x64xf32, #tpu.memory_space<vmem_shared>> -> memref<10240x64xf32, #tpu.memory_space<vmem_shared>>
    tpu.enqueue_indirect_dma source(%dma_start3A_15 : memref<10240x64xf32, #tpu.memory_space<vmem_shared>>) target(%arg10 : memref<128x64xf32, #tpu.memory_space<vmem>>) offsets(%dma_start3A_12 : memref<128xi32, #tpu.memory_space<vmem>>) semaphore(%arg14 : memref<!tpu.dma_semaphore, #tpu.memory_space<semaphore_mem>>)
    %scan3A = arith.constant 0 : i32
    %scan3A_16 = arith.constant 39 : i32
    %scan3A_17 = arith.addi %scan3A, %scan3A_16 : i32
    %scan3A_18 = arith.constant 1 : i32
    scf.for %scan3A_35 = %scan3A to %scan3A_17 step %scan3A_18  : i32 {
      %mul3A_36 = arith.constant 2 : i32
      %mul3A_37 = arith.muli %scan3A_35, %mul3A_36 : i32
      %add3A_38 = arith.constant 0 : i32
      %add3A_39 = arith.addi %add3A_38, %mul3A_37 : i32
      %dma_wait3A_40 = arith.constant 0 : i32
      %dma_wait3A_41 = tpu.memref_slice %arg7[%add3A_39, %dma_wait3A_40] : memref<80x128xi32, #tpu.memory_space<vmem>> -> memref<1x128xi32, #tpu.memory_space<vmem>>
      %dma_wait3A_42 = tpu.memref_squeeze %dma_wait3A_41 : memref<1x128xi32, #tpu.memory_space<vmem>> -> memref<128xi32, #tpu.memory_space<vmem>>
      %dma_wait3A_43 = arith.constant 0 : i32
      %dma_wait3A_44 = arith.constant 0 : i32
      %dma_wait3A_45 = tpu.memref_slice %arg11[%dma_wait3A_43, %dma_wait3A_44] : memref<10240x64xf32, #tpu.memory_space<vmem_shared>> -> memref<10240x64xf32, #tpu.memory_space<vmem_shared>>
      tpu.wait_indirect_dma semaphore(%arg13 : memref<!tpu.dma_semaphore, #tpu.memory_space<semaphore_mem>>) src(%dma_wait3A_45 : memref<10240x64xf32, #tpu.memory_space<vmem_shared>>) dst(%arg9 : memref<128x64xf32, #tpu.memory_space<vmem>>)
      "tpu.region"() ({
        %run_scoped3A_72 = tpu.sem_alloc : memref<!tpu.dma_semaphore, #tpu.memory_space<semaphore_mem>>
        %dma_start3A_73 = arith.constant 0 : i32
        %dma_start3A_74 = tpu.memref_slice %arg8[%add3A_39, %dma_start3A_73] : memref<80x128xi32, #tpu.memory_space<vmem>> -> memref<1x128xi32, #tpu.memory_space<vmem>>
        %dma_start3A_75 = tpu.memref_squeeze %dma_start3A_74 : memref<1x128xi32, #tpu.memory_space<vmem>> -> memref<128xi32, #tpu.memory_space<vmem>>
        %dma_start3A_76 = arith.constant 0 : i32
        %dma_start3A_77 = arith.constant 0 : i32
        %dma_start3A_78 = tpu.memref_slice %arg12[%dma_start3A_76, %dma_start3A_77] : memref<10240x64xf32, #tpu.memory_space<vmem_shared>> -> memref<10240x64xf32, #tpu.memory_space<vmem_shared>>
        tpu.enqueue_indirect_dma source(%arg9 : memref<128x64xf32, #tpu.memory_space<vmem>>) target(%dma_start3A_78 : memref<10240x64xf32, #tpu.memory_space<vmem_shared>>) offsets(%dma_start3A_75 : memref<128xi32, #tpu.memory_space<vmem>>) semaphore(%run_scoped3A_72 : memref<!tpu.dma_semaphore, #tpu.memory_space<semaphore_mem>>) {add = true}
        %dma_wait3A_79 = arith.constant 0 : i32
        %dma_wait3A_80 = tpu.memref_slice %arg8[%add3A_39, %dma_wait3A_79] : memref<80x128xi32, #tpu.memory_space<vmem>> -> memref<1x128xi32, #tpu.memory_space<vmem>>
        %dma_wait3A_81 = tpu.memref_squeeze %dma_wait3A_80 : memref<1x128xi32, #tpu.memory_space<vmem>> -> memref<128xi32, #tpu.memory_space<vmem>>
        %dma_wait3A_82 = arith.constant 0 : i32
        %dma_wait3A_83 = arith.constant 0 : i32
        %dma_wait3A_84 = tpu.memref_slice %arg12[%dma_wait3A_82, %dma_wait3A_83] : memref<10240x64xf32, #tpu.memory_space<vmem_shared>> -> memref<10240x64xf32, #tpu.memory_space<vmem_shared>>
        tpu.wait_indirect_dma semaphore(%run_scoped3A_72 : memref<!tpu.dma_semaphore, #tpu.memory_space<semaphore_mem>>) src(%arg9 : memref<128x64xf32, #tpu.memory_space<vmem>>) dst(%dma_wait3A_84 : memref<10240x64xf32, #tpu.memory_space<vmem_shared>>)
        tpu.yield
      }) : () -> ()
      %add3A_46 = arith.constant 2 : i32
      %add3A_47 = arith.addi %add3A_39, %add3A_46 : i32
      %dma_start3A_48 = arith.constant 0 : i32
      %dma_start3A_49 = tpu.memref_slice %arg7[%add3A_47, %dma_start3A_48] : memref<80x128xi32, #tpu.memory_space<vmem>> -> memref<1x128xi32, #tpu.memory_space<vmem>>
      %dma_start3A_50 = tpu.memref_squeeze %dma_start3A_49 : memref<1x128xi32, #tpu.memory_space<vmem>> -> memref<128xi32, #tpu.memory_space<vmem>>
      %dma_start3A_51 = arith.constant 0 : i32
      %dma_start3A_52 = arith.constant 0 : i32
      %dma_start3A_53 = tpu.memref_slice %arg11[%dma_start3A_51, %dma_start3A_52] : memref<10240x64xf32, #tpu.memory_space<vmem_shared>> -> memref<10240x64xf32, #tpu.memory_space<vmem_shared>>
      tpu.enqueue_indirect_dma source(%dma_start3A_53 : memref<10240x64xf32, #tpu.memory_space<vmem_shared>>) target(%arg9 : memref<128x64xf32, #tpu.memory_space<vmem>>) offsets(%dma_start3A_50 : memref<128xi32, #tpu.memory_space<vmem>>) semaphore(%arg13 : memref<!tpu.dma_semaphore, #tpu.memory_space<semaphore_mem>>)
      %add3A_54 = arith.constant 1 : i32
      %add3A_55 = arith.addi %add3A_39, %add3A_54 : i32
      %dma_wait3A_56 = arith.constant 0 : i32
      %dma_wait3A_57 = tpu.memref_slice %arg7[%add3A_55, %dma_wait3A_56] : memref<80x128xi32, #tpu.memory_space<vmem>> -> memref<1x128xi32, #tpu.memory_space<vmem>>
      %dma_wait3A_58 = tpu.memref_squeeze %dma_wait3A_57 : memref<1x128xi32, #tpu.memory_space<vmem>> -> memref<128xi32, #tpu.memory_space<vmem>>
      %dma_wait3A_59 = arith.constant 0 : i32
      %dma_wait3A_60 = arith.constant 0 : i32
      %dma_wait3A_61 = tpu.memref_slice %arg11[%dma_wait3A_59, %dma_wait3A_60] : memref<10240x64xf32, #tpu.memory_space<vmem_shared>> -> memref<10240x64xf32, #tpu.memory_space<vmem_shared>>
      tpu.wait_indirect_dma semaphore(%arg14 : memref<!tpu.dma_semaphore, #tpu.memory_space<semaphore_mem>>) src(%dma_wait3A_61 : memref<10240x64xf32, #tpu.memory_space<vmem_shared>>) dst(%arg10 : memref<128x64xf32, #tpu.memory_space<vmem>>)
      %add3A_62 = arith.constant 1 : i32
      %add3A_63 = arith.addi %add3A_39, %add3A_62 : i32
      "tpu.region"() ({
        %run_scoped3A_72 = tpu.sem_alloc : memref<!tpu.dma_semaphore, #tpu.memory_space<semaphore_mem>>
        %dma_start3A_73 = arith.constant 0 : i32
        %dma_start3A_74 = tpu.memref_slice %arg8[%add3A_63, %dma_start3A_73] : memref<80x128xi32, #tpu.memory_space<vmem>> -> memref<1x128xi32, #tpu.memory_space<vmem>>
        %dma_start3A_75 = tpu.memref_squeeze %dma_start3A_74 : memref<1x128xi32, #tpu.memory_space<vmem>> -> memref<128xi32, #tpu.memory_space<vmem>>
        %dma_start3A_76 = arith.constant 0 : i32
        %dma_start3A_77 = arith.constant 0 : i32
        %dma_start3A_78 = tpu.memref_slice %arg12[%dma_start3A_76, %dma_start3A_77] : memref<10240x64xf32, #tpu.memory_space<vmem_shared>> -> memref<10240x64xf32, #tpu.memory_space<vmem_shared>>
        tpu.enqueue_indirect_dma source(%arg10 : memref<128x64xf32, #tpu.memory_space<vmem>>) target(%dma_start3A_78 : memref<10240x64xf32, #tpu.memory_space<vmem_shared>>) offsets(%dma_start3A_75 : memref<128xi32, #tpu.memory_space<vmem>>) semaphore(%run_scoped3A_72 : memref<!tpu.dma_semaphore, #tpu.memory_space<semaphore_mem>>) {add = true}
        %dma_wait3A_79 = arith.constant 0 : i32
        %dma_wait3A_80 = tpu.memref_slice %arg8[%add3A_63, %dma_wait3A_79] : memref<80x128xi32, #tpu.memory_space<vmem>> -> memref<1x128xi32, #tpu.memory_space<vmem>>
        %dma_wait3A_81 = tpu.memref_squeeze %dma_wait3A_80 : memref<1x128xi32, #tpu.memory_space<vmem>> -> memref<128xi32, #tpu.memory_space<vmem>>
        %dma_wait3A_82 = arith.constant 0 : i32
        %dma_wait3A_83 = arith.constant 0 : i32
        %dma_wait3A_84 = tpu.memref_slice %arg12[%dma_wait3A_82, %dma_wait3A_83] : memref<10240x64xf32, #tpu.memory_space<vmem_shared>> -> memref<10240x64xf32, #tpu.memory_space<vmem_shared>>
        tpu.wait_indirect_dma semaphore(%run_scoped3A_72 : memref<!tpu.dma_semaphore, #tpu.memory_space<semaphore_mem>>) src(%arg10 : memref<128x64xf32, #tpu.memory_space<vmem>>) dst(%dma_wait3A_84 : memref<10240x64xf32, #tpu.memory_space<vmem_shared>>)
        tpu.yield
      }) : () -> ()
      %add3A_64 = arith.constant 3 : i32
      %add3A_65 = arith.addi %add3A_39, %add3A_64 : i32
      %dma_start3A_66 = arith.constant 0 : i32
      %dma_start3A_67 = tpu.memref_slice %arg7[%add3A_65, %dma_start3A_66] : memref<80x128xi32, #tpu.memory_space<vmem>> -> memref<1x128xi32, #tpu.memory_space<vmem>>
      %dma_start3A_68 = tpu.memref_squeeze %dma_start3A_67 : memref<1x128xi32, #tpu.memory_space<vmem>> -> memref<128xi32, #tpu.memory_space<vmem>>
      %dma_start3A_69 = arith.constant 0 : i32
      %dma_start3A_70 = arith.constant 0 : i32
      %dma_start3A_71 = tpu.memref_slice %arg11[%dma_start3A_69, %dma_start3A_70] : memref<10240x64xf32, #tpu.memory_space<vmem_shared>> -> memref<10240x64xf32, #tpu.memory_space<vmem_shared>>
      tpu.enqueue_indirect_dma source(%dma_start3A_71 : memref<10240x64xf32, #tpu.memory_space<vmem_shared>>) target(%arg10 : memref<128x64xf32, #tpu.memory_space<vmem>>) offsets(%dma_start3A_68 : memref<128xi32, #tpu.memory_space<vmem>>) semaphore(%arg14 : memref<!tpu.dma_semaphore, #tpu.memory_space<semaphore_mem>>)
    }
    %scan3A_19 = arith.constant 39 : i32
    %dma_wait3A = arith.constant 78 : i32
    %dma_wait3A_20 = arith.constant 0 : i32
    %dma_wait3A_21 = tpu.memref_slice %arg7[%dma_wait3A, %dma_wait3A_20] : memref<80x128xi32, #tpu.memory_space<vmem>> -> memref<1x128xi32, #tpu.memory_space<vmem>>
    %dma_wait3A_22 = tpu.memref_squeeze %dma_wait3A_21 : memref<1x128xi32, #tpu.memory_space<vmem>> -> memref<128xi32, #tpu.memory_space<vmem>>
    %dma_wait3A_23 = arith.constant 0 : i32
    %dma_wait3A_24 = arith.constant 0 : i32
    %dma_wait3A_25 = tpu.memref_slice %arg11[%dma_wait3A_23, %dma_wait3A_24] : memref<10240x64xf32, #tpu.memory_space<vmem_shared>> -> memref<10240x64xf32, #tpu.memory_space<vmem_shared>>
    tpu.wait_indirect_dma semaphore(%arg13 : memref<!tpu.dma_semaphore, #tpu.memory_space<semaphore_mem>>) src(%dma_wait3A_25 : memref<10240x64xf32, #tpu.memory_space<vmem_shared>>) dst(%arg9 : memref<128x64xf32, #tpu.memory_space<vmem>>)
    %run_scoped3A = arith.constant 78 : i32
    "tpu.region"() ({
      %run_scoped3A_35 = tpu.sem_alloc : memref<!tpu.dma_semaphore, #tpu.memory_space<semaphore_mem>>
      %dma_start3A_36 = arith.constant 0 : i32
      %dma_start3A_37 = tpu.memref_slice %arg8[%run_scoped3A, %dma_start3A_36] : memref<80x128xi32, #tpu.memory_space<vmem>> -> memref<1x128xi32, #tpu.memory_space<vmem>>
      %dma_start3A_38 = tpu.memref_squeeze %dma_start3A_37 : memref<1x128xi32, #tpu.memory_space<vmem>> -> memref<128xi32, #tpu.memory_space<vmem>>
      %dma_start3A_39 = arith.constant 0 : i32
      %dma_start3A_40 = arith.constant 0 : i32
      %dma_start3A_41 = tpu.memref_slice %arg12[%dma_start3A_39, %dma_start3A_40] : memref<10240x64xf32, #tpu.memory_space<vmem_shared>> -> memref<10240x64xf32, #tpu.memory_space<vmem_shared>>
      tpu.enqueue_indirect_dma source(%arg9 : memref<128x64xf32, #tpu.memory_space<vmem>>) target(%dma_start3A_41 : memref<10240x64xf32, #tpu.memory_space<vmem_shared>>) offsets(%dma_start3A_38 : memref<128xi32, #tpu.memory_space<vmem>>) semaphore(%run_scoped3A_35 : memref<!tpu.dma_semaphore, #tpu.memory_space<semaphore_mem>>) {add = true}
      %dma_wait3A_42 = arith.constant 0 : i32
      %dma_wait3A_43 = tpu.memref_slice %arg8[%run_scoped3A, %dma_wait3A_42] : memref<80x128xi32, #tpu.memory_space<vmem>> -> memref<1x128xi32, #tpu.memory_space<vmem>>
      %dma_wait3A_44 = tpu.memref_squeeze %dma_wait3A_43 : memref<1x128xi32, #tpu.memory_space<vmem>> -> memref<128xi32, #tpu.memory_space<vmem>>
      %dma_wait3A_45 = arith.constant 0 : i32
      %dma_wait3A_46 = arith.constant 0 : i32
      %dma_wait3A_47 = tpu.memref_slice %arg12[%dma_wait3A_45, %dma_wait3A_46] : memref<10240x64xf32, #tpu.memory_space<vmem_shared>> -> memref<10240x64xf32, #tpu.memory_space<vmem_shared>>
      tpu.wait_indirect_dma semaphore(%run_scoped3A_35 : memref<!tpu.dma_semaphore, #tpu.memory_space<semaphore_mem>>) src(%arg9 : memref<128x64xf32, #tpu.memory_space<vmem>>) dst(%dma_wait3A_47 : memref<10240x64xf32, #tpu.memory_space<vmem_shared>>)
      tpu.yield
    }) : () -> ()
    %dma_wait3A_26 = arith.constant 79 : i32
    %dma_wait3A_27 = arith.constant 0 : i32
    %dma_wait3A_28 = tpu.memref_slice %arg7[%dma_wait3A_26, %dma_wait3A_27] : memref<80x128xi32, #tpu.memory_space<vmem>> -> memref<1x128xi32, #tpu.memory_space<vmem>>
    %dma_wait3A_29 = tpu.memref_squeeze %dma_wait3A_28 : memref<1x128xi32, #tpu.memory_space<vmem>> -> memref<128xi32, #tpu.memory_space<vmem>>
    %dma_wait3A_30 = arith.constant 0 : i32
    %dma_wait3A_31 = arith.constant 0 : i32
    %dma_wait3A_32 = tpu.memref_slice %arg11[%dma_wait3A_30, %dma_wait3A_31] : memref<10240x64xf32, #tpu.memory_space<vmem_shared>> -> memref<10240x64xf32, #tpu.memory_space<vmem_shared>>
    tpu.wait_indirect_dma semaphore(%arg14 : memref<!tpu.dma_semaphore, #tpu.memory_space<semaphore_mem>>) src(%dma_wait3A_32 : memref<10240x64xf32, #tpu.memory_space<vmem_shared>>) dst(%arg10 : memref<128x64xf32, #tpu.memory_space<vmem>>)
    %run_scoped3A_33 = arith.constant 79 : i32
    "tpu.region"() ({
      %run_scoped3A_35 = tpu.sem_alloc : memref<!tpu.dma_semaphore, #tpu.memory_space<semaphore_mem>>
      %dma_start3A_36 = arith.constant 0 : i32
      %dma_start3A_37 = tpu.memref_slice %arg8[%run_scoped3A_33, %dma_start3A_36] : memref<80x128xi32, #tpu.memory_space<vmem>> -> memref<1x128xi32, #tpu.memory_space<vmem>>
      %dma_start3A_38 = tpu.memref_squeeze %dma_start3A_37 : memref<1x128xi32, #tpu.memory_space<vmem>> -> memref<128xi32, #tpu.memory_space<vmem>>
      %dma_start3A_39 = arith.constant 0 : i32
      %dma_start3A_40 = arith.constant 0 : i32
      %dma_start3A_41 = tpu.memref_slice %arg12[%dma_start3A_39, %dma_start3A_40] : memref<10240x64xf32, #tpu.memory_space<vmem_shared>> -> memref<10240x64xf32, #tpu.memory_space<vmem_shared>>
      tpu.enqueue_indirect_dma source(%arg10 : memref<128x64xf32, #tpu.memory_space<vmem>>) target(%dma_start3A_41 : memref<10240x64xf32, #tpu.memory_space<vmem_shared>>) offsets(%dma_start3A_38 : memref<128xi32, #tpu.memory_space<vmem>>) semaphore(%run_scoped3A_35 : memref<!tpu.dma_semaphore, #tpu.memory_space<semaphore_mem>>) {add = true}
      %dma_wait3A_42 = arith.constant 0 : i32
      %dma_wait3A_43 = tpu.memref_slice %arg8[%run_scoped3A_33, %dma_wait3A_42] : memref<80x128xi32, #tpu.memory_space<vmem>> -> memref<1x128xi32, #tpu.memory_space<vmem>>
      %dma_wait3A_44 = tpu.memref_squeeze %dma_wait3A_43 : memref<1x128xi32, #tpu.memory_space<vmem>> -> memref<128xi32, #tpu.memory_space<vmem>>
      %dma_wait3A_45 = arith.constant 0 : i32
      %dma_wait3A_46 = arith.constant 0 : i32
      %dma_wait3A_47 = tpu.memref_slice %arg12[%dma_wait3A_45, %dma_wait3A_46] : memref<10240x64xf32, #tpu.memory_space<vmem_shared>> -> memref<10240x64xf32, #tpu.memory_space<vmem_shared>>
      tpu.wait_indirect_dma semaphore(%run_scoped3A_35 : memref<!tpu.dma_semaphore, #tpu.memory_space<semaphore_mem>>) src(%arg10 : memref<128x64xf32, #tpu.memory_space<vmem>>) dst(%dma_wait3A_47 : memref<10240x64xf32, #tpu.memory_space<vmem_shared>>)
      tpu.yield
    }) : () -> ()
    %barrier3A_34 = arith.constant 0 : index
    tpu.barrier barrier_id(%barrier3A_34)
    "tpu.region"() ({
      %run_scoped3A_35 = tpu.sem_alloc : memref<!tpu.dma_semaphore, #tpu.memory_space<semaphore_mem>>
      %dma_start3A_36 = arith.constant 0 : i32
      %dma_start3A_37 = arith.constant 0 : i32
      %dma_start3A_38 = tpu.memref_slice %arg6[%arg0, %dma_start3A_36, %dma_start3A_37] : memref<2x10240x64xf32, #tpu.memory_space<hbm>> -> memref<1x10240x64xf32, #tpu.memory_space<hbm>>
      %dma_start3A_39 = tpu.memref_squeeze %dma_start3A_38 : memref<1x10240x64xf32, #tpu.memory_space<hbm>> -> memref<10240x64xf32, #tpu.memory_space<hbm>>
      %dma_start3A_40 = arith.constant 0 : i32
      %dma_start3A_41 = tpu.memref_slice %dma_start3A_39[%mul3A_2, %dma_start3A_40] : memref<10240x64xf32, #tpu.memory_space<hbm>> -> memref<640x64xf32, #tpu.memory_space<hbm>>
      %dma_start3A_42 = arith.constant 0 : i32
      %dma_start3A_43 = tpu.memref_slice %arg12[%mul3A_2, %dma_start3A_42] : memref<10240x64xf32, #tpu.memory_space<vmem_shared>> -> memref<640x64xf32, #tpu.memory_space<vmem_shared>>
      tpu.enqueue_dma source(%dma_start3A_43 : memref<640x64xf32, #tpu.memory_space<vmem_shared>>) target(%dma_start3A_41 : memref<640x64xf32, #tpu.memory_space<hbm>>) target_semaphore(%run_scoped3A_35 : memref<!tpu.dma_semaphore, #tpu.memory_space<semaphore_mem>>)
      %dma_wait3A_44 = arith.constant 0 : i32
      %dma_wait3A_45 = arith.constant 0 : i32
      %dma_wait3A_46 = tpu.memref_slice %arg6[%arg0, %dma_wait3A_44, %dma_wait3A_45] : memref<2x10240x64xf32, #tpu.memory_space<hbm>> -> memref<1x10240x64xf32, #tpu.memory_space<hbm>>
      %dma_wait3A_47 = tpu.memref_squeeze %dma_wait3A_46 : memref<1x10240x64xf32, #tpu.memory_space<hbm>> -> memref<10240x64xf32, #tpu.memory_space<hbm>>
      %dma_wait3A_48 = arith.constant 0 : i32
      %dma_wait3A_49 = tpu.memref_slice %dma_wait3A_47[%mul3A_2, %dma_wait3A_48] : memref<10240x64xf32, #tpu.memory_space<hbm>> -> memref<640x64xf32, #tpu.memory_space<hbm>>
      %dma_wait3A_50 = arith.constant 0 : i32
      %dma_wait3A_51 = tpu.memref_slice %arg12[%mul3A_2, %dma_wait3A_50] : memref<10240x64xf32, #tpu.memory_space<vmem_shared>> -> memref<640x64xf32, #tpu.memory_space<vmem_shared>>
      tpu.wait_dma2 semaphore(%run_scoped3A_35 : memref<!tpu.dma_semaphore, #tpu.memory_space<semaphore_mem>>) src(%dma_wait3A_51 : memref<640x64xf32, #tpu.memory_space<vmem_shared>>) dst(%dma_wait3A_49 : memref<640x64xf32, #tpu.memory_space<hbm>>)
      tpu.yield
    }) : () -> ()
    return
  }
}

module attributes {stable_mosaic.version = 14 : i64} {
  func.func @_pre_body(%arg0: memref<2x10240x8xf32, #tpu.memory_space<vmem>>, %arg1: memref<10240x128xf32, #tpu.memory_space<vmem>>, %arg2: memref<128x64xf32, #tpu.memory_space<vmem>>, %arg3: memref<10240x64xf32, #tpu.memory_space<vmem>>, %arg4: memref<10240x64xf32, #tpu.memory_space<vmem>>) attributes {dimension_semantics = [], scalar_prefetch = 0 : i64, scratch_operands = 0 : i64, tpu.core_type = #tpu.core_type<tc>} {
    %get3A = arith.constant 0 : index
    %get3A_0 = arith.constant 0 : index
    %get3A_1 = arith.constant 0 : index
    %get3A_2 = vector.load %arg0[%get3A, %get3A_0, %get3A_1] : memref<2x10240x8xf32, #tpu.memory_space<vmem>>, vector<1x10240x1xf32>
    %get3A_3 = vector.shape_cast %get3A_2 : vector<1x10240x1xf32> to vector<10240x1xf32>
    %get3A_4 = arith.constant 1 : index
    %get3A_5 = arith.constant 0 : index
    %get3A_6 = arith.constant 0 : index
    %get3A_7 = vector.load %arg0[%get3A_4, %get3A_5, %get3A_6] : memref<2x10240x8xf32, #tpu.memory_space<vmem>>, vector<1x10240x1xf32>
    %get3A_8 = vector.shape_cast %get3A_7 : vector<1x10240x1xf32> to vector<10240x1xf32>
    %add3A = arith.addf %get3A_3, %get3A_8 : vector<10240x1xf32>
    %add3A_9 = arith.constant 1.000000e+00 : f32
    %add3A_10 = vector.broadcast %add3A_9 : f32 to vector<10240x1xf32>
    %add3A_11 = arith.addf %add3A, %add3A_10 : vector<10240x1xf32>
    %rsqrt3A = math.rsqrt %add3A_11 : vector<10240x1xf32>
    %broadcast_in_dim3A = vector.shape_cast %rsqrt3A : vector<10240x1xf32> to vector<10240x1xf32>
    %broadcast_in_dim3A_12 = vector.broadcast %broadcast_in_dim3A : vector<10240x1xf32> to vector<10240x64xf32>
    %swap3A = arith.constant 0 : index
    %swap3A_13 = arith.constant 0 : index
    %swap3A_14 = vector.load %arg3[%swap3A, %swap3A_13] : memref<10240x64xf32, #tpu.memory_space<vmem>>, vector<10240x64xf32>
    tpu.vector_store %arg3[%swap3A, %swap3A_13], %broadcast_in_dim3A_12 {strides = array<i32>} : memref<10240x64xf32, #tpu.memory_space<vmem>>, vector<10240x64xf32>,
    %get3A_15 = arith.constant 0 : index
    %get3A_16 = arith.constant 0 : index
    %get3A_17 = vector.load %arg1[%get3A_15, %get3A_16] : memref<10240x128xf32, #tpu.memory_space<vmem>>, vector<10240x128xf32>
    %get3A_18 = arith.constant 0 : index
    %get3A_19 = arith.constant 0 : index
    %get3A_20 = vector.load %arg2[%get3A_18, %get3A_19] : memref<128x64xf32, #tpu.memory_space<vmem>>, vector<128x64xf32>
    %dot_general3A = arith.constant dense<0.000000e+00> : vector<10240x64xf32>
    %dot_general3A_21 = tpu.matmul %get3A_17, %get3A_20, %dot_general3A {dimension_numbers = #tpu.dot_dimension_numbers<[1], [0], [0], [1], [0, 0, 1, 1], [], []>, transpose_lhs_hint = false} : vector<10240x128xf32>, vector<128x64xf32>, vector<10240x64xf32> -> vector<10240x64xf32>
    %mul3A = arith.mulf %dot_general3A_21, %broadcast_in_dim3A_12 : vector<10240x64xf32>
    %swap3A_22 = arith.constant 0 : index
    %swap3A_23 = arith.constant 0 : index
    %swap3A_24 = vector.load %arg4[%swap3A_22, %swap3A_23] : memref<10240x64xf32, #tpu.memory_space<vmem>>, vector<10240x64xf32>
    tpu.vector_store %arg4[%swap3A_22, %swap3A_23], %mul3A {strides = array<i32>} : memref<10240x64xf32, #tpu.memory_space<vmem>>, vector<10240x64xf32>,
    return
  }
}

module attributes {stable_mosaic.version = 14 : i64} {
  func.func @_mid_body(%arg0: memref<2x10240x64xf32, #tpu.memory_space<vmem>>, %arg1: memref<10240x64xf32, #tpu.memory_space<vmem>>, %arg2: memref<10240x64xf32, #tpu.memory_space<vmem>>, %arg3: memref<1x64xf32, #tpu.memory_space<vmem>>, %arg4: memref<1x64xf32, #tpu.memory_space<vmem>>, %arg5: memref<1x64xf32, #tpu.memory_space<vmem>>, %arg6: memref<64x64xf32, #tpu.memory_space<vmem>>, %arg7: memref<10240x64xf32, #tpu.memory_space<vmem>>) attributes {dimension_semantics = [], scalar_prefetch = 0 : i64, scratch_operands = 0 : i64, tpu.core_type = #tpu.core_type<tc>} {
    %iota3A = tpu.iota {dimensions = array<i32: 0>} : vector<10240x1xi32>
    %lt3A = arith.constant 10000 : i32
    %lt3A_0 = vector.broadcast %lt3A : i32 to vector<10240x1xi32>
    %lt3A_1 = arith.cmpi slt, %iota3A, %lt3A_0 : vector<10240x1xi32>
    %get3A = arith.constant 0 : index
    %get3A_2 = arith.constant 0 : index
    %get3A_3 = vector.load %arg2[%get3A, %get3A_2] : memref<10240x64xf32, #tpu.memory_space<vmem>>, vector<10240x64xf32>
    %get3A_4 = arith.constant 0 : index
    %get3A_5 = arith.constant 0 : index
    %get3A_6 = arith.constant 0 : index
    %get3A_7 = vector.load %arg0[%get3A_4, %get3A_5, %get3A_6] : memref<2x10240x64xf32, #tpu.memory_space<vmem>>, vector<1x10240x64xf32>
    %get3A_8 = vector.shape_cast %get3A_7 : vector<1x10240x64xf32> to vector<10240x64xf32>
    %get3A_9 = arith.constant 1 : index
    %get3A_10 = arith.constant 0 : index
    %get3A_11 = arith.constant 0 : index
    %get3A_12 = vector.load %arg0[%get3A_9, %get3A_10, %get3A_11] : memref<2x10240x64xf32, #tpu.memory_space<vmem>>, vector<1x10240x64xf32>
    %get3A_13 = vector.shape_cast %get3A_12 : vector<1x10240x64xf32> to vector<10240x64xf32>
    %add3A = arith.addf %get3A_8, %get3A_13 : vector<10240x64xf32>
    %get3A_14 = arith.constant 0 : index
    %get3A_15 = arith.constant 0 : index
    %get3A_16 = vector.load %arg1[%get3A_14, %get3A_15] : memref<10240x64xf32, #tpu.memory_space<vmem>>, vector<10240x64xf32>
    %add3A_17 = arith.addf %add3A, %get3A_16 : vector<10240x64xf32>
    %mul3A = arith.mulf %get3A_3, %add3A_17 : vector<10240x64xf32>
    %get3A_18 = arith.constant 0 : index
    %get3A_19 = arith.constant 0 : index
    %get3A_20 = vector.load %arg3[%get3A_18, %get3A_19] : memref<1x64xf32, #tpu.memory_space<vmem>>, vector<1x64xf32>
    %add3A_21 = vector.broadcast %get3A_20 : vector<1x64xf32> to vector<10240x64xf32>
    %add3A_22 = arith.addf %mul3A, %add3A_21 : vector<10240x64xf32>
    %max3A = arith.constant 0.000000e+00 : f32
    %max3A_23 = vector.broadcast %max3A : f32 to vector<10240x64xf32>
    %max3A_24 = arith.maximumf %add3A_22, %max3A_23 : vector<10240x64xf32>
    %jit3A = arith.constant 0.000000e+00 : f32
    %broadcast_in_dim3A = vector.shape_cast %lt3A_1 : vector<10240x1xi1> to vector<10240x1xi1>
    %broadcast_in_dim3A_25 = vector.broadcast %broadcast_in_dim3A : vector<10240x1xi1> to vector<10240x64xi1>
    %broadcast_in_dim3A_26 = vector.broadcast %jit3A : f32 to vector<10240x64xf32>
    %select_n3A = arith.select %broadcast_in_dim3A_25, %max3A_24, %broadcast_in_dim3A_26 : vector<10240x64xi1>, vector<10240x64xf32>
    %reduce_sum3A = arith.constant dense<0.000000e+00> : vector<64xf32>
    %reduce_sum3A_27 = vector.multi_reduction <add>, %select_n3A, %reduce_sum3A [0] : vector<10240x64xf32> to vector<64xf32>
    %broadcast_in_dim3A_28 = vector.shape_cast %reduce_sum3A_27 : vector<64xf32> to vector<1x64xf32>
    %div3A = arith.constant 1.000000e+04 : f32
    %div3A_29 = vector.broadcast %div3A : f32 to vector<1x64xf32>
    %div3A_30 = arith.divf %broadcast_in_dim3A_28, %div3A_29 : vector<1x64xf32>
    %sub3A = vector.broadcast %div3A_30 : vector<1x64xf32> to vector<10240x64xf32>
    %sub3A_31 = arith.subf %select_n3A, %sub3A : vector<10240x64xf32>
    %jit3A_32 = arith.constant 0.000000e+00 : f32
    %broadcast_in_dim3A_33 = vector.shape_cast %lt3A_1 : vector<10240x1xi1> to vector<10240x1xi1>
    %broadcast_in_dim3A_34 = vector.broadcast %broadcast_in_dim3A_33 : vector<10240x1xi1> to vector<10240x64xi1>
    %broadcast_in_dim3A_35 = vector.broadcast %jit3A_32 : f32 to vector<10240x64xf32>
    %select_n3A_36 = arith.select %broadcast_in_dim3A_34, %sub3A_31, %broadcast_in_dim3A_35 : vector<10240x64xi1>, vector<10240x64xf32>
    %mul3A_37 = arith.mulf %select_n3A_36, %select_n3A_36 : vector<10240x64xf32>
    %reduce_sum3A_38 = arith.constant dense<0.000000e+00> : vector<64xf32>
    %reduce_sum3A_39 = vector.multi_reduction <add>, %mul3A_37, %reduce_sum3A_38 [0] : vector<10240x64xf32> to vector<64xf32>
    %broadcast_in_dim3A_40 = vector.shape_cast %reduce_sum3A_39 : vector<64xf32> to vector<1x64xf32>
    %div3A_41 = arith.constant 1.000000e+04 : f32
    %div3A_42 = vector.broadcast %div3A_41 : f32 to vector<1x64xf32>
    %div3A_43 = arith.divf %broadcast_in_dim3A_40, %div3A_42 : vector<1x64xf32>
    %sub3A_44 = vector.broadcast %div3A_30 : vector<1x64xf32> to vector<10240x64xf32>
    %sub3A_45 = arith.subf %select_n3A, %sub3A_44 : vector<10240x64xf32>
    %add3A_46 = arith.constant 9.99999974E-6 : f32
    %add3A_47 = vector.broadcast %add3A_46 : f32 to vector<1x64xf32>
    %add3A_48 = arith.addf %div3A_43, %add3A_47 : vector<1x64xf32>
    %rsqrt3A = math.rsqrt %add3A_48 : vector<1x64xf32>
    %mul3A_49 = vector.broadcast %rsqrt3A : vector<1x64xf32> to vector<10240x64xf32>
    %mul3A_50 = arith.mulf %sub3A_45, %mul3A_49 : vector<10240x64xf32>
    %get3A_51 = arith.constant 0 : index
    %get3A_52 = arith.constant 0 : index
    %get3A_53 = vector.load %arg4[%get3A_51, %get3A_52] : memref<1x64xf32, #tpu.memory_space<vmem>>, vector<1x64xf32>
    %mul3A_54 = vector.broadcast %get3A_53 : vector<1x64xf32> to vector<10240x64xf32>
    %mul3A_55 = arith.mulf %mul3A_50, %mul3A_54 : vector<10240x64xf32>
    %get3A_56 = arith.constant 0 : index
    %get3A_57 = arith.constant 0 : index
    %get3A_58 = vector.load %arg5[%get3A_56, %get3A_57] : memref<1x64xf32, #tpu.memory_space<vmem>>, vector<1x64xf32>
    %add3A_59 = vector.broadcast %get3A_58 : vector<1x64xf32> to vector<10240x64xf32>
    %add3A_60 = arith.addf %mul3A_55, %add3A_59 : vector<10240x64xf32>
    %get3A_61 = arith.constant 0 : index
    %get3A_62 = arith.constant 0 : index
    %get3A_63 = vector.load %arg6[%get3A_61, %get3A_62] : memref<64x64xf32, #tpu.memory_space<vmem>>, vector<64x64xf32>
    %dot_general3A = arith.constant dense<0.000000e+00> : vector<10240x64xf32>
    %dot_general3A_64 = tpu.matmul %add3A_60, %get3A_63, %dot_general3A {dimension_numbers = #tpu.dot_dimension_numbers<[1], [0], [0], [1], [0, 0, 1, 1], [], []>, transpose_lhs_hint = false} : vector<10240x64xf32>, vector<64x64xf32>, vector<10240x64xf32> -> vector<10240x64xf32>
    %get3A_65 = arith.constant 0 : index
    %get3A_66 = arith.constant 0 : index
    %get3A_67 = vector.load %arg2[%get3A_65, %get3A_66] : memref<10240x64xf32, #tpu.memory_space<vmem>>, vector<10240x64xf32>
    %mul3A_68 = arith.mulf %dot_general3A_64, %get3A_67 : vector<10240x64xf32>
    %jit3A_69 = arith.constant 0.000000e+00 : f32
    %broadcast_in_dim3A_70 = vector.shape_cast %lt3A_1 : vector<10240x1xi1> to vector<10240x1xi1>
    %broadcast_in_dim3A_71 = vector.broadcast %broadcast_in_dim3A_70 : vector<10240x1xi1> to vector<10240x64xi1>
    %broadcast_in_dim3A_72 = vector.broadcast %jit3A_69 : f32 to vector<10240x64xf32>
    %select_n3A_73 = arith.select %broadcast_in_dim3A_71, %mul3A_68, %broadcast_in_dim3A_72 : vector<10240x64xi1>, vector<10240x64xf32>
    %swap3A = arith.constant 0 : index
    %swap3A_74 = arith.constant 0 : index
    %swap3A_75 = vector.load %arg7[%swap3A, %swap3A_74] : memref<10240x64xf32, #tpu.memory_space<vmem>>, vector<10240x64xf32>
    tpu.vector_store %arg7[%swap3A, %swap3A_74], %select_n3A_73 {strides = array<i32>} : memref<10240x64xf32, #tpu.memory_space<vmem>>, vector<10240x64xf32>,
    return
  }
}

module attributes {stable_mosaic.version = 14 : i64} {
  func.func @_fin_body(%arg0: memref<2x10240x64xf32, #tpu.memory_space<vmem>>, %arg1: memref<10240x64xf32, #tpu.memory_space<vmem>>, %arg2: memref<10240x64xf32, #tpu.memory_space<vmem>>, %arg3: memref<1x64xf32, #tpu.memory_space<vmem>>, %arg4: memref<10240x1xi32, #tpu.memory_space<vmem>>, %arg5: memref<1x64xi32, #tpu.memory_space<vmem>>, %arg6: memref<128x64xf32, #tpu.memory_space<vmem>>, %arg7: memref<1x64xf32, #tpu.memory_space<vmem>>, %arg8: memref<64x2xf32, #tpu.memory_space<vmem>>, %arg9: memref<1x2xf32, #tpu.memory_space<vmem>>, %arg10: memref<1x2xf32, #tpu.memory_space<vmem>>, %arg11: memref<1x2xi32, #tpu.memory_space<vmem>>, %arg12: memref<1x1xf32, #tpu.memory_space<vmem>>, %arg13: memref<64x64xf32, #tpu.memory_space<vmem>>) attributes {dimension_semantics = [], scalar_prefetch = 0 : i64, scratch_operands = 1 : i64, tpu.core_type = #tpu.core_type<tc>} {
    %iota3A = tpu.iota {dimensions = array<i32: 0>} : vector<10240x1xi32>
    %lt3A = arith.constant 10000 : i32
    %lt3A_0 = vector.broadcast %lt3A : i32 to vector<10240x1xi32>
    %lt3A_1 = arith.cmpi slt, %iota3A, %lt3A_0 : vector<10240x1xi32>
    %get3A = arith.constant 0 : index
    %get3A_2 = arith.constant 0 : index
    %get3A_3 = vector.load %arg2[%get3A, %get3A_2] : memref<10240x64xf32, #tpu.memory_space<vmem>>, vector<10240x64xf32>
    %get3A_4 = arith.constant 0 : index
    %get3A_5 = arith.constant 0 : index
    %get3A_6 = arith.constant 0 : index
    %get3A_7 = vector.load %arg0[%get3A_4, %get3A_5, %get3A_6] : memref<2x10240x64xf32, #tpu.memory_space<vmem>>, vector<1x10240x64xf32>
    %get3A_8 = vector.shape_cast %get3A_7 : vector<1x10240x64xf32> to vector<10240x64xf32>
    %get3A_9 = arith.constant 1 : index
    %get3A_10 = arith.constant 0 : index
    %get3A_11 = arith.constant 0 : index
    %get3A_12 = vector.load %arg0[%get3A_9, %get3A_10, %get3A_11] : memref<2x10240x64xf32, #tpu.memory_space<vmem>>, vector<1x10240x64xf32>
    %get3A_13 = vector.shape_cast %get3A_12 : vector<1x10240x64xf32> to vector<10240x64xf32>
    %add3A = arith.addf %get3A_8, %get3A_13 : vector<10240x64xf32>
    %get3A_14 = arith.constant 0 : index
    %get3A_15 = arith.constant 0 : index
    %get3A_16 = vector.load %arg1[%get3A_14, %get3A_15] : memref<10240x64xf32, #tpu.memory_space<vmem>>, vector<10240x64xf32>
    %add3A_17 = arith.addf %add3A, %get3A_16 : vector<10240x64xf32>
    %mul3A = arith.mulf %get3A_3, %add3A_17 : vector<10240x64xf32>
    %get3A_18 = arith.constant 0 : index
    %get3A_19 = arith.constant 0 : index
    %get3A_20 = vector.load %arg3[%get3A_18, %get3A_19] : memref<1x64xf32, #tpu.memory_space<vmem>>, vector<1x64xf32>
    %add3A_21 = vector.broadcast %get3A_20 : vector<1x64xf32> to vector<10240x64xf32>
    %add3A_22 = arith.addf %mul3A, %add3A_21 : vector<10240x64xf32>
    %max3A = arith.constant 0.000000e+00 : f32
    %max3A_23 = vector.broadcast %max3A : f32 to vector<10240x64xf32>
    %max3A_24 = arith.maximumf %add3A_22, %max3A_23 : vector<10240x64xf32>
    %jit3A = arith.constant 0.000000e+00 : f32
    %broadcast_in_dim3A = vector.shape_cast %lt3A_1 : vector<10240x1xi1> to vector<10240x1xi1>
    %broadcast_in_dim3A_25 = vector.broadcast %broadcast_in_dim3A : vector<10240x1xi1> to vector<10240x64xi1>
    %broadcast_in_dim3A_26 = vector.broadcast %jit3A : f32 to vector<10240x64xf32>
    %select_n3A = arith.select %broadcast_in_dim3A_25, %max3A_24, %broadcast_in_dim3A_26 : vector<10240x64xi1>, vector<10240x64xf32>
    %iota3A_27 = tpu.iota {dimensions = array<i32: 1>} : vector<1x64xi32>
    %get3A_28 = arith.constant 0 : index
    %get3A_29 = arith.constant 0 : index
    %get3A_30 = vector.load %arg4[%get3A_28, %get3A_29] : memref<10240x1xi32, #tpu.memory_space<vmem>>, vector<10240x1xi32>
    %eq3A = vector.broadcast %get3A_30 : vector<10240x1xi32> to vector<10240x64xi32>
    %eq3A_31 = vector.broadcast %iota3A_27 : vector<1x64xi32> to vector<10240x64xi32>
    %eq3A_32 = arith.cmpi eq, %eq3A, %eq3A_31 : vector<10240x64xi32>
    %convert_element_type3A = arith.extui %eq3A_32 : vector<10240x64xi1> to vector<10240x64xi32>
    %convert_element_type3A_33 = arith.sitofp %convert_element_type3A : vector<10240x64xi32> to vector<10240x64xf32>
    %reduce_sum3A = arith.constant dense<0.000000e+00> : vector<64xf32>
    %reduce_sum3A_34 = vector.multi_reduction <add>, %convert_element_type3A_33, %reduce_sum3A [0] : vector<10240x64xf32> to vector<64xf32>
    %broadcast_in_dim3A_35 = vector.shape_cast %reduce_sum3A_34 : vector<64xf32> to vector<1x64xf32>
    %dot_general3A = arith.constant dense<0.000000e+00> : vector<64x64xf32>
    %dot_general3A_36 = tpu.matmul %convert_element_type3A_33, %select_n3A, %dot_general3A {dimension_numbers = #tpu.dot_dimension_numbers<[0], [0], [1], [1], [0, 1, 1, 1], [], []>, transpose_lhs_hint = false} : vector<10240x64xf32>, vector<10240x64xf32>, vector<64x64xf32> -> vector<64x64xf32>
    %max3A_37 = arith.constant 1.000000e+00 : f32
    %max3A_38 = vector.broadcast %max3A_37 : f32 to vector<1x64xf32>
    %max3A_39 = arith.maximumf %broadcast_in_dim3A_35, %max3A_38 : vector<1x64xf32>
    %reshape3A = vector.shape_cast %max3A_39 : vector<1x64xf32> to vector<64x1xf32>
    %div3A = vector.broadcast %reshape3A : vector<64x1xf32> to vector<64x64xf32>
    %div3A_40 = arith.divf %dot_general3A_36, %div3A : vector<64x64xf32>
    %scan3A = arith.constant 0 : i32
    %scan3A_41 = arith.constant 64 : i32
    %scan3A_42 = arith.addi %scan3A, %scan3A_41 : i32
    %scan3A_43 = arith.constant 1 : i32
    scf.for %scan3A_122 = %scan3A to %scan3A_42 step %scan3A_43  : i32 {
      %get3A_123 = arith.constant 0 : index
      %get3A_124 = arith.constant 0 : index
      %get3A_125 = vector.load %arg4[%get3A_123, %get3A_124] : memref<10240x1xi32, #tpu.memory_space<vmem>>, vector<10240x1xi32>
      %eq3A_126 = vector.broadcast %scan3A_122 : i32 to vector<10240x1xi32>
      %eq3A_127 = arith.cmpi eq, %get3A_125, %eq3A_126 : vector<10240x1xi32>
      %jit3A_128 = arith.constant 0xFF800000 : f32
      %broadcast_in_dim3A_129 = vector.shape_cast %eq3A_127 : vector<10240x1xi1> to vector<10240x1xi1>
      %broadcast_in_dim3A_130 = vector.broadcast %broadcast_in_dim3A_129 : vector<10240x1xi1> to vector<10240x64xi1>
      %broadcast_in_dim3A_131 = vector.broadcast %jit3A_128 : f32 to vector<10240x64xf32>
      %select_n3A_132 = arith.select %broadcast_in_dim3A_130, %select_n3A, %broadcast_in_dim3A_131 : vector<10240x64xi1>, vector<10240x64xf32>
      %reduce_max3A_133 = arith.constant dense<0xFF800000> : vector<64xf32>
      %reduce_max3A_134 = vector.multi_reduction <maximumf>, %select_n3A_132, %reduce_max3A_133 [0] : vector<10240x64xf32> to vector<64xf32>
      %broadcast_in_dim3A_135 = vector.shape_cast %reduce_max3A_134 : vector<64xf32> to vector<1x64xf32>
      %swap3A_136 = arith.index_cast %scan3A_122 : i32 to index
      %swap3A_137 = arith.constant 0 : index
      %swap3A_138 = vector.load %arg13[%swap3A_136, %swap3A_137] : memref<64x64xf32, #tpu.memory_space<vmem>>, vector<1x64xf32>
      tpu.vector_store %arg13[%swap3A_136, %swap3A_137], %broadcast_in_dim3A_135 {strides = array<i32>} : memref<64x64xf32, #tpu.memory_space<vmem>>, vector<1x64xf32>,
    }
    %scan3A_44 = arith.constant 64 : i32
    %get3A_45 = arith.constant 0 : index
    %get3A_46 = arith.constant 0 : index
    %get3A_47 = vector.load %arg13[%get3A_45, %get3A_46] : memref<64x64xf32, #tpu.memory_space<vmem>>, vector<64x64xf32>
    %concatenate3A = tpu.concatenate %div3A_40, %get3A_47 in 1 : vector<64x64xf32>, vector<64x64xf32> -> vector<64x128xf32>
    %get3A_48 = arith.constant 0 : index
    %get3A_49 = arith.constant 0 : index
    %get3A_50 = vector.load %arg6[%get3A_48, %get3A_49] : memref<128x64xf32, #tpu.memory_space<vmem>>, vector<128x64xf32>
    %dot_general3A_51 = arith.constant dense<0.000000e+00> : vector<64x64xf32>
    %dot_general3A_52 = tpu.matmul %concatenate3A, %get3A_50, %dot_general3A_51 {dimension_numbers = #tpu.dot_dimension_numbers<[1], [0], [0], [1], [0, 0, 1, 1], [], []>, transpose_lhs_hint = false} : vector<64x128xf32>, vector<128x64xf32>, vector<64x64xf32> -> vector<64x64xf32>
    %get3A_53 = arith.constant 0 : index
    %get3A_54 = arith.constant 0 : index
    %get3A_55 = vector.load %arg7[%get3A_53, %get3A_54] : memref<1x64xf32, #tpu.memory_space<vmem>>, vector<1x64xf32>
    %add3A_56 = vector.broadcast %get3A_55 : vector<1x64xf32> to vector<64x64xf32>
    %add3A_57 = arith.addf %dot_general3A_52, %add3A_56 : vector<64x64xf32>
    %max3A_58 = arith.constant 0.000000e+00 : f32
    %max3A_59 = vector.broadcast %max3A_58 : f32 to vector<64x64xf32>
    %max3A_60 = arith.maximumf %add3A_57, %max3A_59 : vector<64x64xf32>
    %get3A_61 = arith.constant 0 : index
    %get3A_62 = arith.constant 0 : index
    %get3A_63 = vector.load %arg8[%get3A_61, %get3A_62] : memref<64x2xf32, #tpu.memory_space<vmem>>, vector<64x2xf32>
    %dot_general3A_64 = arith.constant dense<0.000000e+00> : vector<64x2xf32>
    %dot_general3A_65 = tpu.matmul %max3A_60, %get3A_63, %dot_general3A_64 {dimension_numbers = #tpu.dot_dimension_numbers<[1], [0], [0], [1], [0, 0, 1, 1], [], []>, transpose_lhs_hint = false} : vector<64x64xf32>, vector<64x2xf32>, vector<64x2xf32> -> vector<64x2xf32>
    %get3A_66 = arith.constant 0 : index
    %get3A_67 = arith.constant 0 : index
    %get3A_68 = vector.load %arg9[%get3A_66, %get3A_67] : memref<1x2xf32, #tpu.memory_space<vmem>>, vector<1x2xf32>
    %add3A_69 = vector.broadcast %get3A_68 : vector<1x2xf32> to vector<64x2xf32>
    %add3A_70 = arith.addf %dot_general3A_65, %add3A_69 : vector<64x2xf32>
    %reduce_max3A = arith.constant dense<0xFF800000> : vector<64xf32>
    %reduce_max3A_71 = vector.multi_reduction <maximumf>, %add3A_70, %reduce_max3A [1] : vector<64x2xf32> to vector<64xf32>
    %broadcast_in_dim3A_72 = vector.shape_cast %reduce_max3A_71 : vector<64xf32> to vector<64x1xf32>
    %sub3A = vector.broadcast %broadcast_in_dim3A_72 : vector<64x1xf32> to vector<64x2xf32>
    %sub3A_73 = arith.subf %add3A_70, %sub3A : vector<64x2xf32>
    %exp3A = math.exp %sub3A_73 : vector<64x2xf32>
    %reduce_sum3A_74 = arith.constant dense<0.000000e+00> : vector<64xf32>
    %reduce_sum3A_75 = vector.multi_reduction <add>, %exp3A, %reduce_sum3A_74 [1] : vector<64x2xf32> to vector<64xf32>
    %broadcast_in_dim3A_76 = vector.shape_cast %reduce_sum3A_75 : vector<64xf32> to vector<64x1xf32>
    %log3A = math.log %broadcast_in_dim3A_76 : vector<64x1xf32>
    %sub3A_77 = vector.broadcast %broadcast_in_dim3A_72 : vector<64x1xf32> to vector<64x2xf32>
    %sub3A_78 = arith.subf %add3A_70, %sub3A_77 : vector<64x2xf32>
    %sub3A_79 = vector.broadcast %log3A : vector<64x1xf32> to vector<64x2xf32>
    %sub3A_80 = arith.subf %sub3A_78, %sub3A_79 : vector<64x2xf32>
    %get3A_81 = arith.constant 0 : index
    %get3A_82 = arith.constant 0 : index
    %get3A_83 = vector.load %arg5[%get3A_81, %get3A_82] : memref<1x64xi32, #tpu.memory_space<vmem>>, vector<1x64xi32>
    %reshape3A_84 = vector.shape_cast %get3A_83 : vector<1x64xi32> to vector<64x1xi32>
    %iota3A_85 = tpu.iota {dimensions = array<i32: 1>} : vector<64x2xi32>
    %eq3A_86 = vector.broadcast %reshape3A_84 : vector<64x1xi32> to vector<64x2xi32>
    %eq3A_87 = arith.cmpi eq, %eq3A_86, %iota3A_85 : vector<64x2xi32>
    %jit3A_88 = arith.constant 0.000000e+00 : f32
    %broadcast_in_dim3A_89 = vector.broadcast %jit3A_88 : f32 to vector<64x2xf32>
    %select_n3A_90 = arith.select %eq3A_87, %sub3A_80, %broadcast_in_dim3A_89 : vector<64x2xi1>, vector<64x2xf32>
    %reduce_sum3A_91 = arith.constant dense<0.000000e+00> : vector<64xf32>
    %reduce_sum3A_92 = vector.multi_reduction <add>, %select_n3A_90, %reduce_sum3A_91 [1] : vector<64x2xf32> to vector<64xf32>
    %broadcast_in_dim3A_93 = vector.shape_cast %reduce_sum3A_92 : vector<64xf32> to vector<64x1xf32>
    %reduce_sum3A_94 = arith.constant dense<0.000000e+00> : vector<1xf32>
    %reduce_sum3A_95 = vector.multi_reduction <add>, %broadcast_in_dim3A_93, %reduce_sum3A_94 [0] : vector<64x1xf32> to vector<1xf32>
    %broadcast_in_dim3A_96 = vector.shape_cast %reduce_sum3A_95 : vector<1xf32> to vector<1x1xf32>
    %neg3A = arith.constant 0.000000e+00 : f32
    %neg3A_97 = vector.broadcast %neg3A : f32 to vector<1x1xf32>
    %neg3A_98 = arith.subf %neg3A_97, %broadcast_in_dim3A_96 : vector<1x1xf32>
    %div3A_99 = arith.constant 6.400000e+01 : f32
    %div3A_100 = vector.broadcast %div3A_99 : f32 to vector<1x1xf32>
    %div3A_101 = arith.divf %neg3A_98, %div3A_100 : vector<1x1xf32>
    %swap3A = arith.constant 0 : index
    %swap3A_102 = arith.constant 0 : index
    %swap3A_103 = vector.load %arg12[%swap3A, %swap3A_102] : memref<1x1xf32, #tpu.memory_space<vmem>>, vector<1x1xf32>
    tpu.vector_store %arg12[%swap3A, %swap3A_102], %div3A_101 {strides = array<i32>} : memref<1x1xf32, #tpu.memory_space<vmem>>, vector<1x1xf32>,
    %exp3A_104 = math.exp %sub3A_80 : vector<64x2xf32>
    %reduce_min3A = arith.constant dense<0x7F800000> : vector<2xf32>
    %reduce_min3A_105 = vector.multi_reduction <minimumf>, %exp3A_104, %reduce_min3A [0] : vector<64x2xf32> to vector<2xf32>
    %broadcast_in_dim3A_106 = vector.shape_cast %reduce_min3A_105 : vector<2xf32> to vector<1x2xf32>
    %swap3A_107 = arith.constant 0 : index
    %swap3A_108 = arith.constant 0 : index
    %swap3A_109 = vector.load %arg10[%swap3A_107, %swap3A_108] : memref<1x2xf32, #tpu.memory_space<vmem>>, vector<1x2xf32>
    tpu.vector_store %arg10[%swap3A_107, %swap3A_108], %broadcast_in_dim3A_106 {strides = array<i32>} : memref<1x2xf32, #tpu.memory_space<vmem>>, vector<1x2xf32>,
    %iota3A_110 = tpu.iota {dimensions = array<i32: 0>} : vector<64x2xi32>
    %eq3A_111 = vector.broadcast %broadcast_in_dim3A_106 : vector<1x2xf32> to vector<64x2xf32>
    %eq3A_112 = arith.cmpf oeq, %exp3A_104, %eq3A_111 : vector<64x2xf32>
    %jit3A_113 = arith.constant 1073741824 : i32
    %broadcast_in_dim3A_114 = vector.broadcast %jit3A_113 : i32 to vector<64x2xi32>
    %select_n3A_115 = arith.select %eq3A_112, %iota3A_110, %broadcast_in_dim3A_114 : vector<64x2xi1>, vector<64x2xi32>
    %reduce_min3A_116 = arith.constant dense<2147483647> : vector<2xi32>
    %reduce_min3A_117 = vector.multi_reduction <minsi>, %select_n3A_115, %reduce_min3A_116 [0] : vector<64x2xi32> to vector<2xi32>
    %broadcast_in_dim3A_118 = vector.shape_cast %reduce_min3A_117 : vector<2xi32> to vector<1x2xi32>
    %swap3A_119 = arith.constant 0 : index
    %swap3A_120 = arith.constant 0 : index
    %swap3A_121 = vector.load %arg11[%swap3A_119, %swap3A_120] : memref<1x2xi32, #tpu.memory_space<vmem>>, vector<1x2xi32>
    tpu.vector_store %arg11[%swap3A_119, %swap3A_120], %broadcast_in_dim3A_118 {strides = array<i32>} : memref<1x2xi32, #tpu.memory_space<vmem>>, vector<1x2xi32>,
    return
  }
}

</mosaic_0001>

<sc_bundles>
// kernel: kernel.10.cloned.1.call-start
scs
__scs_entry_jumppad:
0x0: {  	(pc) =	sbr.rel $0x88, $3  }
0x1: {  	(tag) =	ssettag $0x0;
	lr =	simm.s32 $0x1  }
0x2: {  	[smem:$0x3F8F] =	sst lr;
	_ =	strace $0xD0000000  }
0x3: {  	_ = 	snop  }
0x4: {  	_ = 	snop  }
0x5: {  	_ = 	snop  }
0x6: {  	_ = 	snop  }
0x7: {  	_ = 	snop  }
__scs_overlays_trampoline_lowered:
0x8: {  	[smem:$0x3F9E] =	sst s0  }
0x9: {  	[smem:$0x3F9F] =	sst s1  }
0xa: {  	[smem:$0x3FA0] =	sst s2  }
0xb: {  	[smem:$0x3FA1] =	sst s3  }
0xc: {  	[smem:$0x3FA2] =	sst s4  }
0xd: {  	[smem:$0x3FA3] =	sst s5  }
0xe: {  	[smem:$0x3FA4] =	sst s6  }
0xf: {  	[smem:$0x3FA5] =	sst s7  }
0x10: {  	[smem:$0x3FA6] =	sst s8  }
0x11: {  	[smem:$0x3FA7] =	sst s9;
	s0 =	simm.s32 @!p0 $0x0  }
0x12: {  	s1 =	sld [smem:$0x3F8D];
	s0 =	simm.s32 @p0 $0x1  }
0x13: {  	[smem:$0x3FA8] =	sst s0;
	s0 =	simm.s32 @!p1 $0x0  }
0x14: {  	s2 =	sld [smem:$0x3F8C];
	s0 =	simm.s32 @p1 $0x1  }
0x15: {  	[smem:$0x3FA9] =	sst s0;
	s0 =	simm.s32 @!p2 $0x0  }
0x16: {  	s3 =	sld [smem:$0x3FDB];
	s0 =	simm.s32 @p2 $0x1  }
0x17: {  	s4 =	simm.s32 $0x1BF5;
	[smem:$0x3FAB] =	sst s0  }
0x18: {  	s0 =	sld [smem:$0x3F8E];
	_ =	swait.ge [sflag:s4], $0x0  }
0x19: {  	s7 =	sld [smem:$0x3F8F]  }
0x1a: {  	s8 =	sadd.s32 $0xFFFFE003, lr  }
0x1b: {  	s9 =	sadd.s32 $0xFFFFFEF7, lr;
	s5 =	simm.s32 $0xFFFFFFFF;
	p2 =	slt.u32 s8, $0xFFFFF086  }
0x1c: {  	p1 =	slt.u32 s9, $0xF7A;
	s5 =	simm.s32 @!p2 $0x0  }
0x1d: {  	s5 =	simm.s32 @p1 $0x1;
	p0 =	seq.s32 s7, s2  }
0x1e: {  	s7 =	smul.u32 @!p0 $0xF7A, s2;
	p2 =	seq.s32 @!p0 s5, $0x0  }
0x1f: {  	s9 =	smul.u32 $0xF7A, s1;
	s8 =	simm.s32 @!p0 $0x1BF5;
	p2 =	por !p2, p0  }
0x20: {  	[sflag:s8] =	ssyncset.s32 @!p0 $0xFFFFF086;
	s6 =	sadd.s32 @!p0 s3, s7;
	s7 =	simm.s32 @!p0 $0x108  }
0x21: {  	s3 =	sadd.s32 s3, s9;
	s6 =	sadd.s32 @!p0 $0x88, s6;
	s7 =	simm.s32 @p2 $0x1082  }
0x22: {  	[simem:s7], [sflag:s8] =	dma.local @!p0 [hbm:s6], $0xF7A  }
0x23: {  	s9 =	sor.u32 $0xD0000000, s2;
	s6 =	simm.s32 $0x108;
	_ =	swait.ge @!p0 [sflag:s8], $0x0  }
0x24: {  	s3 =	sadd.s32 $0x88, s3;
	s6 =	simm.s32 @!p1 $0x1082;
	[sflag:s4] =	ssyncset.s32 $0xFFFFF086  }
0x25: {  	[simem:s6], [sflag:s4] =	dma.local [hbm:s3], $0xF7A  }
0x26: {  	[smem:$0x3F8F] =	sst s1;
	(tag) =	ssettag s2;
	_ =	strace s9  }
0x27: {  	s1 =	sld [smem:$0x3F9F]  }
0x28: {  	s2 =	sld [smem:$0x3FA0]  }
0x29: {  	s4 =	sld [smem:$0x3FA2]  }
0x2a: {  	p0 =	seq.s32 s5, $0x0;
	s5 =	sld [smem:$0x3FA3]  }
0x2b: {  	s6 =	sld [smem:$0x3FA4]  }
0x2c: {  	s7 =	sld [smem:$0x3FA5]  }
0x2d: {  	s3 =	simm.s32 $0x108;
	s8 =	sld [smem:$0x3FA6]  }
0x2e: {  	s3 =	simm.s32 @!p0 $0x1082;
	s9 =	sld [smem:$0x3FA7]  }
0x2f: {  	lr =	sadd.s32 s0, s3;
	s0 =	sld [smem:$0x3F9E]  }
0x30: {  	s3 =	sld [smem:$0x3FA1]  }
0x31: {  	[smem:$0x3FAA] =	sst s10  }
0x32: {  	s10 =	sld [smem:$0x3FA8];
	_ =	sdelay $0x3  }
0x33: {  	p0 =	seq.s32 s10, $0x1;
	s10 =	sld [smem:$0x3FAA];
	_ =	sdelay $0x3  }
0x34: {  	[smem:$0x3FAA] =	sst s10  }
0x35: {  	s10 =	sld [smem:$0x3FA9];
	_ =	sdelay $0x3  }
0x36: {  	p1 =	seq.s32 s10, $0x1;
	s10 =	sld [smem:$0x3FAA];
	_ =	sdelay $0x3  }
0x37: {  	[smem:$0x3FAA] =	sst s10  }
0x38: {  	s10 =	sld [smem:$0x3FAB]  }
0x39: {  	_ = 	snop;
	(pc) =	sbr.ind lr, $3  }
0x3a: {  	_ = 	snop  }
0x3b: {  	_ = 	snop  }
0x3c: {  	p2 =	seq.s32 s10, $0x1;
	s10 =	sld [smem:$0x3FAA]  }
0x3d: {  	_ =	shalt  }
0x3e: {  	_ =	shalt  }
0x3f: {  	_ =	shalt  }
0x40: {  	_ =	shalt  }
0x41: {  	_ =	shalt  }
0x42: {  	_ =	shalt  }
0x43: {  	_ =	shalt  }
0x44: {  	_ =	shalt  }
0x45: {  	_ =	shalt  }
0x46: {  	_ =	shalt  }
0x47: {  	_ =	shalt  }
0x48: {  	_ =	shalt  }
0x49: {  	_ =	shalt  }
0x4a: {  	_ =	shalt  }
0x4b: {  	_ =	shalt  }
0x4c: {  	_ =	shalt  }
0x4d: {  	_ =	shalt  }
0x4e: {  	_ =	shalt  }
0x4f: {  	_ =	shalt  }
0x50: {  	_ =	shalt  }
0x51: {  	_ =	shalt  }
0x52: {  	_ =	shalt  }
0x53: {  	_ =	shalt  }
0x54: {  	_ =	shalt  }
0x55: {  	_ =	shalt  }
0x56: {  	_ =	shalt  }
0x57: {  	_ =	shalt  }
0x58: {  	_ =	shalt  }
0x59: {  	_ =	shalt  }
0x5a: {  	_ =	shalt  }
0x5b: {  	_ =	shalt  }
0x5c: {  	_ =	shalt  }
0x5d: {  	_ =	shalt  }
0x5e: {  	_ =	shalt  }
0x5f: {  	_ =	shalt  }
0x60: {  	_ =	shalt  }
0x61: {  	_ =	shalt  }
0x62: {  	_ =	shalt  }
0x63: {  	_ =	shalt  }
0x64: {  	_ =	shalt  }
0x65: {  	_ =	shalt  }
0x66: {  	_ =	shalt  }
0x67: {  	_ =	shalt  }
0x68: {  	_ =	shalt  }
0x69: {  	_ =	shalt  }
0x6a: {  	_ =	shalt  }
0x6b: {  	_ =	shalt  }
0x6c: {  	_ =	shalt  }
0x6d: {  	_ =	shalt  }
0x6e: {  	_ =	shalt  }
0x6f: {  	_ =	shalt  }
0x70: {  	_ =	shalt  }
0x71: {  	_ =	shalt  }
0x72: {  	_ =	shalt  }
0x73: {  	_ =	shalt  }
0x74: {  	_ =	shalt  }
0x75: {  	_ =	shalt  }
0x76: {  	_ =	shalt  }
0x77: {  	_ =	shalt  }
0x78: {  	_ =	shalt  }
0x79: {  	_ =	shalt  }
0x7a: {  	_ =	shalt  }
0x7b: {  	_ =	shalt  }
0x7c: {  	_ =	shalt  }
0x7d: {  	_ =	shalt  }
0x7e: {  	_ =	shalt  }
0x7f: {  	_ =	shalt  }
0x80: {  	_ =	shalt  }
0x81: {  	_ =	shalt  }
0x82: {  	_ =	shalt  }
0x83: {  	_ =	shalt  }
0x84: {  	_ =	shalt  }
0x85: {  	_ =	shalt  }
0x86: {  	_ =	shalt  }
0x87: {  	_ =	shalt  }
.Lfunc_end0:
.L_simem_size_0:
called_computation_lowered:
.L_overlay_start_0:
0x88: {  	s2 =	sld [smem:$0x3FD9]  }
0x89: {  	s3 =	sld [smem:$0x3FFE];
	_ =	sdelay $0x1  }
0x8a: {  	s1 =	srdreg.scid  }
0x8b: {  	s0 =	sand.u32 $0x1, s1  }
0x8c: {  	s16 =	sshll.u32 s0, $0xA;
	s2 =	sadd.s32 s3, s2  }
0x8d: {  	s2 =	sadd.s32 s2, s16  }
0x8e: {  	[smem:$0x3FB6] =	sst s2  }
0x8f: {  	_ = 	snop  }
0x90: {  	(tm) =	ssettm $0x1  }
0x91: {  	s17 =	sld [smem:$0x3FFB];
	_ =	sdelay $0x3  }
0x92: {  	_ =	strace s17  }
0x93: {  	s2 =	sld [smem:$0x3FFC];
	_ =	sdelay $0x3  }
0x94: {  	_ =	strace s2  }
0x95: {  	s2 =	sld [smem:$0x3FFD];
	_ =	sdelay $0x3  }
0x96: {  	_ =	strace s2  }
0x97: {  	_ =	strace $0x8FFFFFFF  }
0x98: {  	s18 =	sld [smem:$0x3FDB];
	_ =	sdelay $0x1  }
0x99: {  	s19 =	simm.s32 $_scs_section_size  }
0x9a: {  	s4 =	simm.s32 $_size__tile_overlayer_lowered;
	s5 =	simm.s32 $_tile_overlayer_lowered  }
0x9b: {  	s22 =	simm.s32 $0x1BFF;
	s21 =	sshll.u32 s5, $0x1;
	s2 =	sadd.s32 s19, s18  }
0x9c: {  	s6 =	simm.s32 $0x0;
	s20 =	sshll.u32 s4, $0x1;
	s4 =	sadd.s32 s21, s2  }
0x9d: {  	[timem:s6], [sflag:s22] =	dma.local [hbm:s4], s20  }
0x9e: {  	_ =	swait.ge [sflag:s22], s20  }
0x9f: {  	s3 =	ssub.s32 $0x0, s20;
	[sflag:s22] =	ssyncset.done $0x0  }
0xa0: {  	[sflag:s22] =	ssyncadd.s32 s3;
	_ =	sdelay $0x1  }
0xa1: {  	s23 =	simm.s32 $0x1B8B  }
0xa2: {  	_ =	swait.ge [sflag:s23], $0x1  }
0xa3: {  	[sflag:s23] =	ssyncset.done $0x0  }
0xa4: {  	s25 =	simm.s32 $0x1B8E;
	s24 =	sld [smem:$0x3FFE];
	[sflag:s23] =	ssyncadd.s32 $0xFFFFFFFF  }
0xa5: {  	s26 =	simm.s32 $execute0_lowered;
	[smem:$0x3FD2] =	sst s25  }
0xa6: {  	s4 =	sshll.u32 s26, $0x1;
	_ =	strace $0x80000046;
	[dreg:$0x1] =	wrdreg $0xFFFFFFFF  }
0xa7: {  	s28 =	simm.s32 $_size_execute0_lowered;
	s2 =	sadd.s32 s2, s4;
	[dreg:$0x0] =	wrdreg $0x0  }
0xa8: {  	s4 =	sshll.u32 s28, $0x1;
	[dreg:$0x2] =	wrdreg s2  }
0xa9: {  	[dreg:$0x3] =	wrdreg s4  }
0xaa: {  	[dreg:$0x4] =	wrdreg $0xC0  }
0xab: {  	_ =	task [dreg:s6], $0x5FFFF  }
0xac: {  	[dreg:$0x1] =	wrdreg $0xFFFFFFFF  }
0xad: {  	[dreg:$0x0] =	wrdreg $0x60  }
0xae: {  	[dreg:$0x2] =	wrdreg s24  }
0xaf: {  	[dreg:$0x3] =	wrdreg $0x2C000  }
0xb0: {  	[dreg:$0x4] =	wrdreg $0x9  }
0xb1: {  	_ =	task.clear_ibuf [dreg:s6], $0x5FFFF;
	_ =	strace $0x90000046  }
0xb2: {  	s29 =	simm.s32 $0x9;
	_ =	strace $0x80000048  }
0xb3: {  	_ =	swait.ge [sflag:s29], $0x1  }
0xb4: {  	[sflag:s29] =	ssyncadd.s32 $0xFFFFFFFF  }
0xb5: {  	_ =	strace $0x90000048  }
0xb6: {  	_ =	sfence  }
0xb7: {  	s30 =	sld [smem:$0x0];
	_ =	sdelay $0x2  }
0xb8: {  	s31 =	sshll.u32 s1, $0xD;
	s1 =	sshrl.u32 s1, $0x2  }
0xb9: {  	s3 =	sand.u32 $0x4000, s31;
	s1 =	sadd.s32 s1, s30  }
0xba: {  	s0 =	sor.u32 s3, s0;
	s1 =	sshll.u32 s1, $0x11  }
0xbb: {  	s0 =	sor.u32 s1, s0  }
0xbc: {  	s0 =	sadd.s32 $0x8F2B, s0  }
0xbd: {  	[sflag:s0] =	ssyncadd.remote.s32 $0x1  }
0xbe: {  	_ =	sfence.sel $0xFFFF  }
0xbf: {  	[dreg:$0x0] =	wrdreg $0xFFFFFFFF;
	(pc) =	sbr.abs _section_cstart, $3  }
0xc0: {  	[dreg:$0x1] =	wrdreg $0xFFFFFFFF  }
0xc1: {  	_ =	task.clear_ibuf [dreg:s6], $0x2FFFF;
	_ =	strace $0x9FFFFFFF  }
0xc2: {  	(tm) =	ssettm $0x7FFFFFFF  }
0xc3: {  	_ =	shalt  }
tec
execute0_lowered:
.L_overlay_start_1:
0x0: {  	(tag) =	ssettag $0x1  }
0x1: {  	s5 =	rddreg [dreg:$0x0]  }
0x2: {  	s1 =	rddreg [dreg:$0x1]  }
0x3: {  	s2 =	srdreg.scid;
	s0 =	rddreg [dreg:$0x2];
	s3 =	simm.s32 $0x0  }
0x4: {  	s13 =	simm.s32 $0x100;
	s14 =	simm.s32 $0x180;
	s15 =	simm.s32 $0x1  }
0x5: {  	s16 =	simm.s32 $0x2;
	s17 =	simm.s32 $0x3;
	s18 =	simm.s32 $0x4  }
0x6: {  	s6 =	sand.u32 $0x1, s2;
	s2 =	stileid.u32;
	[smem:$0x7FF] =	sst s3  }
0x7: {  	s4 =	sshll.u32 s6, $0x4;
	s8 =	smul.u32 $0x1400, s2;
	_ =	strace $0x80000047  }
0x8: {  	s9 =	smul.u32 $0x2800, s6;
	s6 =	ssub.s32 $0x2, s6;
	s31 =	sshll.u32 s2, $0x6  }
0x9: {  	s7 =	sor.u32 s2, s4;
	s4 =	sadd.s32 $0x19C00, s5;
	s11 =	sshrl.u32 s6, $0x1  }
0xa: {  	s7 =	smul.u32 $0x500, s7;
	s19 =	sshrl.u32 s8, $0x3;
	s9 =	sadd.s32 s9, s5  }
0xb: {  	s11 =	ssub.s32 s6, s11;
	s12 =	sadd.s32 s8, s1;
	s6 =	sor.u32 $0x1C05, s31  }
0xc: {  	s10 =	sadd.s32 s19, s5;
	s20 =	sadd.s32 $0x19E00, s9;
	s8 =	smax.u32 s11, $0x1  }
0xd: {  	s9 =	sshrl.u32 s12, $0x3;
	s11 =	simm.s32 $0x2800;
	s12 =	simm.s32 $0x80  }
0xe: {  	s7 =	sadd.s32 s7, s5;
	s5 =	sadd.s32 $0x17400, s10;
	s10 =	simm.s32 $0x5  }
0xf: {  	s19 =	sadd.s32 s19, s20;
	s20 =	simm.s32 $0x0;
	s7 =	sadd.s32 $0x3400, s7  }
.LBB2_1:
0x10: {  	[spmem:s9], [sflag:s6] =	dma.local [hbm:s5], $0x280  }
0x11: {  	_ =	swait.ge [sflag:s10], $0x280  }
0x12: {  	[sflag:s10] =	ssyncset.done $0x0  }
0x13: {  	[sflag:s10] =	ssyncadd.s32 $0xFFFFFD80  }
0x14: {  	[tilespmem:s3], [sflag:$0x5] =	stream.linear.gather [hbm4b:s7+s3], $0x2800, $0x38;
	[tilespmem:$0x4000] =	vst v63  }
0x15: {  	_ =	swait.ge [sflag:s10], $0x2800  }
0x16: {  	[sflag:s10] =	ssyncset.done $0x0  }
0x17: {  	[sflag:s10] =	ssyncadd.s32 $0xFFFFD800  }
0x18: {  	[tilespmem:s11], [sflag:$0x5] =	stream.linear.gather [hbm4b:s4+s3], $0x400, $0x38;
	[tilespmem:$0x4000] =	vst v63  }
0x19: {  	_ =	swait.ge [sflag:s10], $0x400  }
0x1a: {  	[sflag:s10] =	ssyncset.done $0x0  }
0x1b: {  	[sflag:s10] =	ssyncadd.s32 $0xFFFFFC00  }
0x1c: {  	[bflag:$0x0] =	sbarrier.arrive $0xFFFF  }
0x1d: {  	[spmem:s1] =	stream.indirect.scatter.add.f32 [tilespmem:s11], [sflag:$0x1], $0x8, s3, s12, $0xb8;
	[tilespmem:$0x4000] =	vst v63  }
0x1e: {  	_ = 	snop  }
0x1f: {  	[spmem:s1] =	stream.indirect.scatter.add.f32 [tilespmem:s11], [sflag:$0x2], $0x8, s12, s12, $0xb8;
	[tilespmem:$0x4000] =	vst v63  }
0x20: {  	_ = 	snop  }
0x21: {  	[spmem:s1] =	stream.indirect.scatter.add.f32 [tilespmem:s11], [sflag:$0x3], $0x8, s13, s12, $0xb8;
	[tilespmem:$0x4000] =	vst v63  }
0x22: {  	_ = 	snop  }
0x23: {  	[spmem:s1] =	stream.indirect.scatter.add.f32 [tilespmem:s11], [sflag:$0x4], $0x8, s14, s12, $0xb8;
	[tilespmem:$0x4000] =	vst v63  }
0x24: {  	_ =	swait.ge [sflag:s15], $0x400  }
0x25: {  	[sflag:s15] =	ssyncset.done $0x0  }
0x26: {  	s21 =	simm.s32 $0x200;
	[sflag:s15] =	ssyncadd.s32 $0xFFFFFC00  }
0x27: {  	[spmem:s1] =	stream.indirect.scatter.add.f32 [tilespmem:s11], [sflag:$0x1], $0x8, s21, s12, $0xb8;
	[tilespmem:$0x4000] =	vst v63  }
0x28: {  	_ =	swait.ge [sflag:s16], $0x400  }
0x29: {  	[sflag:s16] =	ssyncset.done $0x0  }
0x2a: {  	s30 =	simm.s32 $0x280;
	[sflag:s16] =	ssyncadd.s32 $0xFFFFFC00  }
0x2b: {  	[spmem:s1] =	stream.indirect.scatter.add.f32 [tilespmem:s11], [sflag:$0x2], $0x8, s30, s12, $0xb8;
	[tilespmem:$0x4000] =	vst v63  }
0x2c: {  	_ =	swait.ge [sflag:s17], $0x400  }
0x2d: {  	[sflag:s17] =	ssyncset.done $0x0  }
0x2e: {  	s31 =	simm.s32 $0x300;
	[sflag:s17] =	ssyncadd.s32 $0xFFFFFC00  }
0x2f: {  	[spmem:s1] =	stream.indirect.scatter.add.f32 [tilespmem:s11], [sflag:$0x3], $0x8, s31, s12, $0xb8;
	[tilespmem:$0x4000] =	vst v63  }
0x30: {  	_ =	swait.ge [sflag:s18], $0x400  }
0x31: {  	[sflag:s18] =	ssyncset.done $0x0  }
0x32: {  	s22 =	simm.s32 $0x380;
	s21 =	simm.s32 $0xFFFF7000;
	[sflag:s18] =	ssyncadd.s32 $0xFFFFFC00  }
.LBB2_2:
0x33: {  	[spmem:s1] =	stream.indirect.scatter.add.f32 [tilespmem:s11], [sflag:$0x4], $0x8, s22, s12, $0xb8;
	[tilespmem:$0x4000] =	vst v63  }
0x34: {  	s22 =	smov.u32 s21  }
0x35: {  	p0 =	sne.s32 s21, $0xFFFFF800;
	s21 =	sadd.s32 $0x800, s21;
	_ =	swait.ge [sflag:s15], $0x400  }
0x36: {  	s22 =	sshra.s32 s22, $0x2;
	[sflag:s15] =	ssyncset.done $0x0  }
0x37: {  	s23 =	sadd.s32 $0x2800, s22;
	[sflag:s15] =	ssyncadd.s32 $0xFFFFFC00  }
0x38: {  	[spmem:s1] =	stream.indirect.scatter.add.f32 [tilespmem:s11], [sflag:$0x1], $0x8, s23, s12, $0xb8;
	[tilespmem:$0x4000] =	vst v63  }
0x39: {  	_ =	swait.ge [sflag:s16], $0x400  }
0x3a: {  	[sflag:s16] =	ssyncset.done $0x0  }
0x3b: {  	s23 =	sadd.s32 $0x2880, s22;
	[sflag:s16] =	ssyncadd.s32 $0xFFFFFC00  }
0x3c: {  	[spmem:s1] =	stream.indirect.scatter.add.f32 [tilespmem:s11], [sflag:$0x2], $0x8, s23, s12, $0xb8;
	[tilespmem:$0x4000] =	vst v63  }
0x3d: {  	_ =	swait.ge [sflag:s17], $0x400  }
0x3e: {  	[sflag:s17] =	ssyncset.done $0x0  }
.Ltmp0:
0x3f: {  	s23 =	sadd.s32 $0x2900, s22;
	[sflag:s17] =	ssyncadd.s32 $0xFFFFFC00;
	(pc) =	sbr.rel @p0 .LBB2_2-.Ltmp0, $4  }
0x40: {  	[spmem:s1] =	stream.indirect.scatter.add.f32 [tilespmem:s11], [sflag:$0x3], $0x8, s23, s12, $0xb8;
	[tilespmem:$0x4000] =	vst v63  }
0x41: {  	_ =	swait.ge [sflag:s18], $0x400  }
0x42: {  	[sflag:s18] =	ssyncset.done $0x0  }
0x43: {  	s22 =	sadd.s32 $0x2980, s22;
	[sflag:s18] =	ssyncadd.s32 $0xFFFFFC00  }
0x44: {  	[spmem:s1] =	stream.indirect.scatter.add.f32 [tilespmem:s11], [sflag:$0x4], $0x8, s22, s12, $0xb8;
	[tilespmem:$0x4000] =	vst v63  }
0x45: {  	_ =	swait.ge [sflag:s15], $0x400  }
0x46: {  	[sflag:s15] =	ssyncset.done $0x0  }
0x47: {  	[sflag:s15] =	ssyncadd.s32 $0xFFFFFC00  }
0x48: {  	_ =	swait.ge [sflag:s16], $0x400  }
0x49: {  	[sflag:s16] =	ssyncset.done $0x0  }
0x4a: {  	[sflag:s16] =	ssyncadd.s32 $0xFFFFFC00  }
0x4b: {  	_ =	swait.ge [sflag:s17], $0x400  }
0x4c: {  	[sflag:s17] =	ssyncset.done $0x0  }
0x4d: {  	[sflag:s17] =	ssyncadd.s32 $0xFFFFFC00  }
0x4e: {  	_ =	swait.ge [sflag:s18], $0x400  }
0x4f: {  	s20 =	sadd.s32 $0x1, s20;
	[sflag:s18] =	ssyncset.done $0x0  }
0x50: {  	p0 =	sne.s32 s20, s8;
	[sflag:s18] =	ssyncadd.s32 $0xFFFFFC00  }
.Ltmp1:
0x51: {  	[bflag:$0x0] =	sbarrier.arrive $0xFFFF;
	(pc) =	sbr.rel @p0 .LBB2_1-.Ltmp1, $4  }
0x52: {  	[hbm:s19], [sflag:s6] =	dma.local [spmem:s9], $0x280  }
0x53: {  	_ =	swait.ge [sflag:s10], $0x280  }
0x54: {  	[sflag:s10] =	ssyncset.done $0x0  }
0x55: {  	[sflag:s10] =	ssyncadd.s32 $0xFFFFFD80  }
0x56: {  	_ =	sfence.sel $0x180000  }
0x57: {  	[bflag:$0x0] =	sbarrier.arrive $0xFFFF  }
0x58: {  	p0 =	sne.s32 s2, $0x0;
	_ =	strace $0x90000047  }
0x59: {  	s0 =	sadd.s32 @!p0 $0x100000, s0;
	[bflag:$0x2] =	sbarrier.arrive $0xFFFF  }
0x5a: {  	[sflag:s0] =	ssyncadd.tile.s32 @!p0 $0x1;
	_ =	shalt  }
.Lfunc_end2:
_tile_overlayer_lowered:
.L_overlay_start_2:
0x5b: {  	(tag) =	ssettag $0x2  }
0x5c: {  	s0 =	rddreg [dreg:$0x0];
	s2 =	stileid.u32  }
0x5d: {  	s1 =	rddreg [dreg:$0x1];
	p0 =	sne.s32 s2, $0x0  }
0x5e: {  	s3 =	rddreg [dreg:$0x2];
	[bflag:$0x3] =	sbarrier.arrive $0xFFFF;
	s2 =	simm.s32 @!p0 $0x1C05  }
0x5f: {  	[timem:s3], [sflag:s2] =	dma.local @!p0 [hbm:s0], s1  }
0x60: {  	s0 =	simm.s32 @!p0 $0x5  }
0x61: {  	_ =	swait.ge @!p0 [sflag:s0], s1  }
0x62: {  	s1 =	ssub.s32 @!p0 $0x0, s1;
	[sflag:s0] =	ssyncset.done @!p0 $0x0  }
0x63: {  	[sflag:s0] =	ssyncadd.s32 @!p0 s1  }
0x64: {  	[bflag:$0x3] =	sbarrier.arrive $0xFFFF  }
0x65: {  	_ =	shalt  }

// kernel: kernel.13.cloned.1.call-start
scs
__scs_entry_jumppad:
0x0: {  	(pc) =	sbr.rel $0x88, $3  }
0x1: {  	(tag) =	ssettag $0x0;
	lr =	simm.s32 $0x1  }
0x2: {  	[smem:$0x3F8F] =	sst lr;
	_ =	strace $0xD0000000  }
0x3: {  	_ = 	snop  }
0x4: {  	_ = 	snop  }
0x5: {  	_ = 	snop  }
0x6: {  	_ = 	snop  }
0x7: {  	_ = 	snop  }
__scs_overlays_trampoline_lowered:
0x8: {  	[smem:$0x3F9E] =	sst s0  }
0x9: {  	[smem:$0x3F9F] =	sst s1  }
0xa: {  	[smem:$0x3FA0] =	sst s2  }
0xb: {  	[smem:$0x3FA1] =	sst s3  }
0xc: {  	[smem:$0x3FA2] =	sst s4  }
0xd: {  	[smem:$0x3FA3] =	sst s5  }
0xe: {  	[smem:$0x3FA4] =	sst s6  }
0xf: {  	[smem:$0x3FA5] =	sst s7  }
0x10: {  	[smem:$0x3FA6] =	sst s8  }
0x11: {  	[smem:$0x3FA7] =	sst s9;
	s0 =	simm.s32 @!p0 $0x0  }
0x12: {  	s1 =	sld [smem:$0x3F8D];
	s0 =	simm.s32 @p0 $0x1  }
0x13: {  	[smem:$0x3FA8] =	sst s0;
	s0 =	simm.s32 @!p1 $0x0  }
0x14: {  	s2 =	sld [smem:$0x3F8C];
	s0 =	simm.s32 @p1 $0x1  }
0x15: {  	[smem:$0x3FA9] =	sst s0;
	s0 =	simm.s32 @!p2 $0x0  }
0x16: {  	s3 =	sld [smem:$0x3FDB];
	s0 =	simm.s32 @p2 $0x1  }
0x17: {  	s4 =	simm.s32 $0x1BF5;
	[smem:$0x3FAB] =	sst s0  }
0x18: {  	s0 =	sld [smem:$0x3F8E];
	_ =	swait.ge [sflag:s4], $0x0  }
0x19: {  	s7 =	sld [smem:$0x3F8F]  }
0x1a: {  	s8 =	sadd.s32 $0xFFFFE003, lr  }
0x1b: {  	s9 =	sadd.s32 $0xFFFFFEF7, lr;
	s5 =	simm.s32 $0xFFFFFFFF;
	p2 =	slt.u32 s8, $0xFFFFF086  }
0x1c: {  	p1 =	slt.u32 s9, $0xF7A;
	s5 =	simm.s32 @!p2 $0x0  }
0x1d: {  	s5 =	simm.s32 @p1 $0x1;
	p0 =	seq.s32 s7, s2  }
0x1e: {  	s7 =	smul.u32 @!p0 $0xF7A, s2;
	p2 =	seq.s32 @!p0 s5, $0x0  }
0x1f: {  	s9 =	smul.u32 $0xF7A, s1;
	s8 =	simm.s32 @!p0 $0x1BF5;
	p2 =	por !p2, p0  }
0x20: {  	[sflag:s8] =	ssyncset.s32 @!p0 $0xFFFFF086;
	s6 =	sadd.s32 @!p0 s3, s7;
	s7 =	simm.s32 @!p0 $0x108  }
0x21: {  	s3 =	sadd.s32 s3, s9;
	s6 =	sadd.s32 @!p0 $0x88, s6;
	s7 =	simm.s32 @p2 $0x1082  }
0x22: {  	[simem:s7], [sflag:s8] =	dma.local @!p0 [hbm:s6], $0xF7A  }
0x23: {  	s9 =	sor.u32 $0xD0000000, s2;
	s6 =	simm.s32 $0x108;
	_ =	swait.ge @!p0 [sflag:s8], $0x0  }
0x24: {  	s3 =	sadd.s32 $0x88, s3;
	s6 =	simm.s32 @!p1 $0x1082;
	[sflag:s4] =	ssyncset.s32 $0xFFFFF086  }
0x25: {  	[simem:s6], [sflag:s4] =	dma.local [hbm:s3], $0xF7A  }
0x26: {  	[smem:$0x3F8F] =	sst s1;
	(tag) =	ssettag s2;
	_ =	strace s9  }
0x27: {  	s1 =	sld [smem:$0x3F9F]  }
0x28: {  	s2 =	sld [smem:$0x3FA0]  }
0x29: {  	s4 =	sld [smem:$0x3FA2]  }
0x2a: {  	p0 =	seq.s32 s5, $0x0;
	s5 =	sld [smem:$0x3FA3]  }
0x2b: {  	s6 =	sld [smem:$0x3FA4]  }
0x2c: {  	s7 =	sld [smem:$0x3FA5]  }
0x2d: {  	s3 =	simm.s32 $0x108;
	s8 =	sld [smem:$0x3FA6]  }
0x2e: {  	s3 =	simm.s32 @!p0 $0x1082;
	s9 =	sld [smem:$0x3FA7]  }
0x2f: {  	lr =	sadd.s32 s0, s3;
	s0 =	sld [smem:$0x3F9E]  }
0x30: {  	s3 =	sld [smem:$0x3FA1]  }
0x31: {  	[smem:$0x3FAA] =	sst s10  }
0x32: {  	s10 =	sld [smem:$0x3FA8];
	_ =	sdelay $0x3  }
0x33: {  	p0 =	seq.s32 s10, $0x1;
	s10 =	sld [smem:$0x3FAA];
	_ =	sdelay $0x3  }
0x34: {  	[smem:$0x3FAA] =	sst s10  }
0x35: {  	s10 =	sld [smem:$0x3FA9];
	_ =	sdelay $0x3  }
0x36: {  	p1 =	seq.s32 s10, $0x1;
	s10 =	sld [smem:$0x3FAA];
	_ =	sdelay $0x3  }
0x37: {  	[smem:$0x3FAA] =	sst s10  }
0x38: {  	s10 =	sld [smem:$0x3FAB]  }
0x39: {  	_ = 	snop;
	(pc) =	sbr.ind lr, $3  }
0x3a: {  	_ = 	snop  }
0x3b: {  	_ = 	snop  }
0x3c: {  	p2 =	seq.s32 s10, $0x1;
	s10 =	sld [smem:$0x3FAA]  }
0x3d: {  	_ =	shalt  }
0x3e: {  	_ =	shalt  }
0x3f: {  	_ =	shalt  }
0x40: {  	_ =	shalt  }
0x41: {  	_ =	shalt  }
0x42: {  	_ =	shalt  }
0x43: {  	_ =	shalt  }
0x44: {  	_ =	shalt  }
0x45: {  	_ =	shalt  }
0x46: {  	_ =	shalt  }
0x47: {  	_ =	shalt  }
0x48: {  	_ =	shalt  }
0x49: {  	_ =	shalt  }
0x4a: {  	_ =	shalt  }
0x4b: {  	_ =	shalt  }
0x4c: {  	_ =	shalt  }
0x4d: {  	_ =	shalt  }
0x4e: {  	_ =	shalt  }
0x4f: {  	_ =	shalt  }
0x50: {  	_ =	shalt  }
0x51: {  	_ =	shalt  }
0x52: {  	_ =	shalt  }
0x53: {  	_ =	shalt  }
0x54: {  	_ =	shalt  }
0x55: {  	_ =	shalt  }
0x56: {  	_ =	shalt  }
0x57: {  	_ =	shalt  }
0x58: {  	_ =	shalt  }
0x59: {  	_ =	shalt  }
0x5a: {  	_ =	shalt  }
0x5b: {  	_ =	shalt  }
0x5c: {  	_ =	shalt  }
0x5d: {  	_ =	shalt  }
0x5e: {  	_ =	shalt  }
0x5f: {  	_ =	shalt  }
0x60: {  	_ =	shalt  }
0x61: {  	_ =	shalt  }
0x62: {  	_ =	shalt  }
0x63: {  	_ =	shalt  }
0x64: {  	_ =	shalt  }
0x65: {  	_ =	shalt  }
0x66: {  	_ =	shalt  }
0x67: {  	_ =	shalt  }
0x68: {  	_ =	shalt  }
0x69: {  	_ =	shalt  }
0x6a: {  	_ =	shalt  }
0x6b: {  	_ =	shalt  }
0x6c: {  	_ =	shalt  }
0x6d: {  	_ =	shalt  }
0x6e: {  	_ =	shalt  }
0x6f: {  	_ =	shalt  }
0x70: {  	_ =	shalt  }
0x71: {  	_ =	shalt  }
0x72: {  	_ =	shalt  }
0x73: {  	_ =	shalt  }
0x74: {  	_ =	shalt  }
0x75: {  	_ =	shalt  }
0x76: {  	_ =	shalt  }
0x77: {  	_ =	shalt  }
0x78: {  	_ =	shalt  }
0x79: {  	_ =	shalt  }
0x7a: {  	_ =	shalt  }
0x7b: {  	_ =	shalt  }
0x7c: {  	_ =	shalt  }
0x7d: {  	_ =	shalt  }
0x7e: {  	_ =	shalt  }
0x7f: {  	_ =	shalt  }
0x80: {  	_ =	shalt  }
0x81: {  	_ =	shalt  }
0x82: {  	_ =	shalt  }
0x83: {  	_ =	shalt  }
0x84: {  	_ =	shalt  }
0x85: {  	_ =	shalt  }
0x86: {  	_ =	shalt  }
0x87: {  	_ =	shalt  }
.Lfunc_end0:
.L_simem_size_0:
called_computation.1_lowered:
.L_overlay_start_0:
0x88: {  	s2 =	sld [smem:$0x3FD9]  }
0x89: {  	s3 =	sld [smem:$0x3FFE];
	_ =	sdelay $0x1  }
0x8a: {  	s1 =	srdreg.scid  }
0x8b: {  	s0 =	sand.u32 $0x1, s1  }
0x8c: {  	s16 =	sshll.u32 s0, $0xA;
	s2 =	sadd.s32 s3, s2  }
0x8d: {  	s2 =	sadd.s32 s2, s16  }
0x8e: {  	[smem:$0x3FB6] =	sst s2  }
0x8f: {  	_ = 	snop  }
0x90: {  	(tm) =	ssettm $0x1  }
0x91: {  	s17 =	sld [smem:$0x3FFB];
	_ =	sdelay $0x3  }
0x92: {  	_ =	strace s17  }
0x93: {  	s2 =	sld [smem:$0x3FFC];
	_ =	sdelay $0x3  }
0x94: {  	_ =	strace s2  }
0x95: {  	s2 =	sld [smem:$0x3FFD];
	_ =	sdelay $0x3  }
0x96: {  	_ =	strace s2  }
0x97: {  	_ =	strace $0x8FFFFFFF  }
0x98: {  	s18 =	sld [smem:$0x3FDB];
	_ =	sdelay $0x1  }
0x99: {  	s19 =	simm.s32 $_scs_section_size  }
0x9a: {  	s4 =	simm.s32 $_size__tile_overlayer_lowered;
	s5 =	simm.s32 $_tile_overlayer_lowered  }
0x9b: {  	s22 =	simm.s32 $0x1BFF;
	s21 =	sshll.u32 s5, $0x1;
	s2 =	sadd.s32 s19, s18  }
0x9c: {  	s6 =	simm.s32 $0x0;
	s20 =	sshll.u32 s4, $0x1;
	s4 =	sadd.s32 s21, s2  }
0x9d: {  	[timem:s6], [sflag:s22] =	dma.local [hbm:s4], s20  }
0x9e: {  	_ =	swait.ge [sflag:s22], s20  }
0x9f: {  	s3 =	ssub.s32 $0x0, s20;
	[sflag:s22] =	ssyncset.done $0x0  }
0xa0: {  	[sflag:s22] =	ssyncadd.s32 s3;
	_ =	sdelay $0x1  }
0xa1: {  	s23 =	simm.s32 $0x1B8B  }
0xa2: {  	_ =	swait.ge [sflag:s23], $0x1  }
0xa3: {  	[sflag:s23] =	ssyncset.done $0x0  }
0xa4: {  	s25 =	simm.s32 $0x1B8E;
	s24 =	sld [smem:$0x3FFE];
	[sflag:s23] =	ssyncadd.s32 $0xFFFFFFFF  }
0xa5: {  	s26 =	simm.s32 $execute0_lowered;
	[smem:$0x3FD2] =	sst s25  }
0xa6: {  	s4 =	sshll.u32 s26, $0x1;
	_ =	strace $0x80000049;
	[dreg:$0x1] =	wrdreg $0xFFFFFFFF  }
0xa7: {  	s28 =	simm.s32 $_size_execute0_lowered;
	s2 =	sadd.s32 s2, s4;
	[dreg:$0x0] =	wrdreg $0x0  }
0xa8: {  	s4 =	sshll.u32 s28, $0x1;
	[dreg:$0x2] =	wrdreg s2  }
0xa9: {  	[dreg:$0x3] =	wrdreg s4  }
0xaa: {  	[dreg:$0x4] =	wrdreg $0xC0  }
0xab: {  	_ =	task [dreg:s6], $0x5FFFF  }
0xac: {  	[dreg:$0x1] =	wrdreg $0xFFFFFFFF  }
0xad: {  	[dreg:$0x0] =	wrdreg $0x60  }
0xae: {  	[dreg:$0x2] =	wrdreg s24  }
0xaf: {  	[dreg:$0x3] =	wrdreg $0x130000  }
0xb0: {  	[dreg:$0x4] =	wrdreg $0x90000  }
0xb1: {  	[dreg:$0x5] =	wrdreg $0x9  }
0xb2: {  	_ =	task.clear_ibuf [dreg:s6], $0x6FFFF;
	_ =	strace $0x90000049  }
0xb3: {  	s29 =	simm.s32 $0x9;
	_ =	strace $0x8000004B  }
0xb4: {  	_ =	swait.ge [sflag:s29], $0x1  }
0xb5: {  	[sflag:s29] =	ssyncadd.s32 $0xFFFFFFFF  }
0xb6: {  	_ =	strace $0x9000004B  }
0xb7: {  	_ =	sfence  }
0xb8: {  	s30 =	sld [smem:$0x0];
	_ =	sdelay $0x2  }
0xb9: {  	s31 =	sshll.u32 s1, $0xD;
	s1 =	sshrl.u32 s1, $0x2  }
0xba: {  	s3 =	sand.u32 $0x4000, s31;
	s1 =	sadd.s32 s1, s30  }
0xbb: {  	s0 =	sor.u32 s3, s0;
	s1 =	sshll.u32 s1, $0x11  }
0xbc: {  	s0 =	sor.u32 s1, s0  }
0xbd: {  	s0 =	sadd.s32 $0x8F2B, s0  }
0xbe: {  	[sflag:s0] =	ssyncadd.remote.s32 $0x1  }
0xbf: {  	_ =	sfence.sel $0xFFFF  }
0xc0: {  	[dreg:$0x0] =	wrdreg $0xFFFFFFFF;
	(pc) =	sbr.abs _section_cstart, $3  }
0xc1: {  	[dreg:$0x1] =	wrdreg $0xFFFFFFFF  }
0xc2: {  	_ =	task.clear_ibuf [dreg:s6], $0x2FFFF;
	_ =	strace $0x9FFFFFFF  }
0xc3: {  	(tm) =	ssettm $0x7FFFFFFF  }
tec
execute0_lowered:
.L_overlay_start_1:
0x0: {  	(tag) =	ssettag $0x1  }
0x1: {  	s5 =	rddreg [dreg:$0x0]  }
0x2: {  	s0 =	srdreg.scid;
	s2 =	rddreg [dreg:$0x1]  }
0x3: {  	s3 =	rddreg [dreg:$0x2];
	s4 =	simm.s32 $0x0;
	s16 =	simm.s32 $0x5000  }
0x4: {  	s17 =	simm.s32 $0x7000;
	s18 =	simm.s32 $0x1;
	s19 =	simm.s32 $0x2  }
0x5: {  	s20 =	simm.s32 $0x4F00;
	s6 =	sand.u32 $0x1, s0;
	s0 =	stileid.u32  }
0x6: {  	s21 =	simm.s32 $0x4F80;
	[smem:$0x7FF] =	sst s4;
	s8 =	smul.u32 $0xA000, s0  }
0x7: {  	s1 =	sshll.u32 s6, $0x4;
	s9 =	smul.u32 $0x14000, s6;
	s6 =	ssub.s32 $0x2, s6  }
0x8: {  	s31 =	sshll.u32 s0, $0x6;
	s7 =	sor.u32 s0, s1;
	s1 =	rddreg [dreg:$0x3]  }
0x9: {  	_ =	strace $0x8000004A;
	s30 =	sshrl.u32 s6, $0x1;
	s7 =	smul.u32 $0x500, s7  }
0xa: {  	s22 =	sshrl.u32 s8, $0x3;
	s12 =	sadd.s32 s9, s5;
	s13 =	ssub.s32 s6, s30  }
0xb: {  	s14 =	sadd.s32 s8, s2;
	s6 =	sor.u32 $0x1C03, s31;
	s15 =	sadd.s32 s8, s3  }
0xc: {  	s10 =	sadd.s32 s22, s5;
	s23 =	sadd.s32 $0x3F400, s12;
	s12 =	simm.s32 $0x3  }
0xd: {  	s11 =	sadd.s32 s7, s5;
	s5 =	sadd.s32 $0x2B400, s10;
	s8 =	sadd.s32 $0x17400, s10  }
0xe: {  	s10 =	smax.u32 s13, $0x1;
	s13 =	simm.s32 $0x2800;
	s22 =	sadd.s32 s22, s23  }
0xf: {  	s23 =	simm.s32 $0x0;
	s7 =	sadd.s32 $0x3400, s11;
	s9 =	sadd.s32 $0xD400, s11  }
0x10: {  	s11 =	sshrl.u32 s14, $0x3;
	s14 =	sshrl.u32 s15, $0x3;
	s15 =	simm.s32 $0x80  }
.LBB2_1:
0x11: {  	[spmem:s11], [sflag:s6] =	dma.local [hbm:s5], $0x1400  }
0x12: {  	_ =	swait.ge [sflag:s12], $0x1400  }
0x13: {  	[sflag:s12] =	ssyncset.done $0x0  }
0x14: {  	[sflag:s12] =	ssyncadd.s32 $0xFFFFEC00  }
0x15: {  	[tilespmem:s13], [sflag:$0x3] =	stream.linear.gather [hbm4b:s7+s4], $0x2800, $0x38;
	[tilespmem:$0x1D000] =	vst v63  }
0x16: {  	_ =	swait.ge [sflag:s12], $0x2800  }
0x17: {  	[sflag:s12] =	ssyncset.done $0x0  }
0x18: {  	[sflag:s12] =	ssyncadd.s32 $0xFFFFD800  }
0x19: {  	[spmem:s14], [sflag:s6] =	dma.local [hbm:s8], $0x1400  }
0x1a: {  	_ =	swait.ge [sflag:s12], $0x1400  }
0x1b: {  	[sflag:s12] =	ssyncset.done $0x0  }
0x1c: {  	[sflag:s12] =	ssyncadd.s32 $0xFFFFEC00  }
0x1d: {  	[tilespmem:s4], [sflag:$0x3] =	stream.linear.gather [hbm4b:s9+s4], $0x2800, $0x38;
	[tilespmem:$0x1D000] =	vst v63  }
0x1e: {  	_ =	swait.ge [sflag:s12], $0x2800  }
0x1f: {  	[sflag:s12] =	ssyncset.done $0x0  }
0x20: {  	[sflag:s12] =	ssyncadd.s32 $0xFFFFD800  }
0x21: {  	[bflag:$0x0] =	sbarrier.arrive $0xFFFF  }
0x22: {  	[tilespmem:s16], [sflag:$0x1] =	stream.indirect.gather [spmem:s3], $0x40, s4, s15, $0xb8;
	[tilespmem:$0x1D000] =	vst v63  }
0x23: {  	_ = 	snop  }
0x24: {  	[tilespmem:s17], [sflag:$0x2] =	stream.indirect.gather [spmem:s3], $0x40, s15, s15, $0xb8;
	[tilespmem:$0x1D000] =	vst v63  }
0x25: {  	_ =	swait.ge [sflag:s18], $0x2000  }
0x26: {  	[sflag:s18] =	ssyncset.done $0x0  }
0x27: {  	s24 =	simm.s32 $0x2800;
	[sflag:s18] =	ssyncadd.s32 $0xFFFFE000  }
0x28: {  	[spmem:s2] =	stream.indirect.scatter.add.f32 [tilespmem:s16], [sflag:$0x3], $0x40, s24, s15, $0xb8;
	[tilespmem:$0x1D000] =	vst v63  }
0x29: {  	_ =	swait.ge [sflag:s12], $0x2000  }
0x2a: {  	[sflag:s12] =	ssyncset.done $0x0  }
0x2b: {  	s30 =	simm.s32 $0x100;
	[sflag:s12] =	ssyncadd.s32 $0xFFFFE000  }
0x2c: {  	[tilespmem:s16], [sflag:$0x1] =	stream.indirect.gather [spmem:s3], $0x40, s30, s15, $0xb8;
	[tilespmem:$0x1D000] =	vst v63  }
0x2d: {  	_ =	swait.ge [sflag:s19], $0x2000  }
0x2e: {  	[sflag:s19] =	ssyncset.done $0x0  }
0x2f: {  	s31 =	simm.s32 $0x2880;
	[sflag:s19] =	ssyncadd.s32 $0xFFFFE000  }
0x30: {  	[spmem:s2] =	stream.indirect.scatter.add.f32 [tilespmem:s17], [sflag:$0x3], $0x40, s31, s15, $0xb8;
	[tilespmem:$0x1D000] =	vst v63  }
0x31: {  	_ =	swait.ge [sflag:s12], $0x2000  }
0x32: {  	[sflag:s12] =	ssyncset.done $0x0  }
0x33: {  	s25 =	simm.s32 $0x180;
	s24 =	simm.s32 $0x400;
	[sflag:s12] =	ssyncadd.s32 $0xFFFFE000  }
.LBB2_2:
0x34: {  	[tilespmem:s17], [sflag:$0x2] =	stream.indirect.gather [spmem:s3], $0x40, s25, s15, $0xb8;
	[tilespmem:$0x1D000] =	vst v63  }
0x35: {  	s25 =	smov.u32 s24  }
0x36: {  	p0 =	sne.s32 s24, $0x9800;
	s24 =	sadd.s32 $0x400, s24;
	_ =	swait.ge [sflag:s18], $0x2000  }
0x37: {  	s25 =	sshra.s32 s25, $0x2;
	[sflag:s18] =	ssyncset.done $0x0  }
0x38: {  	s26 =	sadd.s32 $0x2800, s25;
	[sflag:s18] =	ssyncadd.s32 $0xFFFFE000  }
0x39: {  	[spmem:s2] =	stream.indirect.scatter.add.f32 [tilespmem:s16], [sflag:$0x3], $0x40, s26, s15, $0xb8;
	[tilespmem:$0x1D000] =	vst v63  }
0x3a: {  	_ =	swait.ge [sflag:s12], $0x2000  }
0x3b: {  	[sflag:s12] =	ssyncset.done $0x0  }
0x3c: {  	s26 =	sadd.s32 $0x100, s25;
	[sflag:s12] =	ssyncadd.s32 $0xFFFFE000  }
0x3d: {  	[tilespmem:s16], [sflag:$0x1] =	stream.indirect.gather [spmem:s3], $0x40, s26, s15, $0xb8;
	[tilespmem:$0x1D000] =	vst v63  }
0x3e: {  	_ =	swait.ge [sflag:s19], $0x2000  }
0x3f: {  	[sflag:s19] =	ssyncset.done $0x0  }
.Ltmp0:
0x40: {  	s26 =	sadd.s32 $0x2880, s25;
	[sflag:s19] =	ssyncadd.s32 $0xFFFFE000;
	(pc) =	sbr.rel @p0 .LBB2_2-.Ltmp0, $4  }
0x41: {  	[spmem:s2] =	stream.indirect.scatter.add.f32 [tilespmem:s17], [sflag:$0x3], $0x40, s26, s15, $0xb8;
	[tilespmem:$0x1D000] =	vst v63  }
0x42: {  	_ =	swait.ge [sflag:s12], $0x2000  }
0x43: {  	[sflag:s12] =	ssyncset.done $0x0  }
0x44: {  	s25 =	sadd.s32 $0x180, s25;
	[sflag:s12] =	ssyncadd.s32 $0xFFFFE000  }
0x45: {  	[tilespmem:s17], [sflag:$0x2] =	stream.indirect.gather [spmem:s3], $0x40, s25, s15, $0xb8;
	[tilespmem:$0x1D000] =	vst v63  }
0x46: {  	_ =	swait.ge [sflag:s18], $0x2000  }
0x47: {  	[sflag:s18] =	ssyncset.done $0x0  }
0x48: {  	[sflag:s18] =	ssyncadd.s32 $0xFFFFE000  }
0x49: {  	[spmem:s2] =	stream.indirect.scatter.add.f32 [tilespmem:s16], [sflag:$0x3], $0x40, s20, s15, $0xb8;
	[tilespmem:$0x1D000] =	vst v63  }
0x4a: {  	_ =	swait.ge [sflag:s12], $0x2000  }
0x4b: {  	[sflag:s12] =	ssyncset.done $0x0  }
0x4c: {  	[sflag:s12] =	ssyncadd.s32 $0xFFFFE000  }
0x4d: {  	_ =	swait.ge [sflag:s19], $0x2000  }
0x4e: {  	[sflag:s19] =	ssyncset.done $0x0  }
0x4f: {  	[sflag:s19] =	ssyncadd.s32 $0xFFFFE000  }
0x50: {  	[spmem:s2] =	stream.indirect.scatter.add.f32 [tilespmem:s17], [sflag:$0x3], $0x40, s21, s15, $0xb8;
	[tilespmem:$0x1D000] =	vst v63  }
0x51: {  	_ =	swait.ge [sflag:s12], $0x2000  }
0x52: {  	s23 =	sadd.s32 $0x1, s23;
	[sflag:s12] =	ssyncset.done $0x0  }
0x53: {  	p0 =	sne.s32 s23, s10;
	[sflag:s12] =	ssyncadd.s32 $0xFFFFE000  }
.Ltmp1:
0x54: {  	[bflag:$0x0] =	sbarrier.arrive $0xFFFF;
	(pc) =	sbr.rel @p0 .LBB2_1-.Ltmp1, $4  }
0x55: {  	[hbm:s22], [sflag:s6] =	dma.local [spmem:s11], $0x1400  }
0x56: {  	_ =	swait.ge [sflag:s12], $0x1400  }
0x57: {  	[sflag:s12] =	ssyncset.done $0x0  }
0x58: {  	[sflag:s12] =	ssyncadd.s32 $0xFFFFEC00  }
0x59: {  	_ =	sfence.sel $0x180000  }
0x5a: {  	[bflag:$0x0] =	sbarrier.arrive $0xFFFF  }
0x5b: {  	p0 =	sne.s32 s0, $0x0;
	_ =	strace $0x9000004A  }
0x5c: {  	s0 =	sadd.s32 @!p0 $0x100000, s1;
	[bflag:$0x2] =	sbarrier.arrive $0xFFFF  }
0x5d: {  	[sflag:s0] =	ssyncadd.tile.s32 @!p0 $0x1;
	_ =	shalt  }
.Lfunc_end2:
_tile_overlayer_lowered:
.L_overlay_start_2:
0x5e: {  	(tag) =	ssettag $0x2  }
0x5f: {  	s0 =	rddreg [dreg:$0x0];
	s2 =	stileid.u32  }
0x60: {  	s1 =	rddreg [dreg:$0x1];
	p0 =	sne.s32 s2, $0x0  }
0x61: {  	s3 =	rddreg [dreg:$0x2];
	[bflag:$0x3] =	sbarrier.arrive $0xFFFF;
	s2 =	simm.s32 @!p0 $0x1C03  }
0x62: {  	[timem:s3], [sflag:s2] =	dma.local @!p0 [hbm:s0], s1  }
0x63: {  	s0 =	simm.s32 @!p0 $0x3  }
0x64: {  	_ =	swait.ge @!p0 [sflag:s0], s1  }
0x65: {  	s1 =	ssub.s32 @!p0 $0x0, s1;
	[sflag:s0] =	ssyncset.done @!p0 $0x0  }
0x66: {  	[sflag:s0] =	ssyncadd.s32 @!p0 s1  }
0x67: {  	[bflag:$0x3] =	sbarrier.arrive $0xFFFF  }
0x68: {  	_ =	shalt  }

// kernel: kernel.16.cloned.1.call-start
scs
__scs_entry_jumppad:
0x0: {  	(pc) =	sbr.rel $0x88, $3  }
0x1: {  	(tag) =	ssettag $0x0;
	lr =	simm.s32 $0x1  }
0x2: {  	[smem:$0x3F8F] =	sst lr;
	_ =	strace $0xD0000000  }
0x3: {  	_ = 	snop  }
0x4: {  	_ = 	snop  }
0x5: {  	_ = 	snop  }
0x6: {  	_ = 	snop  }
0x7: {  	_ = 	snop  }
__scs_overlays_trampoline_lowered:
0x8: {  	[smem:$0x3F9E] =	sst s0  }
0x9: {  	[smem:$0x3F9F] =	sst s1  }
0xa: {  	[smem:$0x3FA0] =	sst s2  }
0xb: {  	[smem:$0x3FA1] =	sst s3  }
0xc: {  	[smem:$0x3FA2] =	sst s4  }
0xd: {  	[smem:$0x3FA3] =	sst s5  }
0xe: {  	[smem:$0x3FA4] =	sst s6  }
0xf: {  	[smem:$0x3FA5] =	sst s7  }
0x10: {  	[smem:$0x3FA6] =	sst s8  }
0x11: {  	[smem:$0x3FA7] =	sst s9;
	s0 =	simm.s32 @!p0 $0x0  }
0x12: {  	s1 =	sld [smem:$0x3F8D];
	s0 =	simm.s32 @p0 $0x1  }
0x13: {  	[smem:$0x3FA8] =	sst s0;
	s0 =	simm.s32 @!p1 $0x0  }
0x14: {  	s2 =	sld [smem:$0x3F8C];
	s0 =	simm.s32 @p1 $0x1  }
0x15: {  	[smem:$0x3FA9] =	sst s0;
	s0 =	simm.s32 @!p2 $0x0  }
0x16: {  	s3 =	sld [smem:$0x3FDB];
	s0 =	simm.s32 @p2 $0x1  }
0x17: {  	s4 =	simm.s32 $0x1BF5;
	[smem:$0x3FAB] =	sst s0  }
0x18: {  	s0 =	sld [smem:$0x3F8E];
	_ =	swait.ge [sflag:s4], $0x0  }
0x19: {  	s7 =	sld [smem:$0x3F8F]  }
0x1a: {  	s8 =	sadd.s32 $0xFFFFE003, lr  }
0x1b: {  	s9 =	sadd.s32 $0xFFFFFEF7, lr;
	s5 =	simm.s32 $0xFFFFFFFF;
	p2 =	slt.u32 s8, $0xFFFFF086  }
0x1c: {  	p1 =	slt.u32 s9, $0xF7A;
	s5 =	simm.s32 @!p2 $0x0  }
0x1d: {  	s5 =	simm.s32 @p1 $0x1;
	p0 =	seq.s32 s7, s2  }
0x1e: {  	s7 =	smul.u32 @!p0 $0xF7A, s2;
	p2 =	seq.s32 @!p0 s5, $0x0  }
0x1f: {  	s9 =	smul.u32 $0xF7A, s1;
	s8 =	simm.s32 @!p0 $0x1BF5;
	p2 =	por !p2, p0  }
0x20: {  	[sflag:s8] =	ssyncset.s32 @!p0 $0xFFFFF086;
	s6 =	sadd.s32 @!p0 s3, s7;
	s7 =	simm.s32 @!p0 $0x108  }
0x21: {  	s3 =	sadd.s32 s3, s9;
	s6 =	sadd.s32 @!p0 $0x88, s6;
	s7 =	simm.s32 @p2 $0x1082  }
0x22: {  	[simem:s7], [sflag:s8] =	dma.local @!p0 [hbm:s6], $0xF7A  }
0x23: {  	s9 =	sor.u32 $0xD0000000, s2;
	s6 =	simm.s32 $0x108;
	_ =	swait.ge @!p0 [sflag:s8], $0x0  }
0x24: {  	s3 =	sadd.s32 $0x88, s3;
	s6 =	simm.s32 @!p1 $0x1082;
	[sflag:s4] =	ssyncset.s32 $0xFFFFF086  }
0x25: {  	[simem:s6], [sflag:s4] =	dma.local [hbm:s3], $0xF7A  }
0x26: {  	[smem:$0x3F8F] =	sst s1;
	(tag) =	ssettag s2;
	_ =	strace s9  }
0x27: {  	s1 =	sld [smem:$0x3F9F]  }
0x28: {  	s2 =	sld [smem:$0x3FA0]  }
0x29: {  	s4 =	sld [smem:$0x3FA2]  }
0x2a: {  	p0 =	seq.s32 s5, $0x0;
	s5 =	sld [smem:$0x3FA3]  }
0x2b: {  	s6 =	sld [smem:$0x3FA4]  }
0x2c: {  	s7 =	sld [smem:$0x3FA5]  }
0x2d: {  	s3 =	simm.s32 $0x108;
	s8 =	sld [smem:$0x3FA6]  }
0x2e: {  	s3 =	simm.s32 @!p0 $0x1082;
	s9 =	sld [smem:$0x3FA7]  }
0x2f: {  	lr =	sadd.s32 s0, s3;
	s0 =	sld [smem:$0x3F9E]  }
0x30: {  	s3 =	sld [smem:$0x3FA1]  }
0x31: {  	[smem:$0x3FAA] =	sst s10  }
0x32: {  	s10 =	sld [smem:$0x3FA8];
	_ =	sdelay $0x3  }
0x33: {  	p0 =	seq.s32 s10, $0x1;
	s10 =	sld [smem:$0x3FAA];
	_ =	sdelay $0x3  }
0x34: {  	[smem:$0x3FAA] =	sst s10  }
0x35: {  	s10 =	sld [smem:$0x3FA9];
	_ =	sdelay $0x3  }
0x36: {  	p1 =	seq.s32 s10, $0x1;
	s10 =	sld [smem:$0x3FAA];
	_ =	sdelay $0x3  }
0x37: {  	[smem:$0x3FAA] =	sst s10  }
0x38: {  	s10 =	sld [smem:$0x3FAB]  }
0x39: {  	_ = 	snop;
	(pc) =	sbr.ind lr, $3  }
0x3a: {  	_ = 	snop  }
0x3b: {  	_ = 	snop  }
0x3c: {  	p2 =	seq.s32 s10, $0x1;
	s10 =	sld [smem:$0x3FAA]  }
0x3d: {  	_ =	shalt  }
0x3e: {  	_ =	shalt  }
0x3f: {  	_ =	shalt  }
0x40: {  	_ =	shalt  }
0x41: {  	_ =	shalt  }
0x42: {  	_ =	shalt  }
0x43: {  	_ =	shalt  }
0x44: {  	_ =	shalt  }
0x45: {  	_ =	shalt  }
0x46: {  	_ =	shalt  }
0x47: {  	_ =	shalt  }
0x48: {  	_ =	shalt  }
0x49: {  	_ =	shalt  }
0x4a: {  	_ =	shalt  }
0x4b: {  	_ =	shalt  }
0x4c: {  	_ =	shalt  }
0x4d: {  	_ =	shalt  }
0x4e: {  	_ =	shalt  }
0x4f: {  	_ =	shalt  }
0x50: {  	_ =	shalt  }
0x51: {  	_ =	shalt  }
0x52: {  	_ =	shalt  }
0x53: {  	_ =	shalt  }
0x54: {  	_ =	shalt  }
0x55: {  	_ =	shalt  }
0x56: {  	_ =	shalt  }
0x57: {  	_ =	shalt  }
0x58: {  	_ =	shalt  }
0x59: {  	_ =	shalt  }
0x5a: {  	_ =	shalt  }
0x5b: {  	_ =	shalt  }
0x5c: {  	_ =	shalt  }
0x5d: {  	_ =	shalt  }
0x5e: {  	_ =	shalt  }
0x5f: {  	_ =	shalt  }
0x60: {  	_ =	shalt  }
0x61: {  	_ =	shalt  }
0x62: {  	_ =	shalt  }
0x63: {  	_ =	shalt  }
0x64: {  	_ =	shalt  }
0x65: {  	_ =	shalt  }
0x66: {  	_ =	shalt  }
0x67: {  	_ =	shalt  }
0x68: {  	_ =	shalt  }
0x69: {  	_ =	shalt  }
0x6a: {  	_ =	shalt  }
0x6b: {  	_ =	shalt  }
0x6c: {  	_ =	shalt  }
0x6d: {  	_ =	shalt  }
0x6e: {  	_ =	shalt  }
0x6f: {  	_ =	shalt  }
0x70: {  	_ =	shalt  }
0x71: {  	_ =	shalt  }
0x72: {  	_ =	shalt  }
0x73: {  	_ =	shalt  }
0x74: {  	_ =	shalt  }
0x75: {  	_ =	shalt  }
0x76: {  	_ =	shalt  }
0x77: {  	_ =	shalt  }
0x78: {  	_ =	shalt  }
0x79: {  	_ =	shalt  }
0x7a: {  	_ =	shalt  }
0x7b: {  	_ =	shalt  }
0x7c: {  	_ =	shalt  }
0x7d: {  	_ =	shalt  }
0x7e: {  	_ =	shalt  }
0x7f: {  	_ =	shalt  }
0x80: {  	_ =	shalt  }
0x81: {  	_ =	shalt  }
0x82: {  	_ =	shalt  }
0x83: {  	_ =	shalt  }
0x84: {  	_ =	shalt  }
0x85: {  	_ =	shalt  }
0x86: {  	_ =	shalt  }
0x87: {  	_ =	shalt  }
.Lfunc_end0:
.L_simem_size_0:
called_computation.2_lowered:
.L_overlay_start_0:
0x88: {  	s2 =	sld [smem:$0x3FD9]  }
0x89: {  	s3 =	sld [smem:$0x3FFE];
	_ =	sdelay $0x1  }
0x8a: {  	s1 =	srdreg.scid  }
0x8b: {  	s0 =	sand.u32 $0x1, s1  }
0x8c: {  	s16 =	sshll.u32 s0, $0xA;
	s2 =	sadd.s32 s3, s2  }
0x8d: {  	s2 =	sadd.s32 s2, s16  }
0x8e: {  	[smem:$0x3FB6] =	sst s2  }
0x8f: {  	_ = 	snop  }
0x90: {  	(tm) =	ssettm $0x1  }
0x91: {  	s17 =	sld [smem:$0x3FFB];
	_ =	sdelay $0x3  }
0x92: {  	_ =	strace s17  }
0x93: {  	s2 =	sld [smem:$0x3FFC];
	_ =	sdelay $0x3  }
0x94: {  	_ =	strace s2  }
0x95: {  	s2 =	sld [smem:$0x3FFD];
	_ =	sdelay $0x3  }
0x96: {  	_ =	strace s2  }
0x97: {  	_ =	strace $0x8FFFFFFF  }
0x98: {  	s18 =	sld [smem:$0x3FDB];
	_ =	sdelay $0x1  }
0x99: {  	s19 =	simm.s32 $_scs_section_size  }
0x9a: {  	s4 =	simm.s32 $_size__tile_overlayer_lowered;
	s5 =	simm.s32 $_tile_overlayer_lowered  }
0x9b: {  	s22 =	simm.s32 $0x1BFF;
	s21 =	sshll.u32 s5, $0x1;
	s2 =	sadd.s32 s19, s18  }
0x9c: {  	s6 =	simm.s32 $0x0;
	s20 =	sshll.u32 s4, $0x1;
	s4 =	sadd.s32 s21, s2  }
0x9d: {  	[timem:s6], [sflag:s22] =	dma.local [hbm:s4], s20  }
0x9e: {  	_ =	swait.ge [sflag:s22], s20  }
0x9f: {  	s3 =	ssub.s32 $0x0, s20;
	[sflag:s22] =	ssyncset.done $0x0  }
0xa0: {  	[sflag:s22] =	ssyncadd.s32 s3;
	_ =	sdelay $0x1  }
0xa1: {  	s23 =	simm.s32 $0x1B8B  }
0xa2: {  	_ =	swait.ge [sflag:s23], $0x1  }
0xa3: {  	[sflag:s23] =	ssyncset.done $0x0  }
0xa4: {  	s25 =	simm.s32 $0x1B8E;
	s24 =	sld [smem:$0x3FFE];
	[sflag:s23] =	ssyncadd.s32 $0xFFFFFFFF  }
0xa5: {  	s26 =	simm.s32 $execute0_lowered;
	[smem:$0x3FD2] =	sst s25  }
0xa6: {  	s4 =	sshll.u32 s26, $0x1;
	_ =	strace $0x8000004C;
	[dreg:$0x1] =	wrdreg $0xFFFFFFFF  }
0xa7: {  	s28 =	simm.s32 $_size_execute0_lowered;
	s2 =	sadd.s32 s2, s4;
	[dreg:$0x0] =	wrdreg $0x0  }
0xa8: {  	s4 =	sshll.u32 s28, $0x1;
	[dreg:$0x2] =	wrdreg s2  }
0xa9: {  	[dreg:$0x3] =	wrdreg s4  }
0xaa: {  	[dreg:$0x4] =	wrdreg $0xC0  }
0xab: {  	_ =	task [dreg:s6], $0x5FFFF  }
0xac: {  	[dreg:$0x1] =	wrdreg $0xFFFFFFFF  }
0xad: {  	[dreg:$0x0] =	wrdreg $0x60  }
0xae: {  	[dreg:$0x2] =	wrdreg s24  }
0xaf: {  	[dreg:$0x3] =	wrdreg $0x130000  }
0xb0: {  	[dreg:$0x4] =	wrdreg $0x90000  }
0xb1: {  	[dreg:$0x5] =	wrdreg $0x9  }
0xb2: {  	_ =	task.clear_ibuf [dreg:s6], $0x6FFFF;
	_ =	strace $0x9000004C  }
0xb3: {  	s29 =	simm.s32 $0x9;
	_ =	strace $0x8000004E  }
0xb4: {  	_ =	swait.ge [sflag:s29], $0x1  }
0xb5: {  	[sflag:s29] =	ssyncadd.s32 $0xFFFFFFFF  }
0xb6: {  	_ =	strace $0x9000004E  }
0xb7: {  	_ =	sfence  }
0xb8: {  	s30 =	sld [smem:$0x0];
	_ =	sdelay $0x2  }
0xb9: {  	s31 =	sshll.u32 s1, $0xD;
	s1 =	sshrl.u32 s1, $0x2  }
0xba: {  	s3 =	sand.u32 $0x4000, s31;
	s1 =	sadd.s32 s1, s30  }
0xbb: {  	s0 =	sor.u32 s3, s0;
	s1 =	sshll.u32 s1, $0x11  }
0xbc: {  	s0 =	sor.u32 s1, s0  }
0xbd: {  	s0 =	sadd.s32 $0x8F2B, s0  }
0xbe: {  	[sflag:s0] =	ssyncadd.remote.s32 $0x1  }
0xbf: {  	_ =	sfence.sel $0xFFFF  }
0xc0: {  	[dreg:$0x0] =	wrdreg $0xFFFFFFFF;
	(pc) =	sbr.abs _section_cstart, $3  }
0xc1: {  	[dreg:$0x1] =	wrdreg $0xFFFFFFFF  }
0xc2: {  	_ =	task.clear_ibuf [dreg:s6], $0x2FFFF;
	_ =	strace $0x9FFFFFFF  }
0xc3: {  	(tm) =	ssettm $0x7FFFFFFF  }
tec
execute0_lowered:
.L_overlay_start_1:
0x0: {  	(tag) =	ssettag $0x1  }
0x1: {  	s5 =	rddreg [dreg:$0x0]  }
0x2: {  	s0 =	srdreg.scid;
	s2 =	rddreg [dreg:$0x1]  }
0x3: {  	s3 =	rddreg [dreg:$0x2];
	s4 =	simm.s32 $0x0;
	s16 =	simm.s32 $0x5000  }
0x4: {  	s17 =	simm.s32 $0x7000;
	s18 =	simm.s32 $0x1;
	s19 =	simm.s32 $0x2  }
0x5: {  	s20 =	simm.s32 $0x4F00;
	s6 =	sand.u32 $0x1, s0;
	s0 =	stileid.u32  }
0x6: {  	s21 =	simm.s32 $0x4F80;
	[smem:$0x7FF] =	sst s4;
	s8 =	smul.u32 $0xA000, s0  }
0x7: {  	s1 =	sshll.u32 s6, $0x4;
	s9 =	smul.u32 $0x14000, s6;
	s6 =	ssub.s32 $0x2, s6  }
0x8: {  	s31 =	sshll.u32 s0, $0x6;
	s7 =	sor.u32 s0, s1;
	s1 =	rddreg [dreg:$0x3]  }
0x9: {  	_ =	strace $0x8000004D;
	s30 =	sshrl.u32 s6, $0x1;
	s7 =	smul.u32 $0x500, s7  }
0xa: {  	s22 =	sshrl.u32 s8, $0x3;
	s12 =	sadd.s32 s9, s5;
	s13 =	ssub.s32 s6, s30  }
0xb: {  	s14 =	sadd.s32 s8, s2;
	s6 =	sor.u32 $0x1C03, s31;
	s15 =	sadd.s32 s8, s3  }
0xc: {  	s10 =	sadd.s32 s22, s5;
	s23 =	sadd.s32 $0x3F400, s12;
	s12 =	simm.s32 $0x3  }
0xd: {  	s11 =	sadd.s32 s7, s5;
	s5 =	sadd.s32 $0x2B400, s10;
	s8 =	sadd.s32 $0x17400, s10  }
0xe: {  	s10 =	smax.u32 s13, $0x1;
	s13 =	simm.s32 $0x2800;
	s22 =	sadd.s32 s22, s23  }
0xf: {  	s23 =	simm.s32 $0x0;
	s7 =	sadd.s32 $0x3400, s11;
	s9 =	sadd.s32 $0xD400, s11  }
0x10: {  	s11 =	sshrl.u32 s14, $0x3;
	s14 =	sshrl.u32 s15, $0x3;
	s15 =	simm.s32 $0x80  }
.LBB2_1:
0x11: {  	[spmem:s11], [sflag:s6] =	dma.local [hbm:s5], $0x1400  }
0x12: {  	_ =	swait.ge [sflag:s12], $0x1400  }
0x13: {  	[sflag:s12] =	ssyncset.done $0x0  }
0x14: {  	[sflag:s12] =	ssyncadd.s32 $0xFFFFEC00  }
0x15: {  	[tilespmem:s13], [sflag:$0x3] =	stream.linear.gather [hbm4b:s7+s4], $0x2800, $0x38;
	[tilespmem:$0x1D000] =	vst v63  }
0x16: {  	_ =	swait.ge [sflag:s12], $0x2800  }
0x17: {  	[sflag:s12] =	ssyncset.done $0x0  }
0x18: {  	[sflag:s12] =	ssyncadd.s32 $0xFFFFD800  }
0x19: {  	[spmem:s14], [sflag:s6] =	dma.local [hbm:s8], $0x1400  }
0x1a: {  	_ =	swait.ge [sflag:s12], $0x1400  }
0x1b: {  	[sflag:s12] =	ssyncset.done $0x0  }
0x1c: {  	[sflag:s12] =	ssyncadd.s32 $0xFFFFEC00  }
0x1d: {  	[tilespmem:s4], [sflag:$0x3] =	stream.linear.gather [hbm4b:s9+s4], $0x2800, $0x38;
	[tilespmem:$0x1D000] =	vst v63  }
0x1e: {  	_ =	swait.ge [sflag:s12], $0x2800  }
0x1f: {  	[sflag:s12] =	ssyncset.done $0x0  }
0x20: {  	[sflag:s12] =	ssyncadd.s32 $0xFFFFD800  }
0x21: {  	[bflag:$0x0] =	sbarrier.arrive $0xFFFF  }
0x22: {  	[tilespmem:s16], [sflag:$0x1] =	stream.indirect.gather [spmem:s3], $0x40, s4, s15, $0xb8;
	[tilespmem:$0x1D000] =	vst v63  }
0x23: {  	_ = 	snop  }
0x24: {  	[tilespmem:s17], [sflag:$0x2] =	stream.indirect.gather [spmem:s3], $0x40, s15, s15, $0xb8;
	[tilespmem:$0x1D000] =	vst v63  }
0x25: {  	_ =	swait.ge [sflag:s18], $0x2000  }
0x26: {  	[sflag:s18] =	ssyncset.done $0x0  }
0x27: {  	s24 =	simm.s32 $0x2800;
	[sflag:s18] =	ssyncadd.s32 $0xFFFFE000  }
0x28: {  	[spmem:s2] =	stream.indirect.scatter.add.f32 [tilespmem:s16], [sflag:$0x3], $0x40, s24, s15, $0xb8;
	[tilespmem:$0x1D000] =	vst v63  }
0x29: {  	_ =	swait.ge [sflag:s12], $0x2000  }
0x2a: {  	[sflag:s12] =	ssyncset.done $0x0  }
0x2b: {  	s30 =	simm.s32 $0x100;
	[sflag:s12] =	ssyncadd.s32 $0xFFFFE000  }
0x2c: {  	[tilespmem:s16], [sflag:$0x1] =	stream.indirect.gather [spmem:s3], $0x40, s30, s15, $0xb8;
	[tilespmem:$0x1D000] =	vst v63  }
0x2d: {  	_ =	swait.ge [sflag:s19], $0x2000  }
0x2e: {  	[sflag:s19] =	ssyncset.done $0x0  }
0x2f: {  	s31 =	simm.s32 $0x2880;
	[sflag:s19] =	ssyncadd.s32 $0xFFFFE000  }
0x30: {  	[spmem:s2] =	stream.indirect.scatter.add.f32 [tilespmem:s17], [sflag:$0x3], $0x40, s31, s15, $0xb8;
	[tilespmem:$0x1D000] =	vst v63  }
0x31: {  	_ =	swait.ge [sflag:s12], $0x2000  }
0x32: {  	[sflag:s12] =	ssyncset.done $0x0  }
0x33: {  	s25 =	simm.s32 $0x180;
	s24 =	simm.s32 $0x400;
	[sflag:s12] =	ssyncadd.s32 $0xFFFFE000  }
.LBB2_2:
0x34: {  	[tilespmem:s17], [sflag:$0x2] =	stream.indirect.gather [spmem:s3], $0x40, s25, s15, $0xb8;
	[tilespmem:$0x1D000] =	vst v63  }
0x35: {  	s25 =	smov.u32 s24  }
0x36: {  	p0 =	sne.s32 s24, $0x9800;
	s24 =	sadd.s32 $0x400, s24;
	_ =	swait.ge [sflag:s18], $0x2000  }
0x37: {  	s25 =	sshra.s32 s25, $0x2;
	[sflag:s18] =	ssyncset.done $0x0  }
0x38: {  	s26 =	sadd.s32 $0x2800, s25;
	[sflag:s18] =	ssyncadd.s32 $0xFFFFE000  }
0x39: {  	[spmem:s2] =	stream.indirect.scatter.add.f32 [tilespmem:s16], [sflag:$0x3], $0x40, s26, s15, $0xb8;
	[tilespmem:$0x1D000] =	vst v63  }
0x3a: {  	_ =	swait.ge [sflag:s12], $0x2000  }
0x3b: {  	[sflag:s12] =	ssyncset.done $0x0  }
0x3c: {  	s26 =	sadd.s32 $0x100, s25;
	[sflag:s12] =	ssyncadd.s32 $0xFFFFE000  }
0x3d: {  	[tilespmem:s16], [sflag:$0x1] =	stream.indirect.gather [spmem:s3], $0x40, s26, s15, $0xb8;
	[tilespmem:$0x1D000] =	vst v63  }
0x3e: {  	_ =	swait.ge [sflag:s19], $0x2000  }
0x3f: {  	[sflag:s19] =	ssyncset.done $0x0  }
.Ltmp0:
0x40: {  	s26 =	sadd.s32 $0x2880, s25;
	[sflag:s19] =	ssyncadd.s32 $0xFFFFE000;
	(pc) =	sbr.rel @p0 .LBB2_2-.Ltmp0, $4  }
0x41: {  	[spmem:s2] =	stream.indirect.scatter.add.f32 [tilespmem:s17], [sflag:$0x3], $0x40, s26, s15, $0xb8;
	[tilespmem:$0x1D000] =	vst v63  }
0x42: {  	_ =	swait.ge [sflag:s12], $0x2000  }
0x43: {  	[sflag:s12] =	ssyncset.done $0x0  }
0x44: {  	s25 =	sadd.s32 $0x180, s25;
	[sflag:s12] =	ssyncadd.s32 $0xFFFFE000  }
0x45: {  	[tilespmem:s17], [sflag:$0x2] =	stream.indirect.gather [spmem:s3], $0x40, s25, s15, $0xb8;
	[tilespmem:$0x1D000] =	vst v63  }
0x46: {  	_ =	swait.ge [sflag:s18], $0x2000  }
0x47: {  	[sflag:s18] =	ssyncset.done $0x0  }
0x48: {  	[sflag:s18] =	ssyncadd.s32 $0xFFFFE000  }
0x49: {  	[spmem:s2] =	stream.indirect.scatter.add.f32 [tilespmem:s16], [sflag:$0x3], $0x40, s20, s15, $0xb8;
	[tilespmem:$0x1D000] =	vst v63  }
0x4a: {  	_ =	swait.ge [sflag:s12], $0x2000  }
0x4b: {  	[sflag:s12] =	ssyncset.done $0x0  }
0x4c: {  	[sflag:s12] =	ssyncadd.s32 $0xFFFFE000  }
0x4d: {  	_ =	swait.ge [sflag:s19], $0x2000  }
0x4e: {  	[sflag:s19] =	ssyncset.done $0x0  }
0x4f: {  	[sflag:s19] =	ssyncadd.s32 $0xFFFFE000  }
0x50: {  	[spmem:s2] =	stream.indirect.scatter.add.f32 [tilespmem:s17], [sflag:$0x3], $0x40, s21, s15, $0xb8;
	[tilespmem:$0x1D000] =	vst v63  }
0x51: {  	_ =	swait.ge [sflag:s12], $0x2000  }
0x52: {  	s23 =	sadd.s32 $0x1, s23;
	[sflag:s12] =	ssyncset.done $0x0  }
0x53: {  	p0 =	sne.s32 s23, s10;
	[sflag:s12] =	ssyncadd.s32 $0xFFFFE000  }
.Ltmp1:
0x54: {  	[bflag:$0x0] =	sbarrier.arrive $0xFFFF;
	(pc) =	sbr.rel @p0 .LBB2_1-.Ltmp1, $4  }
0x55: {  	[hbm:s22], [sflag:s6] =	dma.local [spmem:s11], $0x1400  }
0x56: {  	_ =	swait.ge [sflag:s12], $0x1400  }
0x57: {  	[sflag:s12] =	ssyncset.done $0x0  }
0x58: {  	[sflag:s12] =	ssyncadd.s32 $0xFFFFEC00  }
0x59: {  	_ =	sfence.sel $0x180000  }
0x5a: {  	[bflag:$0x0] =	sbarrier.arrive $0xFFFF  }
0x5b: {  	p0 =	sne.s32 s0, $0x0;
	_ =	strace $0x9000004D  }
0x5c: {  	s0 =	sadd.s32 @!p0 $0x100000, s1;
	[bflag:$0x2] =	sbarrier.arrive $0xFFFF  }
0x5d: {  	[sflag:s0] =	ssyncadd.tile.s32 @!p0 $0x1;
	_ =	shalt  }
.Lfunc_end2:
_tile_overlayer_lowered:
.L_overlay_start_2:
0x5e: {  	(tag) =	ssettag $0x2  }
0x5f: {  	s0 =	rddreg [dreg:$0x0];
	s2 =	stileid.u32  }
0x60: {  	s1 =	rddreg [dreg:$0x1];
	p0 =	sne.s32 s2, $0x0  }
0x61: {  	s3 =	rddreg [dreg:$0x2];
	[bflag:$0x3] =	sbarrier.arrive $0xFFFF;
	s2 =	simm.s32 @!p0 $0x1C03  }
0x62: {  	[timem:s3], [sflag:s2] =	dma.local @!p0 [hbm:s0], s1  }
0x63: {  	s0 =	simm.s32 @!p0 $0x3  }
0x64: {  	_ =	swait.ge @!p0 [sflag:s0], s1  }
0x65: {  	s1 =	ssub.s32 @!p0 $0x0, s1;
	[sflag:s0] =	ssyncset.done @!p0 $0x0  }
0x66: {  	[sflag:s0] =	ssyncadd.s32 @!p0 s1  }
0x67: {  	[bflag:$0x3] =	sbarrier.arrive $0xFFFF  }
0x68: {  	_ =	shalt  }

// kernel: kernel.19.cloned.1.call-start
scs
__scs_entry_jumppad:
0x0: {  	(pc) =	sbr.rel $0x88, $3  }
0x1: {  	(tag) =	ssettag $0x0;
	lr =	simm.s32 $0x1  }
0x2: {  	[smem:$0x3F8F] =	sst lr;
	_ =	strace $0xD0000000  }
0x3: {  	_ = 	snop  }
0x4: {  	_ = 	snop  }
0x5: {  	_ = 	snop  }
0x6: {  	_ = 	snop  }
0x7: {  	_ = 	snop  }
__scs_overlays_trampoline_lowered:
0x8: {  	[smem:$0x3F9E] =	sst s0  }
0x9: {  	[smem:$0x3F9F] =	sst s1  }
0xa: {  	[smem:$0x3FA0] =	sst s2  }
0xb: {  	[smem:$0x3FA1] =	sst s3  }
0xc: {  	[smem:$0x3FA2] =	sst s4  }
0xd: {  	[smem:$0x3FA3] =	sst s5  }
0xe: {  	[smem:$0x3FA4] =	sst s6  }
0xf: {  	[smem:$0x3FA5] =	sst s7  }
0x10: {  	[smem:$0x3FA6] =	sst s8  }
0x11: {  	[smem:$0x3FA7] =	sst s9;
	s0 =	simm.s32 @!p0 $0x0  }
0x12: {  	s1 =	sld [smem:$0x3F8D];
	s0 =	simm.s32 @p0 $0x1  }
0x13: {  	[smem:$0x3FA8] =	sst s0;
	s0 =	simm.s32 @!p1 $0x0  }
0x14: {  	s2 =	sld [smem:$0x3F8C];
	s0 =	simm.s32 @p1 $0x1  }
0x15: {  	[smem:$0x3FA9] =	sst s0;
	s0 =	simm.s32 @!p2 $0x0  }
0x16: {  	s3 =	sld [smem:$0x3FDB];
	s0 =	simm.s32 @p2 $0x1  }
0x17: {  	s4 =	simm.s32 $0x1BF5;
	[smem:$0x3FAB] =	sst s0  }
0x18: {  	s0 =	sld [smem:$0x3F8E];
	_ =	swait.ge [sflag:s4], $0x0  }
0x19: {  	s7 =	sld [smem:$0x3F8F]  }
0x1a: {  	s8 =	sadd.s32 $0xFFFFE003, lr  }
0x1b: {  	s9 =	sadd.s32 $0xFFFFFEF7, lr;
	s5 =	simm.s32 $0xFFFFFFFF;
	p2 =	slt.u32 s8, $0xFFFFF086  }
0x1c: {  	p1 =	slt.u32 s9, $0xF7A;
	s5 =	simm.s32 @!p2 $0x0  }
0x1d: {  	s5 =	simm.s32 @p1 $0x1;
	p0 =	seq.s32 s7, s2  }
0x1e: {  	s7 =	smul.u32 @!p0 $0xF7A, s2;
	p2 =	seq.s32 @!p0 s5, $0x0  }
0x1f: {  	s9 =	smul.u32 $0xF7A, s1;
	s8 =	simm.s32 @!p0 $0x1BF5;
	p2 =	por !p2, p0  }
0x20: {  	[sflag:s8] =	ssyncset.s32 @!p0 $0xFFFFF086;
	s6 =	sadd.s32 @!p0 s3, s7;
	s7 =	simm.s32 @!p0 $0x108  }
0x21: {  	s3 =	sadd.s32 s3, s9;
	s6 =	sadd.s32 @!p0 $0x88, s6;
	s7 =	simm.s32 @p2 $0x1082  }
0x22: {  	[simem:s7], [sflag:s8] =	dma.local @!p0 [hbm:s6], $0xF7A  }
0x23: {  	s9 =	sor.u32 $0xD0000000, s2;
	s6 =	simm.s32 $0x108;
	_ =	swait.ge @!p0 [sflag:s8], $0x0  }
0x24: {  	s3 =	sadd.s32 $0x88, s3;
	s6 =	simm.s32 @!p1 $0x1082;
	[sflag:s4] =	ssyncset.s32 $0xFFFFF086  }
0x25: {  	[simem:s6], [sflag:s4] =	dma.local [hbm:s3], $0xF7A  }
0x26: {  	[smem:$0x3F8F] =	sst s1;
	(tag) =	ssettag s2;
	_ =	strace s9  }
0x27: {  	s1 =	sld [smem:$0x3F9F]  }
0x28: {  	s2 =	sld [smem:$0x3FA0]  }
0x29: {  	s4 =	sld [smem:$0x3FA2]  }
0x2a: {  	p0 =	seq.s32 s5, $0x0;
	s5 =	sld [smem:$0x3FA3]  }
0x2b: {  	s6 =	sld [smem:$0x3FA4]  }
0x2c: {  	s7 =	sld [smem:$0x3FA5]  }
0x2d: {  	s3 =	simm.s32 $0x108;
	s8 =	sld [smem:$0x3FA6]  }
0x2e: {  	s3 =	simm.s32 @!p0 $0x1082;
	s9 =	sld [smem:$0x3FA7]  }
0x2f: {  	lr =	sadd.s32 s0, s3;
	s0 =	sld [smem:$0x3F9E]  }
0x30: {  	s3 =	sld [smem:$0x3FA1]  }
0x31: {  	[smem:$0x3FAA] =	sst s10  }
0x32: {  	s10 =	sld [smem:$0x3FA8];
	_ =	sdelay $0x3  }
0x33: {  	p0 =	seq.s32 s10, $0x1;
	s10 =	sld [smem:$0x3FAA];
	_ =	sdelay $0x3  }
0x34: {  	[smem:$0x3FAA] =	sst s10  }
0x35: {  	s10 =	sld [smem:$0x3FA9];
	_ =	sdelay $0x3  }
0x36: {  	p1 =	seq.s32 s10, $0x1;
	s10 =	sld [smem:$0x3FAA];
	_ =	sdelay $0x3  }
0x37: {  	[smem:$0x3FAA] =	sst s10  }
0x38: {  	s10 =	sld [smem:$0x3FAB]  }
0x39: {  	_ = 	snop;
	(pc) =	sbr.ind lr, $3  }
0x3a: {  	_ = 	snop  }
0x3b: {  	_ = 	snop  }
0x3c: {  	p2 =	seq.s32 s10, $0x1;
	s10 =	sld [smem:$0x3FAA]  }
0x3d: {  	_ =	shalt  }
0x3e: {  	_ =	shalt  }
0x3f: {  	_ =	shalt  }
0x40: {  	_ =	shalt  }
0x41: {  	_ =	shalt  }
0x42: {  	_ =	shalt  }
0x43: {  	_ =	shalt  }
0x44: {  	_ =	shalt  }
0x45: {  	_ =	shalt  }
0x46: {  	_ =	shalt  }
0x47: {  	_ =	shalt  }
0x48: {  	_ =	shalt  }
0x49: {  	_ =	shalt  }
0x4a: {  	_ =	shalt  }
0x4b: {  	_ =	shalt  }
0x4c: {  	_ =	shalt  }
0x4d: {  	_ =	shalt  }
0x4e: {  	_ =	shalt  }
0x4f: {  	_ =	shalt  }
0x50: {  	_ =	shalt  }
0x51: {  	_ =	shalt  }
0x52: {  	_ =	shalt  }
0x53: {  	_ =	shalt  }
0x54: {  	_ =	shalt  }
0x55: {  	_ =	shalt  }
0x56: {  	_ =	shalt  }
0x57: {  	_ =	shalt  }
0x58: {  	_ =	shalt  }
0x59: {  	_ =	shalt  }
0x5a: {  	_ =	shalt  }
0x5b: {  	_ =	shalt  }
0x5c: {  	_ =	shalt  }
0x5d: {  	_ =	shalt  }
0x5e: {  	_ =	shalt  }
0x5f: {  	_ =	shalt  }
0x60: {  	_ =	shalt  }
0x61: {  	_ =	shalt  }
0x62: {  	_ =	shalt  }
0x63: {  	_ =	shalt  }
0x64: {  	_ =	shalt  }
0x65: {  	_ =	shalt  }
0x66: {  	_ =	shalt  }
0x67: {  	_ =	shalt  }
0x68: {  	_ =	shalt  }
0x69: {  	_ =	shalt  }
0x6a: {  	_ =	shalt  }
0x6b: {  	_ =	shalt  }
0x6c: {  	_ =	shalt  }
0x6d: {  	_ =	shalt  }
0x6e: {  	_ =	shalt  }
0x6f: {  	_ =	shalt  }
0x70: {  	_ =	shalt  }
0x71: {  	_ =	shalt  }
0x72: {  	_ =	shalt  }
0x73: {  	_ =	shalt  }
0x74: {  	_ =	shalt  }
0x75: {  	_ =	shalt  }
0x76: {  	_ =	shalt  }
0x77: {  	_ =	shalt  }
0x78: {  	_ =	shalt  }
0x79: {  	_ =	shalt  }
0x7a: {  	_ =	shalt  }
0x7b: {  	_ =	shalt  }
0x7c: {  	_ =	shalt  }
0x7d: {  	_ =	shalt  }
0x7e: {  	_ =	shalt  }
0x7f: {  	_ =	shalt  }
0x80: {  	_ =	shalt  }
0x81: {  	_ =	shalt  }
0x82: {  	_ =	shalt  }
0x83: {  	_ =	shalt  }
0x84: {  	_ =	shalt  }
0x85: {  	_ =	shalt  }
0x86: {  	_ =	shalt  }
0x87: {  	_ =	shalt  }
.Lfunc_end0:
.L_simem_size_0:
called_computation.3_lowered:
.L_overlay_start_0:
0x88: {  	s2 =	sld [smem:$0x3FD9]  }
0x89: {  	s3 =	sld [smem:$0x3FFE];
	_ =	sdelay $0x1  }
0x8a: {  	s1 =	srdreg.scid  }
0x8b: {  	s0 =	sand.u32 $0x1, s1  }
0x8c: {  	s16 =	sshll.u32 s0, $0xA;
	s2 =	sadd.s32 s3, s2  }
0x8d: {  	s2 =	sadd.s32 s2, s16  }
0x8e: {  	[smem:$0x3FB6] =	sst s2  }
0x8f: {  	_ = 	snop  }
0x90: {  	(tm) =	ssettm $0x1  }
0x91: {  	s17 =	sld [smem:$0x3FFB];
	_ =	sdelay $0x3  }
0x92: {  	_ =	strace s17  }
0x93: {  	s2 =	sld [smem:$0x3FFC];
	_ =	sdelay $0x3  }
0x94: {  	_ =	strace s2  }
0x95: {  	s2 =	sld [smem:$0x3FFD];
	_ =	sdelay $0x3  }
0x96: {  	_ =	strace s2  }
0x97: {  	_ =	strace $0x8FFFFFFF  }
0x98: {  	s18 =	sld [smem:$0x3FDB];
	_ =	sdelay $0x1  }
0x99: {  	s19 =	simm.s32 $_scs_section_size  }
0x9a: {  	s4 =	simm.s32 $_size__tile_overlayer_lowered;
	s5 =	simm.s32 $_tile_overlayer_lowered  }
0x9b: {  	s22 =	simm.s32 $0x1BFF;
	s21 =	sshll.u32 s5, $0x1;
	s2 =	sadd.s32 s19, s18  }
0x9c: {  	s6 =	simm.s32 $0x0;
	s20 =	sshll.u32 s4, $0x1;
	s4 =	sadd.s32 s21, s2  }
0x9d: {  	[timem:s6], [sflag:s22] =	dma.local [hbm:s4], s20  }
0x9e: {  	_ =	swait.ge [sflag:s22], s20  }
0x9f: {  	s3 =	ssub.s32 $0x0, s20;
	[sflag:s22] =	ssyncset.done $0x0  }
0xa0: {  	[sflag:s22] =	ssyncadd.s32 s3;
	_ =	sdelay $0x1  }
0xa1: {  	s23 =	simm.s32 $0x1B8B  }
0xa2: {  	_ =	swait.ge [sflag:s23], $0x1  }
0xa3: {  	[sflag:s23] =	ssyncset.done $0x0  }
0xa4: {  	s25 =	simm.s32 $0x1B8E;
	s24 =	sld [smem:$0x3FFE];
	[sflag:s23] =	ssyncadd.s32 $0xFFFFFFFF  }
0xa5: {  	s26 =	simm.s32 $execute0_lowered;
	[smem:$0x3FD2] =	sst s25  }
0xa6: {  	s4 =	sshll.u32 s26, $0x1;
	_ =	strace $0x8000004F;
	[dreg:$0x1] =	wrdreg $0xFFFFFFFF  }
0xa7: {  	s28 =	simm.s32 $_size_execute0_lowered;
	s2 =	sadd.s32 s2, s4;
	[dreg:$0x0] =	wrdreg $0x0  }
0xa8: {  	s4 =	sshll.u32 s28, $0x1;
	[dreg:$0x2] =	wrdreg s2  }
0xa9: {  	[dreg:$0x3] =	wrdreg s4  }
0xaa: {  	[dreg:$0x4] =	wrdreg $0xC0  }
0xab: {  	_ =	task [dreg:s6], $0x5FFFF  }
0xac: {  	[dreg:$0x1] =	wrdreg $0xFFFFFFFF  }
0xad: {  	[dreg:$0x0] =	wrdreg $0x60  }
0xae: {  	[dreg:$0x2] =	wrdreg s24  }
0xaf: {  	[dreg:$0x3] =	wrdreg $0x130000  }
0xb0: {  	[dreg:$0x4] =	wrdreg $0x90000  }
0xb1: {  	[dreg:$0x5] =	wrdreg $0x9  }
0xb2: {  	_ =	task.clear_ibuf [dreg:s6], $0x6FFFF;
	_ =	strace $0x9000004F  }
0xb3: {  	s29 =	simm.s32 $0x9;
	_ =	strace $0x80000051  }
0xb4: {  	_ =	swait.ge [sflag:s29], $0x1  }
0xb5: {  	[sflag:s29] =	ssyncadd.s32 $0xFFFFFFFF  }
0xb6: {  	_ =	strace $0x90000051  }
0xb7: {  	_ =	sfence  }
0xb8: {  	s30 =	sld [smem:$0x0];
	_ =	sdelay $0x2  }
0xb9: {  	s31 =	sshll.u32 s1, $0xD;
	s1 =	sshrl.u32 s1, $0x2  }
0xba: {  	s3 =	sand.u32 $0x4000, s31;
	s1 =	sadd.s32 s1, s30  }
0xbb: {  	s0 =	sor.u32 s3, s0;
	s1 =	sshll.u32 s1, $0x11  }
0xbc: {  	s0 =	sor.u32 s1, s0  }
0xbd: {  	s0 =	sadd.s32 $0x8F2B, s0  }
0xbe: {  	[sflag:s0] =	ssyncadd.remote.s32 $0x1  }
0xbf: {  	_ =	sfence.sel $0xFFFF  }
0xc0: {  	[dreg:$0x0] =	wrdreg $0xFFFFFFFF;
	(pc) =	sbr.abs _section_cstart, $3  }
0xc1: {  	[dreg:$0x1] =	wrdreg $0xFFFFFFFF  }
0xc2: {  	_ =	task.clear_ibuf [dreg:s6], $0x2FFFF;
	_ =	strace $0x9FFFFFFF  }
0xc3: {  	(tm) =	ssettm $0x7FFFFFFF  }
tec
execute0_lowered:
.L_overlay_start_1:
0x0: {  	(tag) =	ssettag $0x1  }
0x1: {  	s5 =	rddreg [dreg:$0x0]  }
0x2: {  	s0 =	srdreg.scid;
	s2 =	rddreg [dreg:$0x1]  }
0x3: {  	s3 =	rddreg [dreg:$0x2];
	s4 =	simm.s32 $0x0;
	s16 =	simm.s32 $0x5000  }
0x4: {  	s17 =	simm.s32 $0x7000;
	s18 =	simm.s32 $0x1;
	s19 =	simm.s32 $0x2  }
0x5: {  	s20 =	simm.s32 $0x4F00;
	s6 =	sand.u32 $0x1, s0;
	s0 =	stileid.u32  }
0x6: {  	s21 =	simm.s32 $0x4F80;
	[smem:$0x7FF] =	sst s4;
	s8 =	smul.u32 $0xA000, s0  }
0x7: {  	s1 =	sshll.u32 s6, $0x4;
	s9 =	smul.u32 $0x14000, s6;
	s6 =	ssub.s32 $0x2, s6  }
0x8: {  	s31 =	sshll.u32 s0, $0x6;
	s7 =	sor.u32 s0, s1;
	s1 =	rddreg [dreg:$0x3]  }
0x9: {  	_ =	strace $0x80000050;
	s30 =	sshrl.u32 s6, $0x1;
	s7 =	smul.u32 $0x500, s7  }
0xa: {  	s22 =	sshrl.u32 s8, $0x3;
	s12 =	sadd.s32 s9, s5;
	s13 =	ssub.s32 s6, s30  }
0xb: {  	s14 =	sadd.s32 s8, s2;
	s6 =	sor.u32 $0x1C03, s31;
	s15 =	sadd.s32 s8, s3  }
0xc: {  	s10 =	sadd.s32 s22, s5;
	s23 =	sadd.s32 $0x3F400, s12;
	s12 =	simm.s32 $0x3  }
0xd: {  	s11 =	sadd.s32 s7, s5;
	s5 =	sadd.s32 $0x2B400, s10;
	s8 =	sadd.s32 $0x17400, s10  }
0xe: {  	s10 =	smax.u32 s13, $0x1;
	s13 =	simm.s32 $0x2800;
	s22 =	sadd.s32 s22, s23  }
0xf: {  	s23 =	simm.s32 $0x0;
	s7 =	sadd.s32 $0x3400, s11;
	s9 =	sadd.s32 $0xD400, s11  }
0x10: {  	s11 =	sshrl.u32 s14, $0x3;
	s14 =	sshrl.u32 s15, $0x3;
	s15 =	simm.s32 $0x80  }
.LBB2_1:
0x11: {  	[spmem:s11], [sflag:s6] =	dma.local [hbm:s5], $0x1400  }
0x12: {  	_ =	swait.ge [sflag:s12], $0x1400  }
0x13: {  	[sflag:s12] =	ssyncset.done $0x0  }
0x14: {  	[sflag:s12] =	ssyncadd.s32 $0xFFFFEC00  }
0x15: {  	[tilespmem:s13], [sflag:$0x3] =	stream.linear.gather [hbm4b:s7+s4], $0x2800, $0x38;
	[tilespmem:$0x1D000] =	vst v63  }
0x16: {  	_ =	swait.ge [sflag:s12], $0x2800  }
0x17: {  	[sflag:s12] =	ssyncset.done $0x0  }
0x18: {  	[sflag:s12] =	ssyncadd.s32 $0xFFFFD800  }
0x19: {  	[spmem:s14], [sflag:s6] =	dma.local [hbm:s8], $0x1400  }
0x1a: {  	_ =	swait.ge [sflag:s12], $0x1400  }
0x1b: {  	[sflag:s12] =	ssyncset.done $0x0  }
0x1c: {  	[sflag:s12] =	ssyncadd.s32 $0xFFFFEC00  }
0x1d: {  	[tilespmem:s4], [sflag:$0x3] =	stream.linear.gather [hbm4b:s9+s4], $0x2800, $0x38;
	[tilespmem:$0x1D000] =	vst v63  }
0x1e: {  	_ =	swait.ge [sflag:s12], $0x2800  }
0x1f: {  	[sflag:s12] =	ssyncset.done $0x0  }
0x20: {  	[sflag:s12] =	ssyncadd.s32 $0xFFFFD800  }
0x21: {  	[bflag:$0x0] =	sbarrier.arrive $0xFFFF  }
0x22: {  	[tilespmem:s16], [sflag:$0x1] =	stream.indirect.gather [spmem:s3], $0x40, s4, s15, $0xb8;
	[tilespmem:$0x1D000] =	vst v63  }
0x23: {  	_ = 	snop  }
0x24: {  	[tilespmem:s17], [sflag:$0x2] =	stream.indirect.gather [spmem:s3], $0x40, s15, s15, $0xb8;
	[tilespmem:$0x1D000] =	vst v63  }
0x25: {  	_ =	swait.ge [sflag:s18], $0x2000  }
0x26: {  	[sflag:s18] =	ssyncset.done $0x0  }
0x27: {  	s24 =	simm.s32 $0x2800;
	[sflag:s18] =	ssyncadd.s32 $0xFFFFE000  }
0x28: {  	[spmem:s2] =	stream.indirect.scatter.add.f32 [tilespmem:s16], [sflag:$0x3], $0x40, s24, s15, $0xb8;
	[tilespmem:$0x1D000] =	vst v63  }
0x29: {  	_ =	swait.ge [sflag:s12], $0x2000  }
0x2a: {  	[sflag:s12] =	ssyncset.done $0x0  }
0x2b: {  	s30 =	simm.s32 $0x100;
	[sflag:s12] =	ssyncadd.s32 $0xFFFFE000  }
0x2c: {  	[tilespmem:s16], [sflag:$0x1] =	stream.indirect.gather [spmem:s3], $0x40, s30, s15, $0xb8;
	[tilespmem:$0x1D000] =	vst v63  }
0x2d: {  	_ =	swait.ge [sflag:s19], $0x2000  }
0x2e: {  	[sflag:s19] =	ssyncset.done $0x0  }
0x2f: {  	s31 =	simm.s32 $0x2880;
	[sflag:s19] =	ssyncadd.s32 $0xFFFFE000  }
0x30: {  	[spmem:s2] =	stream.indirect.scatter.add.f32 [tilespmem:s17], [sflag:$0x3], $0x40, s31, s15, $0xb8;
	[tilespmem:$0x1D000] =	vst v63  }
0x31: {  	_ =	swait.ge [sflag:s12], $0x2000  }
0x32: {  	[sflag:s12] =	ssyncset.done $0x0  }
0x33: {  	s25 =	simm.s32 $0x180;
	s24 =	simm.s32 $0x400;
	[sflag:s12] =	ssyncadd.s32 $0xFFFFE000  }
.LBB2_2:
0x34: {  	[tilespmem:s17], [sflag:$0x2] =	stream.indirect.gather [spmem:s3], $0x40, s25, s15, $0xb8;
	[tilespmem:$0x1D000] =	vst v63  }
0x35: {  	s25 =	smov.u32 s24  }
0x36: {  	p0 =	sne.s32 s24, $0x9800;
	s24 =	sadd.s32 $0x400, s24;
	_ =	swait.ge [sflag:s18], $0x2000  }
0x37: {  	s25 =	sshra.s32 s25, $0x2;
	[sflag:s18] =	ssyncset.done $0x0  }
0x38: {  	s26 =	sadd.s32 $0x2800, s25;
	[sflag:s18] =	ssyncadd.s32 $0xFFFFE000  }
0x39: {  	[spmem:s2] =	stream.indirect.scatter.add.f32 [tilespmem:s16], [sflag:$0x3], $0x40, s26, s15, $0xb8;
	[tilespmem:$0x1D000] =	vst v63  }
0x3a: {  	_ =	swait.ge [sflag:s12], $0x2000  }
0x3b: {  	[sflag:s12] =	ssyncset.done $0x0  }
0x3c: {  	s26 =	sadd.s32 $0x100, s25;
	[sflag:s12] =	ssyncadd.s32 $0xFFFFE000  }
0x3d: {  	[tilespmem:s16], [sflag:$0x1] =	stream.indirect.gather [spmem:s3], $0x40, s26, s15, $0xb8;
	[tilespmem:$0x1D000] =	vst v63  }
0x3e: {  	_ =	swait.ge [sflag:s19], $0x2000  }
0x3f: {  	[sflag:s19] =	ssyncset.done $0x0  }
.Ltmp0:
0x40: {  	s26 =	sadd.s32 $0x2880, s25;
	[sflag:s19] =	ssyncadd.s32 $0xFFFFE000;
	(pc) =	sbr.rel @p0 .LBB2_2-.Ltmp0, $4  }
0x41: {  	[spmem:s2] =	stream.indirect.scatter.add.f32 [tilespmem:s17], [sflag:$0x3], $0x40, s26, s15, $0xb8;
	[tilespmem:$0x1D000] =	vst v63  }
0x42: {  	_ =	swait.ge [sflag:s12], $0x2000  }
0x43: {  	[sflag:s12] =	ssyncset.done $0x0  }
0x44: {  	s25 =	sadd.s32 $0x180, s25;
	[sflag:s12] =	ssyncadd.s32 $0xFFFFE000  }
0x45: {  	[tilespmem:s17], [sflag:$0x2] =	stream.indirect.gather [spmem:s3], $0x40, s25, s15, $0xb8;
	[tilespmem:$0x1D000] =	vst v63  }
0x46: {  	_ =	swait.ge [sflag:s18], $0x2000  }
0x47: {  	[sflag:s18] =	ssyncset.done $0x0  }
0x48: {  	[sflag:s18] =	ssyncadd.s32 $0xFFFFE000  }
0x49: {  	[spmem:s2] =	stream.indirect.scatter.add.f32 [tilespmem:s16], [sflag:$0x3], $0x40, s20, s15, $0xb8;
	[tilespmem:$0x1D000] =	vst v63  }
0x4a: {  	_ =	swait.ge [sflag:s12], $0x2000  }
0x4b: {  	[sflag:s12] =	ssyncset.done $0x0  }
0x4c: {  	[sflag:s12] =	ssyncadd.s32 $0xFFFFE000  }
0x4d: {  	_ =	swait.ge [sflag:s19], $0x2000  }
0x4e: {  	[sflag:s19] =	ssyncset.done $0x0  }
0x4f: {  	[sflag:s19] =	ssyncadd.s32 $0xFFFFE000  }
0x50: {  	[spmem:s2] =	stream.indirect.scatter.add.f32 [tilespmem:s17], [sflag:$0x3], $0x40, s21, s15, $0xb8;
	[tilespmem:$0x1D000] =	vst v63  }
0x51: {  	_ =	swait.ge [sflag:s12], $0x2000  }
0x52: {  	s23 =	sadd.s32 $0x1, s23;
	[sflag:s12] =	ssyncset.done $0x0  }
0x53: {  	p0 =	sne.s32 s23, s10;
	[sflag:s12] =	ssyncadd.s32 $0xFFFFE000  }
.Ltmp1:
0x54: {  	[bflag:$0x0] =	sbarrier.arrive $0xFFFF;
	(pc) =	sbr.rel @p0 .LBB2_1-.Ltmp1, $4  }
0x55: {  	[hbm:s22], [sflag:s6] =	dma.local [spmem:s11], $0x1400  }
0x56: {  	_ =	swait.ge [sflag:s12], $0x1400  }
0x57: {  	[sflag:s12] =	ssyncset.done $0x0  }
0x58: {  	[sflag:s12] =	ssyncadd.s32 $0xFFFFEC00  }
0x59: {  	_ =	sfence.sel $0x180000  }
0x5a: {  	[bflag:$0x0] =	sbarrier.arrive $0xFFFF  }
0x5b: {  	p0 =	sne.s32 s0, $0x0;
	_ =	strace $0x90000050  }
0x5c: {  	s0 =	sadd.s32 @!p0 $0x100000, s1;
	[bflag:$0x2] =	sbarrier.arrive $0xFFFF  }
0x5d: {  	[sflag:s0] =	ssyncadd.tile.s32 @!p0 $0x1;
	_ =	shalt  }
.Lfunc_end2:
_tile_overlayer_lowered:
.L_overlay_start_2:
0x5e: {  	(tag) =	ssettag $0x2  }
0x5f: {  	s0 =	rddreg [dreg:$0x0];
	s2 =	stileid.u32  }
0x60: {  	s1 =	rddreg [dreg:$0x1];
	p0 =	sne.s32 s2, $0x0  }
0x61: {  	s3 =	rddreg [dreg:$0x2];
	[bflag:$0x3] =	sbarrier.arrive $0xFFFF;
	s2 =	simm.s32 @!p0 $0x1C03  }
0x62: {  	[timem:s3], [sflag:s2] =	dma.local @!p0 [hbm:s0], s1  }
0x63: {  	s0 =	simm.s32 @!p0 $0x3  }
0x64: {  	_ =	swait.ge @!p0 [sflag:s0], s1  }
0x65: {  	s1 =	ssub.s32 @!p0 $0x0, s1;
	[sflag:s0] =	ssyncset.done @!p0 $0x0  }
0x66: {  	[sflag:s0] =	ssyncadd.s32 @!p0 s1  }
0x67: {  	[bflag:$0x3] =	sbarrier.arrive $0xFFFF  }
0x68: {  	_ =	shalt  }

</sc_bundles>
